<compile_context>
chip_gen: v7x
topology: tpu7x:2x2x1
jax: 0.10.2.dev20260603
libtpu: 0.0.44.dev20260713+nightly
codegen_flags: <defaults>
</compile_context>

<pallas_src>
import functools

import jax
import jax.numpy as jnp
from jax import lax
from jax.experimental import pallas as pl
from jax.experimental.pallas import tpu as pltpu
from jax.experimental.pallas import tpu_sc as plsc

N_NODES_C = 10000
D_FEAT_C = 128
N_SEG = 64
SEG_PER_W = 2
CHUNK = 40
PAD_N = 10240


def _sc_body(x_hbm, batch_hbm, mean_hbm, batch_v, batch_sh, buf_a, buf_b, buf_c,
             buf_d, mean_v, sem_a, sem_b, sem_c, sem_d):
    sid = lax.axis_index("s")
    wid = sid * 2 + lax.axis_index("c")

    pad_vec = jnp.full((16,), 127, dtype=jnp.int32)

    @pl.when(sid == 0)
    def _():
        pltpu.sync_copy(batch_hbm, batch_sh)

    for i in range((PAD_N - N_NODES_C) // 16):
        batch_v[pl.ds(N_NODES_C + i * 16, 16)] = pad_vec
    plsc.subcore_barrier()
    pltpu.sync_copy(batch_sh, batch_v.at[pl.ds(0, N_NODES_C)])

    def count_lt(t):
        def step(_, lohi):
            lo, hi = lohi
            mid = lax.div(lo + hi, 2)
            last = batch_v[pl.ds(mid * 16, 16)][15]
            found = last >= t
            return jnp.where(found, lo, mid + 1), jnp.where(found, mid, hi)

        lo, _ = lax.fori_loop(0, 10, step, (jnp.int32(0), jnp.int32(PAD_N // 16)))
        v = batch_v[pl.ds(lo * 16, 16)]
        return lo * 16 + jnp.sum(jnp.where(v < t, 1, 0))

    t0 = (wid * 2).astype(jnp.int32)
    a_row = count_lt(t0)
    m_row = count_lt(t0 + 1)
    e_row = count_lt(t0 + 2)

    c_start = lax.div(a_row, CHUNK)
    c_end = lax.div(e_row + (CHUNK - 1), CHUNK)
    nc = c_end - c_start

    def issue(c, buf, sem):
        base = jnp.minimum(c * CHUNK, N_NODES_C - CHUNK)
        pltpu.async_copy(x_hbm.at[pl.ds(base, CHUNK)], buf, sem)

    def drain(buf, sem):
        pltpu.make_async_copy(x_hbm.at[pl.ds(0, CHUNK)], buf, sem).wait()

    def process(buf, c, acc):
        base = jnp.minimum(c * CHUNK, N_NODES_C - CHUNK)
        row_lo = jnp.maximum(a_row, c * CHUNK)
        row_hi = jnp.minimum(e_row, (c + 1) * CHUNK)
        mid = jnp.minimum(jnp.maximum(m_row, row_lo), row_hi)

        def row(i, a):
            return tuple(a[k] + buf[i, pl.ds(k * 16, 16)] for k in range(8))

        acc0 = lax.fori_loop(row_lo - base, mid - base, row, tuple(acc[:8]))
        acc1 = lax.fori_loop(mid - base, row_hi - base, row, tuple(acc[8:]))
        return acc0 + acc1

    slots = ((buf_a, sem_a), (buf_b, sem_b), (buf_c, sem_c), (buf_d, sem_d))

    @pl.when(nc > 0)
    def _():
        issue(c_start, buf_a, sem_a)
        issue(c_start + 1, buf_b, sem_b)
        issue(c_start + 2, buf_c, sem_c)

    def quad_body(g, acc):
        c0g = c_start + 4 * g
        for b in range(4):
            buf, sem = slots[b]
            nbuf, nsem = slots[(b + 3) % 4]
            drain(buf, sem)
            issue(c0g + b + 3, nbuf, nsem)
            acc = process(buf, c0g + b, acc)
        return acc

    acc_init = tuple(jnp.zeros((16,), jnp.float32) for _ in range(16))
    nquads = lax.div(nc + 3, 4)
    acc = lax.fori_loop(0, nquads, quad_body, acc_init)

    @pl.when(nc > 0)
    def _():
        drain(buf_a, sem_a)
        drain(buf_b, sem_b)
        drain(buf_c, sem_c)

    inv0 = jnp.maximum((m_row - a_row).astype(jnp.float32), 1.0)
    inv1 = jnp.maximum((e_row - m_row).astype(jnp.float32), 1.0)
    for k in range(8):
        mean_v[pl.ds(k * 16, 16)] = acc[k] / inv0
        mean_v[pl.ds(D_FEAT_C + k * 16, 16)] = acc[8 + k] / inv1

    pltpu.sync_copy(mean_v, mean_hbm.at[pl.ds(wid * SEG_PER_W * D_FEAT_C, SEG_PER_W * D_FEAT_C)])


_sc_pool = functools.partial(
    pl.kernel,
    out_type=jax.ShapeDtypeStruct((N_SEG * D_FEAT_C,), jnp.float32),
    mesh=plsc.VectorSubcoreMesh(core_axis_name="c", subcore_axis_name="s"),
    compiler_params=pltpu.CompilerParams(needs_layout_passes=False),
    scratch_types=[
        pltpu.VMEM((PAD_N,), jnp.int32),
        pltpu.VMEM_SHARED((N_NODES_C,), jnp.int32),
        pltpu.VMEM((CHUNK, D_FEAT_C), jnp.float32),
        pltpu.VMEM((CHUNK, D_FEAT_C), jnp.float32),
        pltpu.VMEM((CHUNK, D_FEAT_C), jnp.float32),
        pltpu.VMEM((CHUNK, D_FEAT_C), jnp.float32),
        pltpu.VMEM((SEG_PER_W * D_FEAT_C,), jnp.float32),
        pltpu.SemaphoreType.DMA,
        pltpu.SemaphoreType.DMA,
        pltpu.SemaphoreType.DMA,
        pltpu.SemaphoreType.DMA,
    ],
)(_sc_body)


def _mlp_body(u_ref, m_ref, w1_ref, b1_ref, w2_ref, b2_ref, o_ref):
    mean = m_ref[...].reshape(N_SEG, D_FEAT_C)
    n_global = u_ref.shape[1]
    w1u = w1_ref[0:n_global, :]
    w1x = w1_ref[n_global:, :]
    h = (
        jnp.dot(u_ref[...], w1u, preferred_element_type=jnp.float32)
        + jnp.dot(mean, w1x, preferred_element_type=jnp.float32)
        + b1_ref[...].reshape(1, -1)
    )
    h = jnp.maximum(h, 0.0)
    o_ref[...] = (
        jnp.dot(h, w2_ref[...], preferred_element_type=jnp.float32)
        + b2_ref[...].reshape(1, -1)
    )


def kernel(x, edge_index, edge_attr, u, batch, W1, b1, W2, b2):
    del edge_index, edge_attr
    mean_flat = _sc_pool(x, batch)
    out = pl.pallas_call(
        _mlp_body,
        out_shape=jax.ShapeDtypeStruct((u.shape[0], W2.shape[1]), jnp.float32),
    )(u, mean_flat, W1, b1, W2, b2)
    return out

# --- scband reference (transcript-rebuilt; emitter-appended) ---
"""Pipeline reference for scband-global-model-14912126452493 (READ-ONLY COPY).

The authoritative reference and input builder live on the scoring server;
editing this copy changes nothing except your own understanding.
"""

import jax, jax.numpy as jnp
import numpy as np

N_NODES = 10000
N_EDGES = 320000
D_FEAT = 128
D_EDGE = 4
N_GRAPHS = 64
N_GLOBAL = 32
HIDDENS = 256
N_TARGETS = 32


def setup_inputs(seed: int = 0) -> dict:
    key = jax.random.key(seed)
    ks = jax.random.split(key, 9)
    x = jax.random.normal(ks[0], (N_NODES, D_FEAT), dtype=jnp.float32)
    edge_index = jax.random.randint(ks[1], (2, N_EDGES), 0, N_NODES, dtype=jnp.int32)
    edge_attr = jax.random.normal(ks[2], (N_EDGES, D_EDGE), dtype=jnp.float32)
    u = jax.random.normal(ks[3], (N_GRAPHS, N_GLOBAL), dtype=jnp.float32)
    batch = jnp.sort(jax.random.randint(ks[4], (N_NODES,), 0, N_GRAPHS, dtype=jnp.int32))
    # MLP params: Linear(n_global + n_node -> hiddens), ReLU, Linear(hiddens -> n_targets)
    W1 = jax.random.normal(ks[5], (N_GLOBAL + D_FEAT, HIDDENS), dtype=jnp.float32) * 0.05
    b1 = jnp.zeros((HIDDENS,), dtype=jnp.float32)
    W2 = jax.random.normal(ks[6], (HIDDENS, N_TARGETS), dtype=jnp.float32) * 0.05
    b2 = jnp.zeros((N_TARGETS,), dtype=jnp.float32)
    return {"x": x, "edge_index": edge_index, "edge_attr": edge_attr, "u": u,
            "batch": batch, "W1": W1, "b1": b1, "W2": W2, "b2": b2}


def reference(x, edge_index, edge_attr, u, batch, W1, b1, W2, b2):
    # scatter_mean(x, batch, dim=0): per-graph mean pooling of node features
    sums = jax.ops.segment_sum(x, batch, num_segments=N_GRAPHS)
    counts = jax.ops.segment_sum(jnp.ones((x.shape[0], 1), dtype=x.dtype), batch,
                                 num_segments=N_GRAPHS)
    mean = sums / jnp.clip(counts, 1.0, None)
    # u is provided -> concatenate [u, pooled]
    out = jnp.concatenate([u, mean], axis=1)
    h = jnp.maximum(out @ W1 + b1, 0.0)
    return h @ W2 + b2

if __name__ == "__main__":
    import jax
    _d = setup_inputs()
    print(jax.jit(kernel)(*tuple(_d.values())))

</pallas_src>

<mosaic_0001>
#map = affine_map<(d0, d1) -> (0, 0)>
#map1 = affine_map<(d0, d1) -> (0)>
module attributes {stable_mosaic.version = 14 : i64} {
  func.func @_sc_body(%arg0: i32, %arg1: i32, %arg2: memref<10000x128xf32, #tpu.memory_space<hbm>>, %arg3: memref<10000xi32, #tpu.memory_space<hbm>>, %arg4: memref<8192xf32, #tpu.memory_space<hbm>>, %arg5: memref<10240xi32, #tpu.memory_space<vmem>>, %arg6: memref<10000xi32, #tpu.memory_space<vmem_shared>>, %arg7: memref<40x128xf32, #tpu.memory_space<vmem>>, %arg8: memref<40x128xf32, #tpu.memory_space<vmem>>, %arg9: memref<40x128xf32, #tpu.memory_space<vmem>>, %arg10: memref<40x128xf32, #tpu.memory_space<vmem>>, %arg11: memref<256xf32, #tpu.memory_space<vmem>>, %arg12: memref<!tpu.dma_semaphore, #tpu.memory_space<semaphore_mem>>, %arg13: memref<!tpu.dma_semaphore, #tpu.memory_space<semaphore_mem>>, %arg14: memref<!tpu.dma_semaphore, #tpu.memory_space<semaphore_mem>>, %arg15: memref<!tpu.dma_semaphore, #tpu.memory_space<semaphore_mem>>) attributes {dimension_semantics = [#tpu.dimension_semantics<core_parallel>, #tpu.dimension_semantics<subcore_parallel>], iteration_bounds = array<i64: 2, 16>, scalar_prefetch = 0 : i64, scratch_operands = 11 : i64, tpu.core_type = #tpu.core_type<sc_vector_subcore>, window_params = [{transform_indices = #map}, {transform_indices = #map1}, {transform_indices = #map1}]} {
    %mul3A = arith.constant 2 : i32
    %mul3A_0 = arith.muli %arg1, %mul3A : i32
    %add3A = arith.addi %mul3A_0, %arg0 : i32
    %broadcast_in_dim3A = arith.constant 127 : i32
    %broadcast_in_dim3A_1 = vector.broadcast %broadcast_in_dim3A : i32 to vector<16xi32>
    %eq3A = arith.constant 0 : i32
    %eq3A_2 = arith.cmpi eq, %arg1, %eq3A : i32
    %convert_element_type3A = arith.extui %eq3A_2 : i1 to i32
    %cond3A = arith.constant 0 : i32
    %cond3A_3 = arith.cmpi ne, %convert_element_type3A, %cond3A : i32
    scf.if %cond3A_3 {
      "tpu.region"() ({
        %run_scoped3A = tpu.sem_alloc : memref<!tpu.dma_semaphore, #tpu.memory_space<semaphore_mem>>
        tpu.enqueue_dma source(%arg3 : memref<10000xi32, #tpu.memory_space<hbm>>) target(%arg6 : memref<10000xi32, #tpu.memory_space<vmem_shared>>) target_semaphore(%run_scoped3A : memref<!tpu.dma_semaphore, #tpu.memory_space<semaphore_mem>>)
        tpu.wait_dma2 semaphore(%run_scoped3A : memref<!tpu.dma_semaphore, #tpu.memory_space<semaphore_mem>>) src(%arg3 : memref<10000xi32, #tpu.memory_space<hbm>>) dst(%arg6 : memref<10000xi32, #tpu.memory_space<vmem_shared>>)
        tpu.yield
      }) : () -> ()
    } else {
    }
    %swap3A = arith.constant 10000 : index
    %swap3A_4 = tpu.vector_load %arg5[%swap3A] {strides = array<i32>} : memref<10240xi32, #tpu.memory_space<vmem>>, vector<16xi32>,
    tpu.vector_store %arg5[%swap3A], %broadcast_in_dim3A_1 {strides = array<i32>} : memref<10240xi32, #tpu.memory_space<vmem>>, vector<16xi32>,
    %swap3A_5 = arith.constant 10016 : index
    %swap3A_6 = tpu.vector_load %arg5[%swap3A_5] {strides = array<i32>} : memref<10240xi32, #tpu.memory_space<vmem>>, vector<16xi32>,
    tpu.vector_store %arg5[%swap3A_5], %broadcast_in_dim3A_1 {strides = array<i32>} : memref<10240xi32, #tpu.memory_space<vmem>>, vector<16xi32>,
    %swap3A_7 = arith.constant 10032 : index
    %swap3A_8 = tpu.vector_load %arg5[%swap3A_7] {strides = array<i32>} : memref<10240xi32, #tpu.memory_space<vmem>>, vector<16xi32>,
    tpu.vector_store %arg5[%swap3A_7], %broadcast_in_dim3A_1 {strides = array<i32>} : memref<10240xi32, #tpu.memory_space<vmem>>, vector<16xi32>,
    %swap3A_9 = arith.constant 10048 : index
    %swap3A_10 = tpu.vector_load %arg5[%swap3A_9] {strides = array<i32>} : memref<10240xi32, #tpu.memory_space<vmem>>, vector<16xi32>,
    tpu.vector_store %arg5[%swap3A_9], %broadcast_in_dim3A_1 {strides = array<i32>} : memref<10240xi32, #tpu.memory_space<vmem>>, vector<16xi32>,
    %swap3A_11 = arith.constant 10064 : index
    %swap3A_12 = tpu.vector_load %arg5[%swap3A_11] {strides = array<i32>} : memref<10240xi32, #tpu.memory_space<vmem>>, vector<16xi32>,
    tpu.vector_store %arg5[%swap3A_11], %broadcast_in_dim3A_1 {strides = array<i32>} : memref<10240xi32, #tpu.memory_space<vmem>>, vector<16xi32>,
    %swap3A_13 = arith.constant 10080 : index
    %swap3A_14 = tpu.vector_load %arg5[%swap3A_13] {strides = array<i32>} : memref<10240xi32, #tpu.memory_space<vmem>>, vector<16xi32>,
    tpu.vector_store %arg5[%swap3A_13], %broadcast_in_dim3A_1 {strides = array<i32>} : memref<10240xi32, #tpu.memory_space<vmem>>, vector<16xi32>,
    %swap3A_15 = arith.constant 10096 : index
    %swap3A_16 = tpu.vector_load %arg5[%swap3A_15] {strides = array<i32>} : memref<10240xi32, #tpu.memory_space<vmem>>, vector<16xi32>,
    tpu.vector_store %arg5[%swap3A_15], %broadcast_in_dim3A_1 {strides = array<i32>} : memref<10240xi32, #tpu.memory_space<vmem>>, vector<16xi32>,
    %swap3A_17 = arith.constant 10112 : index
    %swap3A_18 = tpu.vector_load %arg5[%swap3A_17] {strides = array<i32>} : memref<10240xi32, #tpu.memory_space<vmem>>, vector<16xi32>,
    tpu.vector_store %arg5[%swap3A_17], %broadcast_in_dim3A_1 {strides = array<i32>} : memref<10240xi32, #tpu.memory_space<vmem>>, vector<16xi32>,
    %swap3A_19 = arith.constant 10128 : index
    %swap3A_20 = tpu.vector_load %arg5[%swap3A_19] {strides = array<i32>} : memref<10240xi32, #tpu.memory_space<vmem>>, vector<16xi32>,
    tpu.vector_store %arg5[%swap3A_19], %broadcast_in_dim3A_1 {strides = array<i32>} : memref<10240xi32, #tpu.memory_space<vmem>>, vector<16xi32>,
    %swap3A_21 = arith.constant 10144 : index
    %swap3A_22 = tpu.vector_load %arg5[%swap3A_21] {strides = array<i32>} : memref<10240xi32, #tpu.memory_space<vmem>>, vector<16xi32>,
    tpu.vector_store %arg5[%swap3A_21], %broadcast_in_dim3A_1 {strides = array<i32>} : memref<10240xi32, #tpu.memory_space<vmem>>, vector<16xi32>,
    %swap3A_23 = arith.constant 10160 : index
    %swap3A_24 = tpu.vector_load %arg5[%swap3A_23] {strides = array<i32>} : memref<10240xi32, #tpu.memory_space<vmem>>, vector<16xi32>,
    tpu.vector_store %arg5[%swap3A_23], %broadcast_in_dim3A_1 {strides = array<i32>} : memref<10240xi32, #tpu.memory_space<vmem>>, vector<16xi32>,
    %swap3A_25 = arith.constant 10176 : index
    %swap3A_26 = tpu.vector_load %arg5[%swap3A_25] {strides = array<i32>} : memref<10240xi32, #tpu.memory_space<vmem>>, vector<16xi32>,
    tpu.vector_store %arg5[%swap3A_25], %broadcast_in_dim3A_1 {strides = array<i32>} : memref<10240xi32, #tpu.memory_space<vmem>>, vector<16xi32>,
    %swap3A_27 = arith.constant 10192 : index
    %swap3A_28 = tpu.vector_load %arg5[%swap3A_27] {strides = array<i32>} : memref<10240xi32, #tpu.memory_space<vmem>>, vector<16xi32>,
    tpu.vector_store %arg5[%swap3A_27], %broadcast_in_dim3A_1 {strides = array<i32>} : memref<10240xi32, #tpu.memory_space<vmem>>, vector<16xi32>,
    %swap3A_29 = arith.constant 10208 : index
    %swap3A_30 = tpu.vector_load %arg5[%swap3A_29] {strides = array<i32>} : memref<10240xi32, #tpu.memory_space<vmem>>, vector<16xi32>,
    tpu.vector_store %arg5[%swap3A_29], %broadcast_in_dim3A_1 {strides = array<i32>} : memref<10240xi32, #tpu.memory_space<vmem>>, vector<16xi32>,
    %swap3A_31 = arith.constant 10224 : index
    %swap3A_32 = tpu.vector_load %arg5[%swap3A_31] {strides = array<i32>} : memref<10240xi32, #tpu.memory_space<vmem>>, vector<16xi32>,
    tpu.vector_store %arg5[%swap3A_31], %broadcast_in_dim3A_1 {strides = array<i32>} : memref<10240xi32, #tpu.memory_space<vmem>>, vector<16xi32>,
    %barrier3A = arith.constant 0 : index
    tpu.barrier barrier_id(%barrier3A)
    "tpu.region"() ({
      %run_scoped3A = tpu.sem_alloc : memref<!tpu.dma_semaphore, #tpu.memory_space<semaphore_mem>>
      %dma_start3A = arith.constant 0 : i32
      %dma_start3A_246 = tpu.memref_slice %arg5[%dma_start3A] : memref<10240xi32, #tpu.memory_space<vmem>> -> memref<10000xi32, #tpu.memory_space<vmem>>
      %dma_start3A_247 = arith.constant 0 : i32
      %dma_start3A_248 = tpu.memref_slice %arg5[%dma_start3A_247] : memref<10240xi32, #tpu.memory_space<vmem>> -> memref<10000xi32, #tpu.memory_space<vmem>>
      tpu.enqueue_dma source(%arg6 : memref<10000xi32, #tpu.memory_space<vmem_shared>>) target(%dma_start3A_248 : memref<10000xi32, #tpu.memory_space<vmem>>) target_semaphore(%run_scoped3A : memref<!tpu.dma_semaphore, #tpu.memory_space<semaphore_mem>>)
      %dma_wait3A = arith.constant 0 : i32
      %dma_wait3A_249 = tpu.memref_slice %arg5[%dma_wait3A] : memref<10240xi32, #tpu.memory_space<vmem>> -> memref<10000xi32, #tpu.memory_space<vmem>>
      %dma_wait3A_250 = arith.constant 0 : i32
      %dma_wait3A_251 = tpu.memref_slice %arg5[%dma_wait3A_250] : memref<10240xi32, #tpu.memory_space<vmem>> -> memref<10000xi32, #tpu.memory_space<vmem>>
      tpu.wait_dma2 semaphore(%run_scoped3A : memref<!tpu.dma_semaphore, #tpu.memory_space<semaphore_mem>>) src(%arg6 : memref<10000xi32, #tpu.memory_space<vmem_shared>>) dst(%dma_wait3A_251 : memref<10000xi32, #tpu.memory_space<vmem>>)
      tpu.yield
    }) : () -> ()
    %mul3A_33 = arith.constant 2 : i32
    %mul3A_34 = arith.muli %add3A, %mul3A_33 : i32
    %scan3A = arith.constant 0 : i32
    %scan3A_35 = arith.constant 640 : i32
    %scan3A_36 = arith.constant 0 : i32
    %scan3A_37 = arith.constant 10 : i32
    %scan3A_38 = arith.addi %scan3A_36, %scan3A_37 : i32
    %scan3A_39 = arith.constant 1 : i32
    %scan3A_40:2 = scf.for %scan3A_246 = %scan3A_36 to %scan3A_38 step %scan3A_39 iter_args(%scan3A_247 = %scan3A, %scan3A_248 = %scan3A_35) -> (i32, i32)  : i32 {
      %add3A_249 = arith.addi %scan3A_247, %scan3A_248 : i32
      %div3A_250 = arith.constant 2 : i32
      %div3A_251 = arith.divsi %add3A_249, %div3A_250 : i32
      %mul3A_252 = arith.constant 16 : i32
      %mul3A_253 = arith.muli %div3A_251, %mul3A_252 : i32
      %get3A_254 = arith.index_cast %mul3A_253 : i32 to index
      %get3A_255 = tpu.vector_load %arg5[%get3A_254] {strides = array<i32>} : memref<10240xi32, #tpu.memory_space<vmem>>, vector<16xi32>,
      %slice3A = vector.extract_strided_slice %get3A_255 {offsets = [15], sizes = [1], strides = [1]} : vector<16xi32> to vector<1xi32>
      %squeeze3A = vector.extract %slice3A[0] : i32 from vector<1xi32>
      %ge3A = arith.cmpi sge, %squeeze3A, %mul3A_34 : i32
      %add3A_256 = arith.constant 1 : i32
      %add3A_257 = arith.addi %div3A_251, %add3A_256 : i32
      %select_n3A_258 = arith.select %ge3A, %scan3A_247, %add3A_257 : i32
      %select_n3A_259 = arith.select %ge3A, %div3A_251, %scan3A_248 : i32
      scf.yield %select_n3A_258, %select_n3A_259 : i32, i32
    }
    %scan3A_41 = arith.constant 10 : i32
    %mul3A_42 = arith.constant 16 : i32
    %mul3A_43 = arith.muli %scan3A_40#0, %mul3A_42 : i32
    %get3A = arith.index_cast %mul3A_43 : i32 to index
    %get3A_44 = tpu.vector_load %arg5[%get3A] {strides = array<i32>} : memref<10240xi32, #tpu.memory_space<vmem>>, vector<16xi32>,
    %mul3A_45 = arith.constant 16 : i32
    %mul3A_46 = arith.muli %scan3A_40#0, %mul3A_45 : i32
    %lt3A = vector.broadcast %mul3A_34 : i32 to vector<16xi32>
    %lt3A_47 = arith.cmpi slt, %get3A_44, %lt3A : vector<16xi32>
    %jit3A = arith.constant 1 : i32
    %jit3A_48 = arith.constant 0 : i32
    %broadcast_in_dim3A_49 = vector.broadcast %jit3A : i32 to vector<16xi32>
    %broadcast_in_dim3A_50 = vector.broadcast %jit3A_48 : i32 to vector<16xi32>
    %select_n3A = arith.select %lt3A_47, %broadcast_in_dim3A_49, %broadcast_in_dim3A_50 : vector<16xi1>, vector<16xi32>
    %reduce_sum3A = arith.constant true
    %reduce_sum3A_51 = vector.broadcast %reduce_sum3A : i1 to vector<16xi1>
    %reduce_sum3A_52 = tpu.scan <sum>, %select_n3A masked %reduce_sum3A_51 : vector<16xi32>, vector<16xi1> -> vector<16xi32>
    %reduce_sum3A_53 = vector.extract %reduce_sum3A_52[15] : i32 from vector<16xi32>
    %add3A_54 = arith.addi %mul3A_46, %reduce_sum3A_53 : i32
    %add3A_55 = arith.constant 1 : i32
    %add3A_56 = arith.addi %mul3A_34, %add3A_55 : i32
    %scan3A_57 = arith.constant 0 : i32
    %scan3A_58 = arith.constant 640 : i32
    %scan3A_59 = arith.constant 0 : i32
    %scan3A_60 = arith.constant 10 : i32
    %scan3A_61 = arith.addi %scan3A_59, %scan3A_60 : i32
    %scan3A_62 = arith.constant 1 : i32
    %scan3A_63:2 = scf.for %scan3A_246 = %scan3A_59 to %scan3A_61 step %scan3A_62 iter_args(%scan3A_247 = %scan3A_57, %scan3A_248 = %scan3A_58) -> (i32, i32)  : i32 {
      %add3A_249 = arith.addi %scan3A_247, %scan3A_248 : i32
      %div3A_250 = arith.constant 2 : i32
      %div3A_251 = arith.divsi %add3A_249, %div3A_250 : i32
      %mul3A_252 = arith.constant 16 : i32
      %mul3A_253 = arith.muli %div3A_251, %mul3A_252 : i32
      %get3A_254 = arith.index_cast %mul3A_253 : i32 to index
      %get3A_255 = tpu.vector_load %arg5[%get3A_254] {strides = array<i32>} : memref<10240xi32, #tpu.memory_space<vmem>>, vector<16xi32>,
      %slice3A = vector.extract_strided_slice %get3A_255 {offsets = [15], sizes = [1], strides = [1]} : vector<16xi32> to vector<1xi32>
      %squeeze3A = vector.extract %slice3A[0] : i32 from vector<1xi32>
      %ge3A = arith.cmpi sge, %squeeze3A, %add3A_56 : i32
      %add3A_256 = arith.constant 1 : i32
      %add3A_257 = arith.addi %div3A_251, %add3A_256 : i32
      %select_n3A_258 = arith.select %ge3A, %scan3A_247, %add3A_257 : i32
      %select_n3A_259 = arith.select %ge3A, %div3A_251, %scan3A_248 : i32
      scf.yield %select_n3A_258, %select_n3A_259 : i32, i32
    }
    %scan3A_64 = arith.constant 10 : i32
    %mul3A_65 = arith.constant 16 : i32
    %mul3A_66 = arith.muli %scan3A_63#0, %mul3A_65 : i32
    %get3A_67 = arith.index_cast %mul3A_66 : i32 to index
    %get3A_68 = tpu.vector_load %arg5[%get3A_67] {strides = array<i32>} : memref<10240xi32, #tpu.memory_space<vmem>>, vector<16xi32>,
    %mul3A_69 = arith.constant 16 : i32
    %mul3A_70 = arith.muli %scan3A_63#0, %mul3A_69 : i32
    %lt3A_71 = vector.broadcast %add3A_56 : i32 to vector<16xi32>
    %lt3A_72 = arith.cmpi slt, %get3A_68, %lt3A_71 : vector<16xi32>
    %jit3A_73 = arith.constant 1 : i32
    %jit3A_74 = arith.constant 0 : i32
    %broadcast_in_dim3A_75 = vector.broadcast %jit3A_73 : i32 to vector<16xi32>
    %broadcast_in_dim3A_76 = vector.broadcast %jit3A_74 : i32 to vector<16xi32>
    %select_n3A_77 = arith.select %lt3A_72, %broadcast_in_dim3A_75, %broadcast_in_dim3A_76 : vector<16xi1>, vector<16xi32>
    %reduce_sum3A_78 = arith.constant true
    %reduce_sum3A_79 = vector.broadcast %reduce_sum3A_78 : i1 to vector<16xi1>
    %reduce_sum3A_80 = tpu.scan <sum>, %select_n3A_77 masked %reduce_sum3A_79 : vector<16xi32>, vector<16xi1> -> vector<16xi32>
    %reduce_sum3A_81 = vector.extract %reduce_sum3A_80[15] : i32 from vector<16xi32>
    %add3A_82 = arith.addi %mul3A_70, %reduce_sum3A_81 : i32
    %add3A_83 = arith.constant 2 : i32
    %add3A_84 = arith.addi %mul3A_34, %add3A_83 : i32
    %scan3A_85 = arith.constant 0 : i32
    %scan3A_86 = arith.constant 640 : i32
    %scan3A_87 = arith.constant 0 : i32
    %scan3A_88 = arith.constant 10 : i32
    %scan3A_89 = arith.addi %scan3A_87, %scan3A_88 : i32
    %scan3A_90 = arith.constant 1 : i32
    %scan3A_91:2 = scf.for %scan3A_246 = %scan3A_87 to %scan3A_89 step %scan3A_90 iter_args(%scan3A_247 = %scan3A_85, %scan3A_248 = %scan3A_86) -> (i32, i32)  : i32 {
      %add3A_249 = arith.addi %scan3A_247, %scan3A_248 : i32
      %div3A_250 = arith.constant 2 : i32
      %div3A_251 = arith.divsi %add3A_249, %div3A_250 : i32
      %mul3A_252 = arith.constant 16 : i32
      %mul3A_253 = arith.muli %div3A_251, %mul3A_252 : i32
      %get3A_254 = arith.index_cast %mul3A_253 : i32 to index
      %get3A_255 = tpu.vector_load %arg5[%get3A_254] {strides = array<i32>} : memref<10240xi32, #tpu.memory_space<vmem>>, vector<16xi32>,
      %slice3A = vector.extract_strided_slice %get3A_255 {offsets = [15], sizes = [1], strides = [1]} : vector<16xi32> to vector<1xi32>
      %squeeze3A = vector.extract %slice3A[0] : i32 from vector<1xi32>
      %ge3A = arith.cmpi sge, %squeeze3A, %add3A_84 : i32
      %add3A_256 = arith.constant 1 : i32
      %add3A_257 = arith.addi %div3A_251, %add3A_256 : i32
      %select_n3A_258 = arith.select %ge3A, %scan3A_247, %add3A_257 : i32
      %select_n3A_259 = arith.select %ge3A, %div3A_251, %scan3A_248 : i32
      scf.yield %select_n3A_258, %select_n3A_259 : i32, i32
    }
    %scan3A_92 = arith.constant 10 : i32
    %mul3A_93 = arith.constant 16 : i32
    %mul3A_94 = arith.muli %scan3A_91#0, %mul3A_93 : i32
    %get3A_95 = arith.index_cast %mul3A_94 : i32 to index
    %get3A_96 = tpu.vector_load %arg5[%get3A_95] {strides = array<i32>} : memref<10240xi32, #tpu.memory_space<vmem>>, vector<16xi32>,
    %mul3A_97 = arith.constant 16 : i32
    %mul3A_98 = arith.muli %scan3A_91#0, %mul3A_97 : i32
    %lt3A_99 = vector.broadcast %add3A_84 : i32 to vector<16xi32>
    %lt3A_100 = arith.cmpi slt, %get3A_96, %lt3A_99 : vector<16xi32>
    %jit3A_101 = arith.constant 1 : i32
    %jit3A_102 = arith.constant 0 : i32
    %broadcast_in_dim3A_103 = vector.broadcast %jit3A_101 : i32 to vector<16xi32>
    %broadcast_in_dim3A_104 = vector.broadcast %jit3A_102 : i32 to vector<16xi32>
    %select_n3A_105 = arith.select %lt3A_100, %broadcast_in_dim3A_103, %broadcast_in_dim3A_104 : vector<16xi1>, vector<16xi32>
    %reduce_sum3A_106 = arith.constant true
    %reduce_sum3A_107 = vector.broadcast %reduce_sum3A_106 : i1 to vector<16xi1>
    %reduce_sum3A_108 = tpu.scan <sum>, %select_n3A_105 masked %reduce_sum3A_107 : vector<16xi32>, vector<16xi1> -> vector<16xi32>
    %reduce_sum3A_109 = vector.extract %reduce_sum3A_108[15] : i32 from vector<16xi32>
    %add3A_110 = arith.addi %mul3A_98, %reduce_sum3A_109 : i32
    %div3A = arith.constant 40 : i32
    %div3A_111 = arith.divsi %add3A_54, %div3A : i32
    %add3A_112 = arith.constant 39 : i32
    %add3A_113 = arith.addi %add3A_110, %add3A_112 : i32
    %div3A_114 = arith.constant 40 : i32
    %div3A_115 = arith.divsi %add3A_113, %div3A_114 : i32
    %sub3A = arith.subi %div3A_115, %div3A_111 : i32
    %gt3A = arith.constant 0 : i32
    %gt3A_116 = arith.cmpi sgt, %sub3A, %gt3A : i32
    %convert_element_type3A_117 = arith.extui %gt3A_116 : i1 to i32
    %cond3A_118 = arith.constant 0 : i32
    %cond3A_119 = arith.cmpi ne, %convert_element_type3A_117, %cond3A_118 : i32
    scf.if %cond3A_119 {
      %mul3A_246 = arith.constant 40 : i32
      %mul3A_247 = arith.muli %div3A_111, %mul3A_246 : i32
      %min3A = arith.constant 9960 : i32
      %min3A_248 = arith.minsi %mul3A_247, %min3A : i32
      %dma_start3A = arith.constant 0 : i32
      %dma_start3A_249 = tpu.memref_slice %arg2[%min3A_248, %dma_start3A] : memref<10000x128xf32, #tpu.memory_space<hbm>> -> memref<40x128xf32, #tpu.memory_space<hbm>>
      %dma_start3A_250 = arith.constant 0 : i32
      %dma_start3A_251 = tpu.memref_slice %arg2[%min3A_248, %dma_start3A_250] : memref<10000x128xf32, #tpu.memory_space<hbm>> -> memref<40x128xf32, #tpu.memory_space<hbm>>
      tpu.enqueue_dma source(%dma_start3A_251 : memref<40x128xf32, #tpu.memory_space<hbm>>) target(%arg7 : memref<40x128xf32, #tpu.memory_space<vmem>>) target_semaphore(%arg12 : memref<!tpu.dma_semaphore, #tpu.memory_space<semaphore_mem>>)
      %add3A_252 = arith.constant 1 : i32
      %add3A_253 = arith.addi %div3A_111, %add3A_252 : i32
      %mul3A_254 = arith.constant 40 : i32
      %mul3A_255 = arith.muli %add3A_253, %mul3A_254 : i32
      %min3A_256 = arith.constant 9960 : i32
      %min3A_257 = arith.minsi %mul3A_255, %min3A_256 : i32
      %dma_start3A_258 = arith.constant 0 : i32
      %dma_start3A_259 = tpu.memref_slice %arg2[%min3A_257, %dma_start3A_258] : memref<10000x128xf32, #tpu.memory_space<hbm>> -> memref<40x128xf32, #tpu.memory_space<hbm>>
      %dma_start3A_260 = arith.constant 0 : i32
      %dma_start3A_261 = tpu.memref_slice %arg2[%min3A_257, %dma_start3A_260] : memref<10000x128xf32, #tpu.memory_space<hbm>> -> memref<40x128xf32, #tpu.memory_space<hbm>>
      tpu.enqueue_dma source(%dma_start3A_261 : memref<40x128xf32, #tpu.memory_space<hbm>>) target(%arg8 : memref<40x128xf32, #tpu.memory_space<vmem>>) target_semaphore(%arg13 : memref<!tpu.dma_semaphore, #tpu.memory_space<semaphore_mem>>)
      %add3A_262 = arith.constant 2 : i32
      %add3A_263 = arith.addi %div3A_111, %add3A_262 : i32
      %mul3A_264 = arith.constant 40 : i32
      %mul3A_265 = arith.muli %add3A_263, %mul3A_264 : i32
      %min3A_266 = arith.constant 9960 : i32
      %min3A_267 = arith.minsi %mul3A_265, %min3A_266 : i32
      %dma_start3A_268 = arith.constant 0 : i32
      %dma_start3A_269 = tpu.memref_slice %arg2[%min3A_267, %dma_start3A_268] : memref<10000x128xf32, #tpu.memory_space<hbm>> -> memref<40x128xf32, #tpu.memory_space<hbm>>
      %dma_start3A_270 = arith.constant 0 : i32
      %dma_start3A_271 = tpu.memref_slice %arg2[%min3A_267, %dma_start3A_270] : memref<10000x128xf32, #tpu.memory_space<hbm>> -> memref<40x128xf32, #tpu.memory_space<hbm>>
      tpu.enqueue_dma source(%dma_start3A_271 : memref<40x128xf32, #tpu.memory_space<hbm>>) target(%arg9 : memref<40x128xf32, #tpu.memory_space<vmem>>) target_semaphore(%arg14 : memref<!tpu.dma_semaphore, #tpu.memory_space<semaphore_mem>>)
    } else {
    }
    %broadcast_in_dim3A_120 = arith.constant 0.000000e+00 : f32
    %broadcast_in_dim3A_121 = vector.broadcast %broadcast_in_dim3A_120 : f32 to vector<16xf32>
    %broadcast_in_dim3A_122 = arith.constant 0.000000e+00 : f32
    %broadcast_in_dim3A_123 = vector.broadcast %broadcast_in_dim3A_122 : f32 to vector<16xf32>
    %broadcast_in_dim3A_124 = arith.constant 0.000000e+00 : f32
    %broadcast_in_dim3A_125 = vector.broadcast %broadcast_in_dim3A_124 : f32 to vector<16xf32>
    %broadcast_in_dim3A_126 = arith.constant 0.000000e+00 : f32
    %broadcast_in_dim3A_127 = vector.broadcast %broadcast_in_dim3A_126 : f32 to vector<16xf32>
    %broadcast_in_dim3A_128 = arith.constant 0.000000e+00 : f32
    %broadcast_in_dim3A_129 = vector.broadcast %broadcast_in_dim3A_128 : f32 to vector<16xf32>
    %broadcast_in_dim3A_130 = arith.constant 0.000000e+00 : f32
    %broadcast_in_dim3A_131 = vector.broadcast %broadcast_in_dim3A_130 : f32 to vector<16xf32>
    %broadcast_in_dim3A_132 = arith.constant 0.000000e+00 : f32
    %broadcast_in_dim3A_133 = vector.broadcast %broadcast_in_dim3A_132 : f32 to vector<16xf32>
    %broadcast_in_dim3A_134 = arith.constant 0.000000e+00 : f32
    %broadcast_in_dim3A_135 = vector.broadcast %broadcast_in_dim3A_134 : f32 to vector<16xf32>
    %broadcast_in_dim3A_136 = arith.constant 0.000000e+00 : f32
    %broadcast_in_dim3A_137 = vector.broadcast %broadcast_in_dim3A_136 : f32 to vector<16xf32>
    %broadcast_in_dim3A_138 = arith.constant 0.000000e+00 : f32
    %broadcast_in_dim3A_139 = vector.broadcast %broadcast_in_dim3A_138 : f32 to vector<16xf32>
    %broadcast_in_dim3A_140 = arith.constant 0.000000e+00 : f32
    %broadcast_in_dim3A_141 = vector.broadcast %broadcast_in_dim3A_140 : f32 to vector<16xf32>
    %broadcast_in_dim3A_142 = arith.constant 0.000000e+00 : f32
    %broadcast_in_dim3A_143 = vector.broadcast %broadcast_in_dim3A_142 : f32 to vector<16xf32>
    %broadcast_in_dim3A_144 = arith.constant 0.000000e+00 : f32
    %broadcast_in_dim3A_145 = vector.broadcast %broadcast_in_dim3A_144 : f32 to vector<16xf32>
    %broadcast_in_dim3A_146 = arith.constant 0.000000e+00 : f32
    %broadcast_in_dim3A_147 = vector.broadcast %broadcast_in_dim3A_146 : f32 to vector<16xf32>
    %broadcast_in_dim3A_148 = arith.constant 0.000000e+00 : f32
    %broadcast_in_dim3A_149 = vector.broadcast %broadcast_in_dim3A_148 : f32 to vector<16xf32>
    %broadcast_in_dim3A_150 = arith.constant 0.000000e+00 : f32
    %broadcast_in_dim3A_151 = vector.broadcast %broadcast_in_dim3A_150 : f32 to vector<16xf32>
    %add3A_152 = arith.constant 3 : i32
    %add3A_153 = arith.addi %sub3A, %add3A_152 : i32
    %div3A_154 = arith.constant 4 : i32
    %div3A_155 = arith.divsi %add3A_153, %div3A_154 : i32
    %while3A = arith.constant 0 : i32
    %while3A_156 = arith.subi %div3A_155, %while3A : i32
    %while3A_157 = arith.addi %while3A, %while3A_156 : i32
    %while3A_158 = arith.constant 1 : i32
    %while3A_159 = arith.divsi %while3A_156, %while3A_158 : i32
    %while3A_160 = arith.muli %while3A_159, %while3A_158 : i32
    %while3A_161 = arith.addi %while3A, %while3A_160 : i32
    %while3A_162 = arith.constant 1 : i32
    %while3A_163:16 = scf.for %while3A_246 = %while3A to %while3A_161 step %while3A_162 iter_args(%while3A_247 = %broadcast_in_dim3A_121, %while3A_248 = %broadcast_in_dim3A_123, %while3A_249 = %broadcast_in_dim3A_125, %while3A_250 = %broadcast_in_dim3A_127, %while3A_251 = %broadcast_in_dim3A_129, %while3A_252 = %broadcast_in_dim3A_131, %while3A_253 = %broadcast_in_dim3A_133, %while3A_254 = %broadcast_in_dim3A_135, %while3A_255 = %broadcast_in_dim3A_137, %while3A_256 = %broadcast_in_dim3A_139, %while3A_257 = %broadcast_in_dim3A_141, %while3A_258 = %broadcast_in_dim3A_143, %while3A_259 = %broadcast_in_dim3A_145, %while3A_260 = %broadcast_in_dim3A_147, %while3A_261 = %broadcast_in_dim3A_149, %while3A_262 = %broadcast_in_dim3A_151) -> (vector<16xf32>, vector<16xf32>, vector<16xf32>, vector<16xf32>, vector<16xf32>, vector<16xf32>, vector<16xf32>, vector<16xf32>, vector<16xf32>, vector<16xf32>, vector<16xf32>, vector<16xf32>, vector<16xf32>, vector<16xf32>, vector<16xf32>, vector<16xf32>)  : i32 {
      %mul3A_263 = arith.constant 4 : i32
      %mul3A_264 = arith.muli %mul3A_263, %while3A_246 : i32
      %add3A_265 = arith.addi %div3A_111, %mul3A_264 : i32
      %dma_wait3A = arith.constant 0 : i32
      %dma_wait3A_266 = arith.constant 0 : i32
      %dma_wait3A_267 = tpu.memref_slice %arg2[%dma_wait3A, %dma_wait3A_266] : memref<10000x128xf32, #tpu.memory_space<hbm>> -> memref<40x128xf32, #tpu.memory_space<hbm>>
      %dma_wait3A_268 = arith.constant 0 : i32
      %dma_wait3A_269 = arith.constant 0 : i32
      %dma_wait3A_270 = tpu.memref_slice %arg2[%dma_wait3A_268, %dma_wait3A_269] : memref<10000x128xf32, #tpu.memory_space<hbm>> -> memref<40x128xf32, #tpu.memory_space<hbm>>
      tpu.wait_dma2 semaphore(%arg12 : memref<!tpu.dma_semaphore, #tpu.memory_space<semaphore_mem>>) src(%dma_wait3A_270 : memref<40x128xf32, #tpu.memory_space<hbm>>) dst(%arg7 : memref<40x128xf32, #tpu.memory_space<vmem>>)
      %add3A_271 = arith.constant 0 : i32
      %add3A_272 = arith.addi %add3A_265, %add3A_271 : i32
      %add3A_273 = arith.constant 3 : i32
      %add3A_274 = arith.addi %add3A_272, %add3A_273 : i32
      %mul3A_275 = arith.constant 40 : i32
      %mul3A_276 = arith.muli %add3A_274, %mul3A_275 : i32
      %min3A = arith.constant 9960 : i32
      %min3A_277 = arith.minsi %mul3A_276, %min3A : i32
      %dma_start3A = arith.constant 0 : i32
      %dma_start3A_278 = tpu.memref_slice %arg2[%min3A_277, %dma_start3A] : memref<10000x128xf32, #tpu.memory_space<hbm>> -> memref<40x128xf32, #tpu.memory_space<hbm>>
      %dma_start3A_279 = arith.constant 0 : i32
      %dma_start3A_280 = tpu.memref_slice %arg2[%min3A_277, %dma_start3A_279] : memref<10000x128xf32, #tpu.memory_space<hbm>> -> memref<40x128xf32, #tpu.memory_space<hbm>>
      tpu.enqueue_dma source(%dma_start3A_280 : memref<40x128xf32, #tpu.memory_space<hbm>>) target(%arg10 : memref<40x128xf32, #tpu.memory_space<vmem>>) target_semaphore(%arg15 : memref<!tpu.dma_semaphore, #tpu.memory_space<semaphore_mem>>)
      %add3A_281 = arith.constant 0 : i32
      %add3A_282 = arith.addi %add3A_265, %add3A_281 : i32
      %mul3A_283 = arith.constant 40 : i32
      %mul3A_284 = arith.muli %add3A_282, %mul3A_283 : i32
      %min3A_285 = arith.constant 9960 : i32
      %min3A_286 = arith.minsi %mul3A_284, %min3A_285 : i32
      %mul3A_287 = arith.constant 40 : i32
      %mul3A_288 = arith.muli %add3A_282, %mul3A_287 : i32
      %max3A_289 = arith.maxsi %add3A_54, %mul3A_288 : i32
      %add3A_290 = arith.constant 1 : i32
      %add3A_291 = arith.addi %add3A_282, %add3A_290 : i32
      %mul3A_292 = arith.constant 40 : i32
      %mul3A_293 = arith.muli %add3A_291, %mul3A_292 : i32
      %min3A_294 = arith.minsi %add3A_110, %mul3A_293 : i32
      %max3A_295 = arith.maxsi %add3A_82, %max3A_289 : i32
      %min3A_296 = arith.minsi %max3A_295, %min3A_294 : i32
      %sub3A_297 = arith.subi %max3A_289, %min3A_286 : i32
      %sub3A_298 = arith.subi %min3A_296, %min3A_286 : i32
      %while3A_299 = arith.subi %sub3A_298, %sub3A_297 : i32
      %while3A_300 = arith.addi %sub3A_297, %while3A_299 : i32
      %while3A_301 = arith.constant 1 : i32
      %while3A_302 = arith.divsi %while3A_299, %while3A_301 : i32
      %while3A_303 = arith.muli %while3A_302, %while3A_301 : i32
      %while3A_304 = arith.addi %sub3A_297, %while3A_303 : i32
      %while3A_305 = arith.constant 1 : i32
      %while3A_306:8 = scf.for %while3A_495 = %sub3A_297 to %while3A_304 step %while3A_305 iter_args(%while3A_496 = %while3A_247, %while3A_497 = %while3A_248, %while3A_498 = %while3A_249, %while3A_499 = %while3A_250, %while3A_500 = %while3A_251, %while3A_501 = %while3A_252, %while3A_502 = %while3A_253, %while3A_503 = %while3A_254) -> (vector<16xf32>, vector<16xf32>, vector<16xf32>, vector<16xf32>, vector<16xf32>, vector<16xf32>, vector<16xf32>, vector<16xf32>)  : i32 {
        %get3A_504 = arith.index_cast %while3A_495 : i32 to index
        %get3A_505 = arith.constant 0 : index
        %get3A_506 = tpu.vector_load %arg7[%get3A_504, %get3A_505] {strides = array<i32>} : memref<40x128xf32, #tpu.memory_space<vmem>>, vector<16xf32>,
        %add3A_507 = arith.addf %while3A_496, %get3A_506 : vector<16xf32>
        %get3A_508 = arith.index_cast %while3A_495 : i32 to index
        %get3A_509 = arith.constant 16 : index
        %get3A_510 = tpu.vector_load %arg7[%get3A_508, %get3A_509] {strides = array<i32>} : memref<40x128xf32, #tpu.memory_space<vmem>>, vector<16xf32>,
        %add3A_511 = arith.addf %while3A_497, %get3A_510 : vector<16xf32>
        %get3A_512 = arith.index_cast %while3A_495 : i32 to index
        %get3A_513 = arith.constant 32 : index
        %get3A_514 = tpu.vector_load %arg7[%get3A_512, %get3A_513] {strides = array<i32>} : memref<40x128xf32, #tpu.memory_space<vmem>>, vector<16xf32>,
        %add3A_515 = arith.addf %while3A_498, %get3A_514 : vector<16xf32>
        %get3A_516 = arith.index_cast %while3A_495 : i32 to index
        %get3A_517 = arith.constant 48 : index
        %get3A_518 = tpu.vector_load %arg7[%get3A_516, %get3A_517] {strides = array<i32>} : memref<40x128xf32, #tpu.memory_space<vmem>>, vector<16xf32>,
        %add3A_519 = arith.addf %while3A_499, %get3A_518 : vector<16xf32>
        %get3A_520 = arith.index_cast %while3A_495 : i32 to index
        %get3A_521 = arith.constant 64 : index
        %get3A_522 = tpu.vector_load %arg7[%get3A_520, %get3A_521] {strides = array<i32>} : memref<40x128xf32, #tpu.memory_space<vmem>>, vector<16xf32>,
        %add3A_523 = arith.addf %while3A_500, %get3A_522 : vector<16xf32>
        %get3A_524 = arith.index_cast %while3A_495 : i32 to index
        %get3A_525 = arith.constant 80 : index
        %get3A_526 = tpu.vector_load %arg7[%get3A_524, %get3A_525] {strides = array<i32>} : memref<40x128xf32, #tpu.memory_space<vmem>>, vector<16xf32>,
        %add3A_527 = arith.addf %while3A_501, %get3A_526 : vector<16xf32>
        %get3A_528 = arith.index_cast %while3A_495 : i32 to index
        %get3A_529 = arith.constant 96 : index
        %get3A_530 = tpu.vector_load %arg7[%get3A_528, %get3A_529] {strides = array<i32>} : memref<40x128xf32, #tpu.memory_space<vmem>>, vector<16xf32>,
        %add3A_531 = arith.addf %while3A_502, %get3A_530 : vector<16xf32>
        %get3A_532 = arith.index_cast %while3A_495 : i32 to index
        %get3A_533 = arith.constant 112 : index
        %get3A_534 = tpu.vector_load %arg7[%get3A_532, %get3A_533] {strides = array<i32>} : memref<40x128xf32, #tpu.memory_space<vmem>>, vector<16xf32>,
        %add3A_535 = arith.addf %while3A_503, %get3A_534 : vector<16xf32>
        scf.yield %add3A_507, %add3A_511, %add3A_515, %add3A_519, %add3A_523, %add3A_527, %add3A_531, %add3A_535 : vector<16xf32>, vector<16xf32>, vector<16xf32>, vector<16xf32>, vector<16xf32>, vector<16xf32>, vector<16xf32>, vector<16xf32>
      }
      %while3A_307 = arith.constant 1 : i32
      %while3A_308:8 = scf.for %while3A_495 = %while3A_304 to %while3A_300 step %while3A_307 iter_args(%while3A_496 = %while3A_306#0, %while3A_497 = %while3A_306#1, %while3A_498 = %while3A_306#2, %while3A_499 = %while3A_306#3, %while3A_500 = %while3A_306#4, %while3A_501 = %while3A_306#5, %while3A_502 = %while3A_306#6, %while3A_503 = %while3A_306#7) -> (vector<16xf32>, vector<16xf32>, vector<16xf32>, vector<16xf32>, vector<16xf32>, vector<16xf32>, vector<16xf32>, vector<16xf32>)  : i32 {
        %get3A_504 = arith.index_cast %while3A_495 : i32 to index
        %get3A_505 = arith.constant 0 : index
        %get3A_506 = tpu.vector_load %arg7[%get3A_504, %get3A_505] {strides = array<i32>} : memref<40x128xf32, #tpu.memory_space<vmem>>, vector<16xf32>,
        %add3A_507 = arith.addf %while3A_496, %get3A_506 : vector<16xf32>
        %get3A_508 = arith.index_cast %while3A_495 : i32 to index
        %get3A_509 = arith.constant 16 : index
        %get3A_510 = tpu.vector_load %arg7[%get3A_508, %get3A_509] {strides = array<i32>} : memref<40x128xf32, #tpu.memory_space<vmem>>, vector<16xf32>,
        %add3A_511 = arith.addf %while3A_497, %get3A_510 : vector<16xf32>
        %get3A_512 = arith.index_cast %while3A_495 : i32 to index
        %get3A_513 = arith.constant 32 : index
        %get3A_514 = tpu.vector_load %arg7[%get3A_512, %get3A_513] {strides = array<i32>} : memref<40x128xf32, #tpu.memory_space<vmem>>, vector<16xf32>,
        %add3A_515 = arith.addf %while3A_498, %get3A_514 : vector<16xf32>
        %get3A_516 = arith.index_cast %while3A_495 : i32 to index
        %get3A_517 = arith.constant 48 : index
        %get3A_518 = tpu.vector_load %arg7[%get3A_516, %get3A_517] {strides = array<i32>} : memref<40x128xf32, #tpu.memory_space<vmem>>, vector<16xf32>,
        %add3A_519 = arith.addf %while3A_499, %get3A_518 : vector<16xf32>
        %get3A_520 = arith.index_cast %while3A_495 : i32 to index
        %get3A_521 = arith.constant 64 : index
        %get3A_522 = tpu.vector_load %arg7[%get3A_520, %get3A_521] {strides = array<i32>} : memref<40x128xf32, #tpu.memory_space<vmem>>, vector<16xf32>,
        %add3A_523 = arith.addf %while3A_500, %get3A_522 : vector<16xf32>
        %get3A_524 = arith.index_cast %while3A_495 : i32 to index
        %get3A_525 = arith.constant 80 : index
        %get3A_526 = tpu.vector_load %arg7[%get3A_524, %get3A_525] {strides = array<i32>} : memref<40x128xf32, #tpu.memory_space<vmem>>, vector<16xf32>,
        %add3A_527 = arith.addf %while3A_501, %get3A_526 : vector<16xf32>
        %get3A_528 = arith.index_cast %while3A_495 : i32 to index
        %get3A_529 = arith.constant 96 : index
        %get3A_530 = tpu.vector_load %arg7[%get3A_528, %get3A_529] {strides = array<i32>} : memref<40x128xf32, #tpu.memory_space<vmem>>, vector<16xf32>,
        %add3A_531 = arith.addf %while3A_502, %get3A_530 : vector<16xf32>
        %get3A_532 = arith.index_cast %while3A_495 : i32 to index
        %get3A_533 = arith.constant 112 : index
        %get3A_534 = tpu.vector_load %arg7[%get3A_532, %get3A_533] {strides = array<i32>} : memref<40x128xf32, #tpu.memory_space<vmem>>, vector<16xf32>,
        %add3A_535 = arith.addf %while3A_503, %get3A_534 : vector<16xf32>
        scf.yield %add3A_507, %add3A_511, %add3A_515, %add3A_519, %add3A_523, %add3A_527, %add3A_531, %add3A_535 : vector<16xf32>, vector<16xf32>, vector<16xf32>, vector<16xf32>, vector<16xf32>, vector<16xf32>, vector<16xf32>, vector<16xf32>
      }
      %sub3A_309 = arith.subi %min3A_296, %min3A_286 : i32
      %sub3A_310 = arith.subi %min3A_294, %min3A_286 : i32
      %while3A_311 = arith.subi %sub3A_310, %sub3A_309 : i32
      %while3A_312 = arith.addi %sub3A_309, %while3A_311 : i32
      %while3A_313 = arith.constant 1 : i32
      %while3A_314 = arith.divsi %while3A_311, %while3A_313 : i32
      %while3A_315 = arith.muli %while3A_314, %while3A_313 : i32
      %while3A_316 = arith.addi %sub3A_309, %while3A_315 : i32
      %while3A_317 = arith.constant 1 : i32
      %while3A_318:8 = scf.for %while3A_495 = %sub3A_309 to %while3A_316 step %while3A_317 iter_args(%while3A_496 = %while3A_255, %while3A_497 = %while3A_256, %while3A_498 = %while3A_257, %while3A_499 = %while3A_258, %while3A_500 = %while3A_259, %while3A_501 = %while3A_260, %while3A_502 = %while3A_261, %while3A_503 = %while3A_262) -> (vector<16xf32>, vector<16xf32>, vector<16xf32>, vector<16xf32>, vector<16xf32>, vector<16xf32>, vector<16xf32>, vector<16xf32>)  : i32 {
        %get3A_504 = arith.index_cast %while3A_495 : i32 to index
        %get3A_505 = arith.constant 0 : index
        %get3A_506 = tpu.vector_load %arg7[%get3A_504, %get3A_505] {strides = array<i32>} : memref<40x128xf32, #tpu.memory_space<vmem>>, vector<16xf32>,
        %add3A_507 = arith.addf %while3A_496, %get3A_506 : vector<16xf32>
        %get3A_508 = arith.index_cast %while3A_495 : i32 to index
        %get3A_509 = arith.constant 16 : index
        %get3A_510 = tpu.vector_load %arg7[%get3A_508, %get3A_509] {strides = array<i32>} : memref<40x128xf32, #tpu.memory_space<vmem>>, vector<16xf32>,
        %add3A_511 = arith.addf %while3A_497, %get3A_510 : vector<16xf32>
        %get3A_512 = arith.index_cast %while3A_495 : i32 to index
        %get3A_513 = arith.constant 32 : index
        %get3A_514 = tpu.vector_load %arg7[%get3A_512, %get3A_513] {strides = array<i32>} : memref<40x128xf32, #tpu.memory_space<vmem>>, vector<16xf32>,
        %add3A_515 = arith.addf %while3A_498, %get3A_514 : vector<16xf32>
        %get3A_516 = arith.index_cast %while3A_495 : i32 to index
        %get3A_517 = arith.constant 48 : index
        %get3A_518 = tpu.vector_load %arg7[%get3A_516, %get3A_517] {strides = array<i32>} : memref<40x128xf32, #tpu.memory_space<vmem>>, vector<16xf32>,
        %add3A_519 = arith.addf %while3A_499, %get3A_518 : vector<16xf32>
        %get3A_520 = arith.index_cast %while3A_495 : i32 to index
        %get3A_521 = arith.constant 64 : index
        %get3A_522 = tpu.vector_load %arg7[%get3A_520, %get3A_521] {strides = array<i32>} : memref<40x128xf32, #tpu.memory_space<vmem>>, vector<16xf32>,
        %add3A_523 = arith.addf %while3A_500, %get3A_522 : vector<16xf32>
        %get3A_524 = arith.index_cast %while3A_495 : i32 to index
        %get3A_525 = arith.constant 80 : index
        %get3A_526 = tpu.vector_load %arg7[%get3A_524, %get3A_525] {strides = array<i32>} : memref<40x128xf32, #tpu.memory_space<vmem>>, vector<16xf32>,
        %add3A_527 = arith.addf %while3A_501, %get3A_526 : vector<16xf32>
        %get3A_528 = arith.index_cast %while3A_495 : i32 to index
        %get3A_529 = arith.constant 96 : index
        %get3A_530 = tpu.vector_load %arg7[%get3A_528, %get3A_529] {strides = array<i32>} : memref<40x128xf32, #tpu.memory_space<vmem>>, vector<16xf32>,
        %add3A_531 = arith.addf %while3A_502, %get3A_530 : vector<16xf32>
        %get3A_532 = arith.index_cast %while3A_495 : i32 to index
        %get3A_533 = arith.constant 112 : index
        %get3A_534 = tpu.vector_load %arg7[%get3A_532, %get3A_533] {strides = array<i32>} : memref<40x128xf32, #tpu.memory_space<vmem>>, vector<16xf32>,
        %add3A_535 = arith.addf %while3A_503, %get3A_534 : vector<16xf32>
        scf.yield %add3A_507, %add3A_511, %add3A_515, %add3A_519, %add3A_523, %add3A_527, %add3A_531, %add3A_535 : vector<16xf32>, vector<16xf32>, vector<16xf32>, vector<16xf32>, vector<16xf32>, vector<16xf32>, vector<16xf32>, vector<16xf32>
      }
      %while3A_319 = arith.constant 1 : i32
      %while3A_320:8 = scf.for %while3A_495 = %while3A_316 to %while3A_312 step %while3A_319 iter_args(%while3A_496 = %while3A_318#0, %while3A_497 = %while3A_318#1, %while3A_498 = %while3A_318#2, %while3A_499 = %while3A_318#3, %while3A_500 = %while3A_318#4, %while3A_501 = %while3A_318#5, %while3A_502 = %while3A_318#6, %while3A_503 = %while3A_318#7) -> (vector<16xf32>, vector<16xf32>, vector<16xf32>, vector<16xf32>, vector<16xf32>, vector<16xf32>, vector<16xf32>, vector<16xf32>)  : i32 {
        %get3A_504 = arith.index_cast %while3A_495 : i32 to index
        %get3A_505 = arith.constant 0 : index
        %get3A_506 = tpu.vector_load %arg7[%get3A_504, %get3A_505] {strides = array<i32>} : memref<40x128xf32, #tpu.memory_space<vmem>>, vector<16xf32>,
        %add3A_507 = arith.addf %while3A_496, %get3A_506 : vector<16xf32>
        %get3A_508 = arith.index_cast %while3A_495 : i32 to index
        %get3A_509 = arith.constant 16 : index
        %get3A_510 = tpu.vector_load %arg7[%get3A_508, %get3A_509] {strides = array<i32>} : memref<40x128xf32, #tpu.memory_space<vmem>>, vector<16xf32>,
        %add3A_511 = arith.addf %while3A_497, %get3A_510 : vector<16xf32>
        %get3A_512 = arith.index_cast %while3A_495 : i32 to index
        %get3A_513 = arith.constant 32 : index
        %get3A_514 = tpu.vector_load %arg7[%get3A_512, %get3A_513] {strides = array<i32>} : memref<40x128xf32, #tpu.memory_space<vmem>>, vector<16xf32>,
        %add3A_515 = arith.addf %while3A_498, %get3A_514 : vector<16xf32>
        %get3A_516 = arith.index_cast %while3A_495 : i32 to index
        %get3A_517 = arith.constant 48 : index
        %get3A_518 = tpu.vector_load %arg7[%get3A_516, %get3A_517] {strides = array<i32>} : memref<40x128xf32, #tpu.memory_space<vmem>>, vector<16xf32>,
        %add3A_519 = arith.addf %while3A_499, %get3A_518 : vector<16xf32>
        %get3A_520 = arith.index_cast %while3A_495 : i32 to index
        %get3A_521 = arith.constant 64 : index
        %get3A_522 = tpu.vector_load %arg7[%get3A_520, %get3A_521] {strides = array<i32>} : memref<40x128xf32, #tpu.memory_space<vmem>>, vector<16xf32>,
        %add3A_523 = arith.addf %while3A_500, %get3A_522 : vector<16xf32>
        %get3A_524 = arith.index_cast %while3A_495 : i32 to index
        %get3A_525 = arith.constant 80 : index
        %get3A_526 = tpu.vector_load %arg7[%get3A_524, %get3A_525] {strides = array<i32>} : memref<40x128xf32, #tpu.memory_space<vmem>>, vector<16xf32>,
        %add3A_527 = arith.addf %while3A_501, %get3A_526 : vector<16xf32>
        %get3A_528 = arith.index_cast %while3A_495 : i32 to index
        %get3A_529 = arith.constant 96 : index
        %get3A_530 = tpu.vector_load %arg7[%get3A_528, %get3A_529] {strides = array<i32>} : memref<40x128xf32, #tpu.memory_space<vmem>>, vector<16xf32>,
        %add3A_531 = arith.addf %while3A_502, %get3A_530 : vector<16xf32>
        %get3A_532 = arith.index_cast %while3A_495 : i32 to index
        %get3A_533 = arith.constant 112 : index
        %get3A_534 = tpu.vector_load %arg7[%get3A_532, %get3A_533] {strides = array<i32>} : memref<40x128xf32, #tpu.memory_space<vmem>>, vector<16xf32>,
        %add3A_535 = arith.addf %while3A_503, %get3A_534 : vector<16xf32>
        scf.yield %add3A_507, %add3A_511, %add3A_515, %add3A_519, %add3A_523, %add3A_527, %add3A_531, %add3A_535 : vector<16xf32>, vector<16xf32>, vector<16xf32>, vector<16xf32>, vector<16xf32>, vector<16xf32>, vector<16xf32>, vector<16xf32>
      }
      %dma_wait3A_321 = arith.constant 0 : i32
      %dma_wait3A_322 = arith.constant 0 : i32
      %dma_wait3A_323 = tpu.memref_slice %arg2[%dma_wait3A_321, %dma_wait3A_322] : memref<10000x128xf32, #tpu.memory_space<hbm>> -> memref<40x128xf32, #tpu.memory_space<hbm>>
      %dma_wait3A_324 = arith.constant 0 : i32
      %dma_wait3A_325 = arith.constant 0 : i32
      %dma_wait3A_326 = tpu.memref_slice %arg2[%dma_wait3A_324, %dma_wait3A_325] : memref<10000x128xf32, #tpu.memory_space<hbm>> -> memref<40x128xf32, #tpu.memory_space<hbm>>
      tpu.wait_dma2 semaphore(%arg13 : memref<!tpu.dma_semaphore, #tpu.memory_space<semaphore_mem>>) src(%dma_wait3A_326 : memref<40x128xf32, #tpu.memory_space<hbm>>) dst(%arg8 : memref<40x128xf32, #tpu.memory_space<vmem>>)
      %add3A_327 = arith.constant 1 : i32
      %add3A_328 = arith.addi %add3A_265, %add3A_327 : i32
      %add3A_329 = arith.constant 3 : i32
      %add3A_330 = arith.addi %add3A_328, %add3A_329 : i32
      %mul3A_331 = arith.constant 40 : i32
      %mul3A_332 = arith.muli %add3A_330, %mul3A_331 : i32
      %min3A_333 = arith.constant 9960 : i32
      %min3A_334 = arith.minsi %mul3A_332, %min3A_333 : i32
      %dma_start3A_335 = arith.constant 0 : i32
      %dma_start3A_336 = tpu.memref_slice %arg2[%min3A_334, %dma_start3A_335] : memref<10000x128xf32, #tpu.memory_space<hbm>> -> memref<40x128xf32, #tpu.memory_space<hbm>>
      %dma_start3A_337 = arith.constant 0 : i32
      %dma_start3A_338 = tpu.memref_slice %arg2[%min3A_334, %dma_start3A_337] : memref<10000x128xf32, #tpu.memory_space<hbm>> -> memref<40x128xf32, #tpu.memory_space<hbm>>
      tpu.enqueue_dma source(%dma_start3A_338 : memref<40x128xf32, #tpu.memory_space<hbm>>) target(%arg7 : memref<40x128xf32, #tpu.memory_space<vmem>>) target_semaphore(%arg12 : memref<!tpu.dma_semaphore, #tpu.memory_space<semaphore_mem>>)
      %add3A_339 = arith.constant 1 : i32
      %add3A_340 = arith.addi %add3A_265, %add3A_339 : i32
      %mul3A_341 = arith.constant 40 : i32
      %mul3A_342 = arith.muli %add3A_340, %mul3A_341 : i32
      %min3A_343 = arith.constant 9960 : i32
      %min3A_344 = arith.minsi %mul3A_342, %min3A_343 : i32
      %mul3A_345 = arith.constant 40 : i32
      %mul3A_346 = arith.muli %add3A_340, %mul3A_345 : i32
      %max3A_347 = arith.maxsi %add3A_54, %mul3A_346 : i32
      %add3A_348 = arith.constant 1 : i32
      %add3A_349 = arith.addi %add3A_340, %add3A_348 : i32
      %mul3A_350 = arith.constant 40 : i32
      %mul3A_351 = arith.muli %add3A_349, %mul3A_350 : i32
      %min3A_352 = arith.minsi %add3A_110, %mul3A_351 : i32
      %max3A_353 = arith.maxsi %add3A_82, %max3A_347 : i32
      %min3A_354 = arith.minsi %max3A_353, %min3A_352 : i32
      %sub3A_355 = arith.subi %max3A_347, %min3A_344 : i32
      %sub3A_356 = arith.subi %min3A_354, %min3A_344 : i32
      %while3A_357 = arith.subi %sub3A_356, %sub3A_355 : i32
      %while3A_358 = arith.addi %sub3A_355, %while3A_357 : i32
      %while3A_359 = arith.constant 1 : i32
      %while3A_360 = arith.divsi %while3A_357, %while3A_359 : i32
      %while3A_361 = arith.muli %while3A_360, %while3A_359 : i32
      %while3A_362 = arith.addi %sub3A_355, %while3A_361 : i32
      %while3A_363 = arith.constant 1 : i32
      %while3A_364:8 = scf.for %while3A_495 = %sub3A_355 to %while3A_362 step %while3A_363 iter_args(%while3A_496 = %while3A_308#0, %while3A_497 = %while3A_308#1, %while3A_498 = %while3A_308#2, %while3A_499 = %while3A_308#3, %while3A_500 = %while3A_308#4, %while3A_501 = %while3A_308#5, %while3A_502 = %while3A_308#6, %while3A_503 = %while3A_308#7) -> (vector<16xf32>, vector<16xf32>, vector<16xf32>, vector<16xf32>, vector<16xf32>, vector<16xf32>, vector<16xf32>, vector<16xf32>)  : i32 {
        %get3A_504 = arith.index_cast %while3A_495 : i32 to index
        %get3A_505 = arith.constant 0 : index
        %get3A_506 = tpu.vector_load %arg8[%get3A_504, %get3A_505] {strides = array<i32>} : memref<40x128xf32, #tpu.memory_space<vmem>>, vector<16xf32>,
        %add3A_507 = arith.addf %while3A_496, %get3A_506 : vector<16xf32>
        %get3A_508 = arith.index_cast %while3A_495 : i32 to index
        %get3A_509 = arith.constant 16 : index
        %get3A_510 = tpu.vector_load %arg8[%get3A_508, %get3A_509] {strides = array<i32>} : memref<40x128xf32, #tpu.memory_space<vmem>>, vector<16xf32>,
        %add3A_511 = arith.addf %while3A_497, %get3A_510 : vector<16xf32>
        %get3A_512 = arith.index_cast %while3A_495 : i32 to index
        %get3A_513 = arith.constant 32 : index
        %get3A_514 = tpu.vector_load %arg8[%get3A_512, %get3A_513] {strides = array<i32>} : memref<40x128xf32, #tpu.memory_space<vmem>>, vector<16xf32>,
        %add3A_515 = arith.addf %while3A_498, %get3A_514 : vector<16xf32>
        %get3A_516 = arith.index_cast %while3A_495 : i32 to index
        %get3A_517 = arith.constant 48 : index
        %get3A_518 = tpu.vector_load %arg8[%get3A_516, %get3A_517] {strides = array<i32>} : memref<40x128xf32, #tpu.memory_space<vmem>>, vector<16xf32>,
        %add3A_519 = arith.addf %while3A_499, %get3A_518 : vector<16xf32>
        %get3A_520 = arith.index_cast %while3A_495 : i32 to index
        %get3A_521 = arith.constant 64 : index
        %get3A_522 = tpu.vector_load %arg8[%get3A_520, %get3A_521] {strides = array<i32>} : memref<40x128xf32, #tpu.memory_space<vmem>>, vector<16xf32>,
        %add3A_523 = arith.addf %while3A_500, %get3A_522 : vector<16xf32>
        %get3A_524 = arith.index_cast %while3A_495 : i32 to index
        %get3A_525 = arith.constant 80 : index
        %get3A_526 = tpu.vector_load %arg8[%get3A_524, %get3A_525] {strides = array<i32>} : memref<40x128xf32, #tpu.memory_space<vmem>>, vector<16xf32>,
        %add3A_527 = arith.addf %while3A_501, %get3A_526 : vector<16xf32>
        %get3A_528 = arith.index_cast %while3A_495 : i32 to index
        %get3A_529 = arith.constant 96 : index
        %get3A_530 = tpu.vector_load %arg8[%get3A_528, %get3A_529] {strides = array<i32>} : memref<40x128xf32, #tpu.memory_space<vmem>>, vector<16xf32>,
        %add3A_531 = arith.addf %while3A_502, %get3A_530 : vector<16xf32>
        %get3A_532 = arith.index_cast %while3A_495 : i32 to index
        %get3A_533 = arith.constant 112 : index
        %get3A_534 = tpu.vector_load %arg8[%get3A_532, %get3A_533] {strides = array<i32>} : memref<40x128xf32, #tpu.memory_space<vmem>>, vector<16xf32>,
        %add3A_535 = arith.addf %while3A_503, %get3A_534 : vector<16xf32>
        scf.yield %add3A_507, %add3A_511, %add3A_515, %add3A_519, %add3A_523, %add3A_527, %add3A_531, %add3A_535 : vector<16xf32>, vector<16xf32>, vector<16xf32>, vector<16xf32>, vector<16xf32>, vector<16xf32>, vector<16xf32>, vector<16xf32>
      }
      %while3A_365 = arith.constant 1 : i32
      %while3A_366:8 = scf.for %while3A_495 = %while3A_362 to %while3A_358 step %while3A_365 iter_args(%while3A_496 = %while3A_364#0, %while3A_497 = %while3A_364#1, %while3A_498 = %while3A_364#2, %while3A_499 = %while3A_364#3, %while3A_500 = %while3A_364#4, %while3A_501 = %while3A_364#5, %while3A_502 = %while3A_364#6, %while3A_503 = %while3A_364#7) -> (vector<16xf32>, vector<16xf32>, vector<16xf32>, vector<16xf32>, vector<16xf32>, vector<16xf32>, vector<16xf32>, vector<16xf32>)  : i32 {
        %get3A_504 = arith.index_cast %while3A_495 : i32 to index
        %get3A_505 = arith.constant 0 : index
        %get3A_506 = tpu.vector_load %arg8[%get3A_504, %get3A_505] {strides = array<i32>} : memref<40x128xf32, #tpu.memory_space<vmem>>, vector<16xf32>,
        %add3A_507 = arith.addf %while3A_496, %get3A_506 : vector<16xf32>
        %get3A_508 = arith.index_cast %while3A_495 : i32 to index
        %get3A_509 = arith.constant 16 : index
        %get3A_510 = tpu.vector_load %arg8[%get3A_508, %get3A_509] {strides = array<i32>} : memref<40x128xf32, #tpu.memory_space<vmem>>, vector<16xf32>,
        %add3A_511 = arith.addf %while3A_497, %get3A_510 : vector<16xf32>
        %get3A_512 = arith.index_cast %while3A_495 : i32 to index
        %get3A_513 = arith.constant 32 : index
        %get3A_514 = tpu.vector_load %arg8[%get3A_512, %get3A_513] {strides = array<i32>} : memref<40x128xf32, #tpu.memory_space<vmem>>, vector<16xf32>,
        %add3A_515 = arith.addf %while3A_498, %get3A_514 : vector<16xf32>
        %get3A_516 = arith.index_cast %while3A_495 : i32 to index
        %get3A_517 = arith.constant 48 : index
        %get3A_518 = tpu.vector_load %arg8[%get3A_516, %get3A_517] {strides = array<i32>} : memref<40x128xf32, #tpu.memory_space<vmem>>, vector<16xf32>,
        %add3A_519 = arith.addf %while3A_499, %get3A_518 : vector<16xf32>
        %get3A_520 = arith.index_cast %while3A_495 : i32 to index
        %get3A_521 = arith.constant 64 : index
        %get3A_522 = tpu.vector_load %arg8[%get3A_520, %get3A_521] {strides = array<i32>} : memref<40x128xf32, #tpu.memory_space<vmem>>, vector<16xf32>,
        %add3A_523 = arith.addf %while3A_500, %get3A_522 : vector<16xf32>
        %get3A_524 = arith.index_cast %while3A_495 : i32 to index
        %get3A_525 = arith.constant 80 : index
        %get3A_526 = tpu.vector_load %arg8[%get3A_524, %get3A_525] {strides = array<i32>} : memref<40x128xf32, #tpu.memory_space<vmem>>, vector<16xf32>,
        %add3A_527 = arith.addf %while3A_501, %get3A_526 : vector<16xf32>
        %get3A_528 = arith.index_cast %while3A_495 : i32 to index
        %get3A_529 = arith.constant 96 : index
        %get3A_530 = tpu.vector_load %arg8[%get3A_528, %get3A_529] {strides = array<i32>} : memref<40x128xf32, #tpu.memory_space<vmem>>, vector<16xf32>,
        %add3A_531 = arith.addf %while3A_502, %get3A_530 : vector<16xf32>
        %get3A_532 = arith.index_cast %while3A_495 : i32 to index
        %get3A_533 = arith.constant 112 : index
        %get3A_534 = tpu.vector_load %arg8[%get3A_532, %get3A_533] {strides = array<i32>} : memref<40x128xf32, #tpu.memory_space<vmem>>, vector<16xf32>,
        %add3A_535 = arith.addf %while3A_503, %get3A_534 : vector<16xf32>
        scf.yield %add3A_507, %add3A_511, %add3A_515, %add3A_519, %add3A_523, %add3A_527, %add3A_531, %add3A_535 : vector<16xf32>, vector<16xf32>, vector<16xf32>, vector<16xf32>, vector<16xf32>, vector<16xf32>, vector<16xf32>, vector<16xf32>
      }
      %sub3A_367 = arith.subi %min3A_354, %min3A_344 : i32
      %sub3A_368 = arith.subi %min3A_352, %min3A_344 : i32
      %while3A_369 = arith.subi %sub3A_368, %sub3A_367 : i32
      %while3A_370 = arith.addi %sub3A_367, %while3A_369 : i32
      %while3A_371 = arith.constant 1 : i32
      %while3A_372 = arith.divsi %while3A_369, %while3A_371 : i32
      %while3A_373 = arith.muli %while3A_372, %while3A_371 : i32
      %while3A_374 = arith.addi %sub3A_367, %while3A_373 : i32
      %while3A_375 = arith.constant 1 : i32
      %while3A_376:8 = scf.for %while3A_495 = %sub3A_367 to %while3A_374 step %while3A_375 iter_args(%while3A_496 = %while3A_320#0, %while3A_497 = %while3A_320#1, %while3A_498 = %while3A_320#2, %while3A_499 = %while3A_320#3, %while3A_500 = %while3A_320#4, %while3A_501 = %while3A_320#5, %while3A_502 = %while3A_320#6, %while3A_503 = %while3A_320#7) -> (vector<16xf32>, vector<16xf32>, vector<16xf32>, vector<16xf32>, vector<16xf32>, vector<16xf32>, vector<16xf32>, vector<16xf32>)  : i32 {
        %get3A_504 = arith.index_cast %while3A_495 : i32 to index
        %get3A_505 = arith.constant 0 : index
        %get3A_506 = tpu.vector_load %arg8[%get3A_504, %get3A_505] {strides = array<i32>} : memref<40x128xf32, #tpu.memory_space<vmem>>, vector<16xf32>,
        %add3A_507 = arith.addf %while3A_496, %get3A_506 : vector<16xf32>
        %get3A_508 = arith.index_cast %while3A_495 : i32 to index
        %get3A_509 = arith.constant 16 : index
        %get3A_510 = tpu.vector_load %arg8[%get3A_508, %get3A_509] {strides = array<i32>} : memref<40x128xf32, #tpu.memory_space<vmem>>, vector<16xf32>,
        %add3A_511 = arith.addf %while3A_497, %get3A_510 : vector<16xf32>
        %get3A_512 = arith.index_cast %while3A_495 : i32 to index
        %get3A_513 = arith.constant 32 : index
        %get3A_514 = tpu.vector_load %arg8[%get3A_512, %get3A_513] {strides = array<i32>} : memref<40x128xf32, #tpu.memory_space<vmem>>, vector<16xf32>,
        %add3A_515 = arith.addf %while3A_498, %get3A_514 : vector<16xf32>
        %get3A_516 = arith.index_cast %while3A_495 : i32 to index
        %get3A_517 = arith.constant 48 : index
        %get3A_518 = tpu.vector_load %arg8[%get3A_516, %get3A_517] {strides = array<i32>} : memref<40x128xf32, #tpu.memory_space<vmem>>, vector<16xf32>,
        %add3A_519 = arith.addf %while3A_499, %get3A_518 : vector<16xf32>
        %get3A_520 = arith.index_cast %while3A_495 : i32 to index
        %get3A_521 = arith.constant 64 : index
        %get3A_522 = tpu.vector_load %arg8[%get3A_520, %get3A_521] {strides = array<i32>} : memref<40x128xf32, #tpu.memory_space<vmem>>, vector<16xf32>,
        %add3A_523 = arith.addf %while3A_500, %get3A_522 : vector<16xf32>
        %get3A_524 = arith.index_cast %while3A_495 : i32 to index
        %get3A_525 = arith.constant 80 : index
        %get3A_526 = tpu.vector_load %arg8[%get3A_524, %get3A_525] {strides = array<i32>} : memref<40x128xf32, #tpu.memory_space<vmem>>, vector<16xf32>,
        %add3A_527 = arith.addf %while3A_501, %get3A_526 : vector<16xf32>
        %get3A_528 = arith.index_cast %while3A_495 : i32 to index
        %get3A_529 = arith.constant 96 : index
        %get3A_530 = tpu.vector_load %arg8[%get3A_528, %get3A_529] {strides = array<i32>} : memref<40x128xf32, #tpu.memory_space<vmem>>, vector<16xf32>,
        %add3A_531 = arith.addf %while3A_502, %get3A_530 : vector<16xf32>
        %get3A_532 = arith.index_cast %while3A_495 : i32 to index
        %get3A_533 = arith.constant 112 : index
        %get3A_534 = tpu.vector_load %arg8[%get3A_532, %get3A_533] {strides = array<i32>} : memref<40x128xf32, #tpu.memory_space<vmem>>, vector<16xf32>,
        %add3A_535 = arith.addf %while3A_503, %get3A_534 : vector<16xf32>
        scf.yield %add3A_507, %add3A_511, %add3A_515, %add3A_519, %add3A_523, %add3A_527, %add3A_531, %add3A_535 : vector<16xf32>, vector<16xf32>, vector<16xf32>, vector<16xf32>, vector<16xf32>, vector<16xf32>, vector<16xf32>, vector<16xf32>
      }
      %while3A_377 = arith.constant 1 : i32
      %while3A_378:8 = scf.for %while3A_495 = %while3A_374 to %while3A_370 step %while3A_377 iter_args(%while3A_496 = %while3A_376#0, %while3A_497 = %while3A_376#1, %while3A_498 = %while3A_376#2, %while3A_499 = %while3A_376#3, %while3A_500 = %while3A_376#4, %while3A_501 = %while3A_376#5, %while3A_502 = %while3A_376#6, %while3A_503 = %while3A_376#7) -> (vector<16xf32>, vector<16xf32>, vector<16xf32>, vector<16xf32>, vector<16xf32>, vector<16xf32>, vector<16xf32>, vector<16xf32>)  : i32 {
        %get3A_504 = arith.index_cast %while3A_495 : i32 to index
        %get3A_505 = arith.constant 0 : index
        %get3A_506 = tpu.vector_load %arg8[%get3A_504, %get3A_505] {strides = array<i32>} : memref<40x128xf32, #tpu.memory_space<vmem>>, vector<16xf32>,
        %add3A_507 = arith.addf %while3A_496, %get3A_506 : vector<16xf32>
        %get3A_508 = arith.index_cast %while3A_495 : i32 to index
        %get3A_509 = arith.constant 16 : index
        %get3A_510 = tpu.vector_load %arg8[%get3A_508, %get3A_509] {strides = array<i32>} : memref<40x128xf32, #tpu.memory_space<vmem>>, vector<16xf32>,
        %add3A_511 = arith.addf %while3A_497, %get3A_510 : vector<16xf32>
        %get3A_512 = arith.index_cast %while3A_495 : i32 to index
        %get3A_513 = arith.constant 32 : index
        %get3A_514 = tpu.vector_load %arg8[%get3A_512, %get3A_513] {strides = array<i32>} : memref<40x128xf32, #tpu.memory_space<vmem>>, vector<16xf32>,
        %add3A_515 = arith.addf %while3A_498, %get3A_514 : vector<16xf32>
        %get3A_516 = arith.index_cast %while3A_495 : i32 to index
        %get3A_517 = arith.constant 48 : index
        %get3A_518 = tpu.vector_load %arg8[%get3A_516, %get3A_517] {strides = array<i32>} : memref<40x128xf32, #tpu.memory_space<vmem>>, vector<16xf32>,
        %add3A_519 = arith.addf %while3A_499, %get3A_518 : vector<16xf32>
        %get3A_520 = arith.index_cast %while3A_495 : i32 to index
        %get3A_521 = arith.constant 64 : index
        %get3A_522 = tpu.vector_load %arg8[%get3A_520, %get3A_521] {strides = array<i32>} : memref<40x128xf32, #tpu.memory_space<vmem>>, vector<16xf32>,
        %add3A_523 = arith.addf %while3A_500, %get3A_522 : vector<16xf32>
        %get3A_524 = arith.index_cast %while3A_495 : i32 to index
        %get3A_525 = arith.constant 80 : index
        %get3A_526 = tpu.vector_load %arg8[%get3A_524, %get3A_525] {strides = array<i32>} : memref<40x128xf32, #tpu.memory_space<vmem>>, vector<16xf32>,
        %add3A_527 = arith.addf %while3A_501, %get3A_526 : vector<16xf32>
        %get3A_528 = arith.index_cast %while3A_495 : i32 to index
        %get3A_529 = arith.constant 96 : index
        %get3A_530 = tpu.vector_load %arg8[%get3A_528, %get3A_529] {strides = array<i32>} : memref<40x128xf32, #tpu.memory_space<vmem>>, vector<16xf32>,
        %add3A_531 = arith.addf %while3A_502, %get3A_530 : vector<16xf32>
        %get3A_532 = arith.index_cast %while3A_495 : i32 to index
        %get3A_533 = arith.constant 112 : index
        %get3A_534 = tpu.vector_load %arg8[%get3A_532, %get3A_533] {strides = array<i32>} : memref<40x128xf32, #tpu.memory_space<vmem>>, vector<16xf32>,
        %add3A_535 = arith.addf %while3A_503, %get3A_534 : vector<16xf32>
        scf.yield %add3A_507, %add3A_511, %add3A_515, %add3A_519, %add3A_523, %add3A_527, %add3A_531, %add3A_535 : vector<16xf32>, vector<16xf32>, vector<16xf32>, vector<16xf32>, vector<16xf32>, vector<16xf32>, vector<16xf32>, vector<16xf32>
      }
      %dma_wait3A_379 = arith.constant 0 : i32
      %dma_wait3A_380 = arith.constant 0 : i32
      %dma_wait3A_381 = tpu.memref_slice %arg2[%dma_wait3A_379, %dma_wait3A_380] : memref<10000x128xf32, #tpu.memory_space<hbm>> -> memref<40x128xf32, #tpu.memory_space<hbm>>
      %dma_wait3A_382 = arith.constant 0 : i32
      %dma_wait3A_383 = arith.constant 0 : i32
      %dma_wait3A_384 = tpu.memref_slice %arg2[%dma_wait3A_382, %dma_wait3A_383] : memref<10000x128xf32, #tpu.memory_space<hbm>> -> memref<40x128xf32, #tpu.memory_space<hbm>>
      tpu.wait_dma2 semaphore(%arg14 : memref<!tpu.dma_semaphore, #tpu.memory_space<semaphore_mem>>) src(%dma_wait3A_384 : memref<40x128xf32, #tpu.memory_space<hbm>>) dst(%arg9 : memref<40x128xf32, #tpu.memory_space<vmem>>)
      %add3A_385 = arith.constant 2 : i32
      %add3A_386 = arith.addi %add3A_265, %add3A_385 : i32
      %add3A_387 = arith.constant 3 : i32
      %add3A_388 = arith.addi %add3A_386, %add3A_387 : i32
      %mul3A_389 = arith.constant 40 : i32
      %mul3A_390 = arith.muli %add3A_388, %mul3A_389 : i32
      %min3A_391 = arith.constant 9960 : i32
      %min3A_392 = arith.minsi %mul3A_390, %min3A_391 : i32
      %dma_start3A_393 = arith.constant 0 : i32
      %dma_start3A_394 = tpu.memref_slice %arg2[%min3A_392, %dma_start3A_393] : memref<10000x128xf32, #tpu.memory_space<hbm>> -> memref<40x128xf32, #tpu.memory_space<hbm>>
      %dma_start3A_395 = arith.constant 0 : i32
      %dma_start3A_396 = tpu.memref_slice %arg2[%min3A_392, %dma_start3A_395] : memref<10000x128xf32, #tpu.memory_space<hbm>> -> memref<40x128xf32, #tpu.memory_space<hbm>>
      tpu.enqueue_dma source(%dma_start3A_396 : memref<40x128xf32, #tpu.memory_space<hbm>>) target(%arg8 : memref<40x128xf32, #tpu.memory_space<vmem>>) target_semaphore(%arg13 : memref<!tpu.dma_semaphore, #tpu.memory_space<semaphore_mem>>)
      %add3A_397 = arith.constant 2 : i32
      %add3A_398 = arith.addi %add3A_265, %add3A_397 : i32
      %mul3A_399 = arith.constant 40 : i32
      %mul3A_400 = arith.muli %add3A_398, %mul3A_399 : i32
      %min3A_401 = arith.constant 9960 : i32
      %min3A_402 = arith.minsi %mul3A_400, %min3A_401 : i32
      %mul3A_403 = arith.constant 40 : i32
      %mul3A_404 = arith.muli %add3A_398, %mul3A_403 : i32
      %max3A_405 = arith.maxsi %add3A_54, %mul3A_404 : i32
      %add3A_406 = arith.constant 1 : i32
      %add3A_407 = arith.addi %add3A_398, %add3A_406 : i32
      %mul3A_408 = arith.constant 40 : i32
      %mul3A_409 = arith.muli %add3A_407, %mul3A_408 : i32
      %min3A_410 = arith.minsi %add3A_110, %mul3A_409 : i32
      %max3A_411 = arith.maxsi %add3A_82, %max3A_405 : i32
      %min3A_412 = arith.minsi %max3A_411, %min3A_410 : i32
      %sub3A_413 = arith.subi %max3A_405, %min3A_402 : i32
      %sub3A_414 = arith.subi %min3A_412, %min3A_402 : i32
      %while3A_415 = arith.subi %sub3A_414, %sub3A_413 : i32
      %while3A_416 = arith.addi %sub3A_413, %while3A_415 : i32
      %while3A_417 = arith.constant 1 : i32
      %while3A_418 = arith.divsi %while3A_415, %while3A_417 : i32
      %while3A_419 = arith.muli %while3A_418, %while3A_417 : i32
      %while3A_420 = arith.addi %sub3A_413, %while3A_419 : i32
      %while3A_421 = arith.constant 1 : i32
      %while3A_422:8 = scf.for %while3A_495 = %sub3A_413 to %while3A_420 step %while3A_421 iter_args(%while3A_496 = %while3A_366#0, %while3A_497 = %while3A_366#1, %while3A_498 = %while3A_366#2, %while3A_499 = %while3A_366#3, %while3A_500 = %while3A_366#4, %while3A_501 = %while3A_366#5, %while3A_502 = %while3A_366#6, %while3A_503 = %while3A_366#7) -> (vector<16xf32>, vector<16xf32>, vector<16xf32>, vector<16xf32>, vector<16xf32>, vector<16xf32>, vector<16xf32>, vector<16xf32>)  : i32 {
        %get3A_504 = arith.index_cast %while3A_495 : i32 to index
        %get3A_505 = arith.constant 0 : index
        %get3A_506 = tpu.vector_load %arg9[%get3A_504, %get3A_505] {strides = array<i32>} : memref<40x128xf32, #tpu.memory_space<vmem>>, vector<16xf32>,
        %add3A_507 = arith.addf %while3A_496, %get3A_506 : vector<16xf32>
        %get3A_508 = arith.index_cast %while3A_495 : i32 to index
        %get3A_509 = arith.constant 16 : index
        %get3A_510 = tpu.vector_load %arg9[%get3A_508, %get3A_509] {strides = array<i32>} : memref<40x128xf32, #tpu.memory_space<vmem>>, vector<16xf32>,
        %add3A_511 = arith.addf %while3A_497, %get3A_510 : vector<16xf32>
        %get3A_512 = arith.index_cast %while3A_495 : i32 to index
        %get3A_513 = arith.constant 32 : index
        %get3A_514 = tpu.vector_load %arg9[%get3A_512, %get3A_513] {strides = array<i32>} : memref<40x128xf32, #tpu.memory_space<vmem>>, vector<16xf32>,
        %add3A_515 = arith.addf %while3A_498, %get3A_514 : vector<16xf32>
        %get3A_516 = arith.index_cast %while3A_495 : i32 to index
        %get3A_517 = arith.constant 48 : index
        %get3A_518 = tpu.vector_load %arg9[%get3A_516, %get3A_517] {strides = array<i32>} : memref<40x128xf32, #tpu.memory_space<vmem>>, vector<16xf32>,
        %add3A_519 = arith.addf %while3A_499, %get3A_518 : vector<16xf32>
        %get3A_520 = arith.index_cast %while3A_495 : i32 to index
        %get3A_521 = arith.constant 64 : index
        %get3A_522 = tpu.vector_load %arg9[%get3A_520, %get3A_521] {strides = array<i32>} : memref<40x128xf32, #tpu.memory_space<vmem>>, vector<16xf32>,
        %add3A_523 = arith.addf %while3A_500, %get3A_522 : vector<16xf32>
        %get3A_524 = arith.index_cast %while3A_495 : i32 to index
        %get3A_525 = arith.constant 80 : index
        %get3A_526 = tpu.vector_load %arg9[%get3A_524, %get3A_525] {strides = array<i32>} : memref<40x128xf32, #tpu.memory_space<vmem>>, vector<16xf32>,
        %add3A_527 = arith.addf %while3A_501, %get3A_526 : vector<16xf32>
        %get3A_528 = arith.index_cast %while3A_495 : i32 to index
        %get3A_529 = arith.constant 96 : index
        %get3A_530 = tpu.vector_load %arg9[%get3A_528, %get3A_529] {strides = array<i32>} : memref<40x128xf32, #tpu.memory_space<vmem>>, vector<16xf32>,
        %add3A_531 = arith.addf %while3A_502, %get3A_530 : vector<16xf32>
        %get3A_532 = arith.index_cast %while3A_495 : i32 to index
        %get3A_533 = arith.constant 112 : index
        %get3A_534 = tpu.vector_load %arg9[%get3A_532, %get3A_533] {strides = array<i32>} : memref<40x128xf32, #tpu.memory_space<vmem>>, vector<16xf32>,
        %add3A_535 = arith.addf %while3A_503, %get3A_534 : vector<16xf32>
        scf.yield %add3A_507, %add3A_511, %add3A_515, %add3A_519, %add3A_523, %add3A_527, %add3A_531, %add3A_535 : vector<16xf32>, vector<16xf32>, vector<16xf32>, vector<16xf32>, vector<16xf32>, vector<16xf32>, vector<16xf32>, vector<16xf32>
      }
      %while3A_423 = arith.constant 1 : i32
      %while3A_424:8 = scf.for %while3A_495 = %while3A_420 to %while3A_416 step %while3A_423 iter_args(%while3A_496 = %while3A_422#0, %while3A_497 = %while3A_422#1, %while3A_498 = %while3A_422#2, %while3A_499 = %while3A_422#3, %while3A_500 = %while3A_422#4, %while3A_501 = %while3A_422#5, %while3A_502 = %while3A_422#6, %while3A_503 = %while3A_422#7) -> (vector<16xf32>, vector<16xf32>, vector<16xf32>, vector<16xf32>, vector<16xf32>, vector<16xf32>, vector<16xf32>, vector<16xf32>)  : i32 {
        %get3A_504 = arith.index_cast %while3A_495 : i32 to index
        %get3A_505 = arith.constant 0 : index
        %get3A_506 = tpu.vector_load %arg9[%get3A_504, %get3A_505] {strides = array<i32>} : memref<40x128xf32, #tpu.memory_space<vmem>>, vector<16xf32>,
        %add3A_507 = arith.addf %while3A_496, %get3A_506 : vector<16xf32>
        %get3A_508 = arith.index_cast %while3A_495 : i32 to index
        %get3A_509 = arith.constant 16 : index
        %get3A_510 = tpu.vector_load %arg9[%get3A_508, %get3A_509] {strides = array<i32>} : memref<40x128xf32, #tpu.memory_space<vmem>>, vector<16xf32>,
        %add3A_511 = arith.addf %while3A_497, %get3A_510 : vector<16xf32>
        %get3A_512 = arith.index_cast %while3A_495 : i32 to index
        %get3A_513 = arith.constant 32 : index
        %get3A_514 = tpu.vector_load %arg9[%get3A_512, %get3A_513] {strides = array<i32>} : memref<40x128xf32, #tpu.memory_space<vmem>>, vector<16xf32>,
        %add3A_515 = arith.addf %while3A_498, %get3A_514 : vector<16xf32>
        %get3A_516 = arith.index_cast %while3A_495 : i32 to index
        %get3A_517 = arith.constant 48 : index
        %get3A_518 = tpu.vector_load %arg9[%get3A_516, %get3A_517] {strides = array<i32>} : memref<40x128xf32, #tpu.memory_space<vmem>>, vector<16xf32>,
        %add3A_519 = arith.addf %while3A_499, %get3A_518 : vector<16xf32>
        %get3A_520 = arith.index_cast %while3A_495 : i32 to index
        %get3A_521 = arith.constant 64 : index
        %get3A_522 = tpu.vector_load %arg9[%get3A_520, %get3A_521] {strides = array<i32>} : memref<40x128xf32, #tpu.memory_space<vmem>>, vector<16xf32>,
        %add3A_523 = arith.addf %while3A_500, %get3A_522 : vector<16xf32>
        %get3A_524 = arith.index_cast %while3A_495 : i32 to index
        %get3A_525 = arith.constant 80 : index
        %get3A_526 = tpu.vector_load %arg9[%get3A_524, %get3A_525] {strides = array<i32>} : memref<40x128xf32, #tpu.memory_space<vmem>>, vector<16xf32>,
        %add3A_527 = arith.addf %while3A_501, %get3A_526 : vector<16xf32>
        %get3A_528 = arith.index_cast %while3A_495 : i32 to index
        %get3A_529 = arith.constant 96 : index
        %get3A_530 = tpu.vector_load %arg9[%get3A_528, %get3A_529] {strides = array<i32>} : memref<40x128xf32, #tpu.memory_space<vmem>>, vector<16xf32>,
        %add3A_531 = arith.addf %while3A_502, %get3A_530 : vector<16xf32>
        %get3A_532 = arith.index_cast %while3A_495 : i32 to index
        %get3A_533 = arith.constant 112 : index
        %get3A_534 = tpu.vector_load %arg9[%get3A_532, %get3A_533] {strides = array<i32>} : memref<40x128xf32, #tpu.memory_space<vmem>>, vector<16xf32>,
        %add3A_535 = arith.addf %while3A_503, %get3A_534 : vector<16xf32>
        scf.yield %add3A_507, %add3A_511, %add3A_515, %add3A_519, %add3A_523, %add3A_527, %add3A_531, %add3A_535 : vector<16xf32>, vector<16xf32>, vector<16xf32>, vector<16xf32>, vector<16xf32>, vector<16xf32>, vector<16xf32>, vector<16xf32>
      }
      %sub3A_425 = arith.subi %min3A_412, %min3A_402 : i32
      %sub3A_426 = arith.subi %min3A_410, %min3A_402 : i32
      %while3A_427 = arith.subi %sub3A_426, %sub3A_425 : i32
      %while3A_428 = arith.addi %sub3A_425, %while3A_427 : i32
      %while3A_429 = arith.constant 1 : i32
      %while3A_430 = arith.divsi %while3A_427, %while3A_429 : i32
      %while3A_431 = arith.muli %while3A_430, %while3A_429 : i32
      %while3A_432 = arith.addi %sub3A_425, %while3A_431 : i32
      %while3A_433 = arith.constant 1 : i32
      %while3A_434:8 = scf.for %while3A_495 = %sub3A_425 to %while3A_432 step %while3A_433 iter_args(%while3A_496 = %while3A_378#0, %while3A_497 = %while3A_378#1, %while3A_498 = %while3A_378#2, %while3A_499 = %while3A_378#3, %while3A_500 = %while3A_378#4, %while3A_501 = %while3A_378#5, %while3A_502 = %while3A_378#6, %while3A_503 = %while3A_378#7) -> (vector<16xf32>, vector<16xf32>, vector<16xf32>, vector<16xf32>, vector<16xf32>, vector<16xf32>, vector<16xf32>, vector<16xf32>)  : i32 {
        %get3A_504 = arith.index_cast %while3A_495 : i32 to index
        %get3A_505 = arith.constant 0 : index
        %get3A_506 = tpu.vector_load %arg9[%get3A_504, %get3A_505] {strides = array<i32>} : memref<40x128xf32, #tpu.memory_space<vmem>>, vector<16xf32>,
        %add3A_507 = arith.addf %while3A_496, %get3A_506 : vector<16xf32>
        %get3A_508 = arith.index_cast %while3A_495 : i32 to index
        %get3A_509 = arith.constant 16 : index
        %get3A_510 = tpu.vector_load %arg9[%get3A_508, %get3A_509] {strides = array<i32>} : memref<40x128xf32, #tpu.memory_space<vmem>>, vector<16xf32>,
        %add3A_511 = arith.addf %while3A_497, %get3A_510 : vector<16xf32>
        %get3A_512 = arith.index_cast %while3A_495 : i32 to index
        %get3A_513 = arith.constant 32 : index
        %get3A_514 = tpu.vector_load %arg9[%get3A_512, %get3A_513] {strides = array<i32>} : memref<40x128xf32, #tpu.memory_space<vmem>>, vector<16xf32>,
        %add3A_515 = arith.addf %while3A_498, %get3A_514 : vector<16xf32>
        %get3A_516 = arith.index_cast %while3A_495 : i32 to index
        %get3A_517 = arith.constant 48 : index
        %get3A_518 = tpu.vector_load %arg9[%get3A_516, %get3A_517] {strides = array<i32>} : memref<40x128xf32, #tpu.memory_space<vmem>>, vector<16xf32>,
        %add3A_519 = arith.addf %while3A_499, %get3A_518 : vector<16xf32>
        %get3A_520 = arith.index_cast %while3A_495 : i32 to index
        %get3A_521 = arith.constant 64 : index
        %get3A_522 = tpu.vector_load %arg9[%get3A_520, %get3A_521] {strides = array<i32>} : memref<40x128xf32, #tpu.memory_space<vmem>>, vector<16xf32>,
        %add3A_523 = arith.addf %while3A_500, %get3A_522 : vector<16xf32>
        %get3A_524 = arith.index_cast %while3A_495 : i32 to index
        %get3A_525 = arith.constant 80 : index
        %get3A_526 = tpu.vector_load %arg9[%get3A_524, %get3A_525] {strides = array<i32>} : memref<40x128xf32, #tpu.memory_space<vmem>>, vector<16xf32>,
        %add3A_527 = arith.addf %while3A_501, %get3A_526 : vector<16xf32>
        %get3A_528 = arith.index_cast %while3A_495 : i32 to index
        %get3A_529 = arith.constant 96 : index
        %get3A_530 = tpu.vector_load %arg9[%get3A_528, %get3A_529] {strides = array<i32>} : memref<40x128xf32, #tpu.memory_space<vmem>>, vector<16xf32>,
        %add3A_531 = arith.addf %while3A_502, %get3A_530 : vector<16xf32>
        %get3A_532 = arith.index_cast %while3A_495 : i32 to index
        %get3A_533 = arith.constant 112 : index
        %get3A_534 = tpu.vector_load %arg9[%get3A_532, %get3A_533] {strides = array<i32>} : memref<40x128xf32, #tpu.memory_space<vmem>>, vector<16xf32>,
        %add3A_535 = arith.addf %while3A_503, %get3A_534 : vector<16xf32>
        scf.yield %add3A_507, %add3A_511, %add3A_515, %add3A_519, %add3A_523, %add3A_527, %add3A_531, %add3A_535 : vector<16xf32>, vector<16xf32>, vector<16xf32>, vector<16xf32>, vector<16xf32>, vector<16xf32>, vector<16xf32>, vector<16xf32>
      }
      %while3A_435 = arith.constant 1 : i32
      %while3A_436:8 = scf.for %while3A_495 = %while3A_432 to %while3A_428 step %while3A_435 iter_args(%while3A_496 = %while3A_434#0, %while3A_497 = %while3A_434#1, %while3A_498 = %while3A_434#2, %while3A_499 = %while3A_434#3, %while3A_500 = %while3A_434#4, %while3A_501 = %while3A_434#5, %while3A_502 = %while3A_434#6, %while3A_503 = %while3A_434#7) -> (vector<16xf32>, vector<16xf32>, vector<16xf32>, vector<16xf32>, vector<16xf32>, vector<16xf32>, vector<16xf32>, vector<16xf32>)  : i32 {
        %get3A_504 = arith.index_cast %while3A_495 : i32 to index
        %get3A_505 = arith.constant 0 : index
        %get3A_506 = tpu.vector_load %arg9[%get3A_504, %get3A_505] {strides = array<i32>} : memref<40x128xf32, #tpu.memory_space<vmem>>, vector<16xf32>,
        %add3A_507 = arith.addf %while3A_496, %get3A_506 : vector<16xf32>
        %get3A_508 = arith.index_cast %while3A_495 : i32 to index
        %get3A_509 = arith.constant 16 : index
        %get3A_510 = tpu.vector_load %arg9[%get3A_508, %get3A_509] {strides = array<i32>} : memref<40x128xf32, #tpu.memory_space<vmem>>, vector<16xf32>,
        %add3A_511 = arith.addf %while3A_497, %get3A_510 : vector<16xf32>
        %get3A_512 = arith.index_cast %while3A_495 : i32 to index
        %get3A_513 = arith.constant 32 : index
        %get3A_514 = tpu.vector_load %arg9[%get3A_512, %get3A_513] {strides = array<i32>} : memref<40x128xf32, #tpu.memory_space<vmem>>, vector<16xf32>,
        %add3A_515 = arith.addf %while3A_498, %get3A_514 : vector<16xf32>
        %get3A_516 = arith.index_cast %while3A_495 : i32 to index
        %get3A_517 = arith.constant 48 : index
        %get3A_518 = tpu.vector_load %arg9[%get3A_516, %get3A_517] {strides = array<i32>} : memref<40x128xf32, #tpu.memory_space<vmem>>, vector<16xf32>,
        %add3A_519 = arith.addf %while3A_499, %get3A_518 : vector<16xf32>
        %get3A_520 = arith.index_cast %while3A_495 : i32 to index
        %get3A_521 = arith.constant 64 : index
        %get3A_522 = tpu.vector_load %arg9[%get3A_520, %get3A_521] {strides = array<i32>} : memref<40x128xf32, #tpu.memory_space<vmem>>, vector<16xf32>,
        %add3A_523 = arith.addf %while3A_500, %get3A_522 : vector<16xf32>
        %get3A_524 = arith.index_cast %while3A_495 : i32 to index
        %get3A_525 = arith.constant 80 : index
        %get3A_526 = tpu.vector_load %arg9[%get3A_524, %get3A_525] {strides = array<i32>} : memref<40x128xf32, #tpu.memory_space<vmem>>, vector<16xf32>,
        %add3A_527 = arith.addf %while3A_501, %get3A_526 : vector<16xf32>
        %get3A_528 = arith.index_cast %while3A_495 : i32 to index
        %get3A_529 = arith.constant 96 : index
        %get3A_530 = tpu.vector_load %arg9[%get3A_528, %get3A_529] {strides = array<i32>} : memref<40x128xf32, #tpu.memory_space<vmem>>, vector<16xf32>,
        %add3A_531 = arith.addf %while3A_502, %get3A_530 : vector<16xf32>
        %get3A_532 = arith.index_cast %while3A_495 : i32 to index
        %get3A_533 = arith.constant 112 : index
        %get3A_534 = tpu.vector_load %arg9[%get3A_532, %get3A_533] {strides = array<i32>} : memref<40x128xf32, #tpu.memory_space<vmem>>, vector<16xf32>,
        %add3A_535 = arith.addf %while3A_503, %get3A_534 : vector<16xf32>
        scf.yield %add3A_507, %add3A_511, %add3A_515, %add3A_519, %add3A_523, %add3A_527, %add3A_531, %add3A_535 : vector<16xf32>, vector<16xf32>, vector<16xf32>, vector<16xf32>, vector<16xf32>, vector<16xf32>, vector<16xf32>, vector<16xf32>
      }
      %dma_wait3A_437 = arith.constant 0 : i32
      %dma_wait3A_438 = arith.constant 0 : i32
      %dma_wait3A_439 = tpu.memref_slice %arg2[%dma_wait3A_437, %dma_wait3A_438] : memref<10000x128xf32, #tpu.memory_space<hbm>> -> memref<40x128xf32, #tpu.memory_space<hbm>>
      %dma_wait3A_440 = arith.constant 0 : i32
      %dma_wait3A_441 = arith.constant 0 : i32
      %dma_wait3A_442 = tpu.memref_slice %arg2[%dma_wait3A_440, %dma_wait3A_441] : memref<10000x128xf32, #tpu.memory_space<hbm>> -> memref<40x128xf32, #tpu.memory_space<hbm>>
      tpu.wait_dma2 semaphore(%arg15 : memref<!tpu.dma_semaphore, #tpu.memory_space<semaphore_mem>>) src(%dma_wait3A_442 : memref<40x128xf32, #tpu.memory_space<hbm>>) dst(%arg10 : memref<40x128xf32, #tpu.memory_space<vmem>>)
      %add3A_443 = arith.constant 3 : i32
      %add3A_444 = arith.addi %add3A_265, %add3A_443 : i32
      %add3A_445 = arith.constant 3 : i32
      %add3A_446 = arith.addi %add3A_444, %add3A_445 : i32
      %mul3A_447 = arith.constant 40 : i32
      %mul3A_448 = arith.muli %add3A_446, %mul3A_447 : i32
      %min3A_449 = arith.constant 9960 : i32
      %min3A_450 = arith.minsi %mul3A_448, %min3A_449 : i32
      %dma_start3A_451 = arith.constant 0 : i32
      %dma_start3A_452 = tpu.memref_slice %arg2[%min3A_450, %dma_start3A_451] : memref<10000x128xf32, #tpu.memory_space<hbm>> -> memref<40x128xf32, #tpu.memory_space<hbm>>
      %dma_start3A_453 = arith.constant 0 : i32
      %dma_start3A_454 = tpu.memref_slice %arg2[%min3A_450, %dma_start3A_453] : memref<10000x128xf32, #tpu.memory_space<hbm>> -> memref<40x128xf32, #tpu.memory_space<hbm>>
      tpu.enqueue_dma source(%dma_start3A_454 : memref<40x128xf32, #tpu.memory_space<hbm>>) target(%arg9 : memref<40x128xf32, #tpu.memory_space<vmem>>) target_semaphore(%arg14 : memref<!tpu.dma_semaphore, #tpu.memory_space<semaphore_mem>>)
      %add3A_455 = arith.constant 3 : i32
      %add3A_456 = arith.addi %add3A_265, %add3A_455 : i32
      %mul3A_457 = arith.constant 40 : i32
      %mul3A_458 = arith.muli %add3A_456, %mul3A_457 : i32
      %min3A_459 = arith.constant 9960 : i32
      %min3A_460 = arith.minsi %mul3A_458, %min3A_459 : i32
      %mul3A_461 = arith.constant 40 : i32
      %mul3A_462 = arith.muli %add3A_456, %mul3A_461 : i32
      %max3A_463 = arith.maxsi %add3A_54, %mul3A_462 : i32
      %add3A_464 = arith.constant 1 : i32
      %add3A_465 = arith.addi %add3A_456, %add3A_464 : i32
      %mul3A_466 = arith.constant 40 : i32
      %mul3A_467 = arith.muli %add3A_465, %mul3A_466 : i32
      %min3A_468 = arith.minsi %add3A_110, %mul3A_467 : i32
      %max3A_469 = arith.maxsi %add3A_82, %max3A_463 : i32
      %min3A_470 = arith.minsi %max3A_469, %min3A_468 : i32
      %sub3A_471 = arith.subi %max3A_463, %min3A_460 : i32
      %sub3A_472 = arith.subi %min3A_470, %min3A_460 : i32
      %while3A_473 = arith.subi %sub3A_472, %sub3A_471 : i32
      %while3A_474 = arith.addi %sub3A_471, %while3A_473 : i32
      %while3A_475 = arith.constant 1 : i32
      %while3A_476 = arith.divsi %while3A_473, %while3A_475 : i32
      %while3A_477 = arith.muli %while3A_476, %while3A_475 : i32
      %while3A_478 = arith.addi %sub3A_471, %while3A_477 : i32
      %while3A_479 = arith.constant 1 : i32
      %while3A_480:8 = scf.for %while3A_495 = %sub3A_471 to %while3A_478 step %while3A_479 iter_args(%while3A_496 = %while3A_424#0, %while3A_497 = %while3A_424#1, %while3A_498 = %while3A_424#2, %while3A_499 = %while3A_424#3, %while3A_500 = %while3A_424#4, %while3A_501 = %while3A_424#5, %while3A_502 = %while3A_424#6, %while3A_503 = %while3A_424#7) -> (vector<16xf32>, vector<16xf32>, vector<16xf32>, vector<16xf32>, vector<16xf32>, vector<16xf32>, vector<16xf32>, vector<16xf32>)  : i32 {
        %get3A_504 = arith.index_cast %while3A_495 : i32 to index
        %get3A_505 = arith.constant 0 : index
        %get3A_506 = tpu.vector_load %arg10[%get3A_504, %get3A_505] {strides = array<i32>} : memref<40x128xf32, #tpu.memory_space<vmem>>, vector<16xf32>,
        %add3A_507 = arith.addf %while3A_496, %get3A_506 : vector<16xf32>
        %get3A_508 = arith.index_cast %while3A_495 : i32 to index
        %get3A_509 = arith.constant 16 : index
        %get3A_510 = tpu.vector_load %arg10[%get3A_508, %get3A_509] {strides = array<i32>} : memref<40x128xf32, #tpu.memory_space<vmem>>, vector<16xf32>,
        %add3A_511 = arith.addf %while3A_497, %get3A_510 : vector<16xf32>
        %get3A_512 = arith.index_cast %while3A_495 : i32 to index
        %get3A_513 = arith.constant 32 : index
        %get3A_514 = tpu.vector_load %arg10[%get3A_512, %get3A_513] {strides = array<i32>} : memref<40x128xf32, #tpu.memory_space<vmem>>, vector<16xf32>,
        %add3A_515 = arith.addf %while3A_498, %get3A_514 : vector<16xf32>
        %get3A_516 = arith.index_cast %while3A_495 : i32 to index
        %get3A_517 = arith.constant 48 : index
        %get3A_518 = tpu.vector_load %arg10[%get3A_516, %get3A_517] {strides = array<i32>} : memref<40x128xf32, #tpu.memory_space<vmem>>, vector<16xf32>,
        %add3A_519 = arith.addf %while3A_499, %get3A_518 : vector<16xf32>
        %get3A_520 = arith.index_cast %while3A_495 : i32 to index
        %get3A_521 = arith.constant 64 : index
        %get3A_522 = tpu.vector_load %arg10[%get3A_520, %get3A_521] {strides = array<i32>} : memref<40x128xf32, #tpu.memory_space<vmem>>, vector<16xf32>,
        %add3A_523 = arith.addf %while3A_500, %get3A_522 : vector<16xf32>
        %get3A_524 = arith.index_cast %while3A_495 : i32 to index
        %get3A_525 = arith.constant 80 : index
        %get3A_526 = tpu.vector_load %arg10[%get3A_524, %get3A_525] {strides = array<i32>} : memref<40x128xf32, #tpu.memory_space<vmem>>, vector<16xf32>,
        %add3A_527 = arith.addf %while3A_501, %get3A_526 : vector<16xf32>
        %get3A_528 = arith.index_cast %while3A_495 : i32 to index
        %get3A_529 = arith.constant 96 : index
        %get3A_530 = tpu.vector_load %arg10[%get3A_528, %get3A_529] {strides = array<i32>} : memref<40x128xf32, #tpu.memory_space<vmem>>, vector<16xf32>,
        %add3A_531 = arith.addf %while3A_502, %get3A_530 : vector<16xf32>
        %get3A_532 = arith.index_cast %while3A_495 : i32 to index
        %get3A_533 = arith.constant 112 : index
        %get3A_534 = tpu.vector_load %arg10[%get3A_532, %get3A_533] {strides = array<i32>} : memref<40x128xf32, #tpu.memory_space<vmem>>, vector<16xf32>,
        %add3A_535 = arith.addf %while3A_503, %get3A_534 : vector<16xf32>
        scf.yield %add3A_507, %add3A_511, %add3A_515, %add3A_519, %add3A_523, %add3A_527, %add3A_531, %add3A_535 : vector<16xf32>, vector<16xf32>, vector<16xf32>, vector<16xf32>, vector<16xf32>, vector<16xf32>, vector<16xf32>, vector<16xf32>
      }
      %while3A_481 = arith.constant 1 : i32
      %while3A_482:8 = scf.for %while3A_495 = %while3A_478 to %while3A_474 step %while3A_481 iter_args(%while3A_496 = %while3A_480#0, %while3A_497 = %while3A_480#1, %while3A_498 = %while3A_480#2, %while3A_499 = %while3A_480#3, %while3A_500 = %while3A_480#4, %while3A_501 = %while3A_480#5, %while3A_502 = %while3A_480#6, %while3A_503 = %while3A_480#7) -> (vector<16xf32>, vector<16xf32>, vector<16xf32>, vector<16xf32>, vector<16xf32>, vector<16xf32>, vector<16xf32>, vector<16xf32>)  : i32 {
        %get3A_504 = arith.index_cast %while3A_495 : i32 to index
        %get3A_505 = arith.constant 0 : index
        %get3A_506 = tpu.vector_load %arg10[%get3A_504, %get3A_505] {strides = array<i32>} : memref<40x128xf32, #tpu.memory_space<vmem>>, vector<16xf32>,
        %add3A_507 = arith.addf %while3A_496, %get3A_506 : vector<16xf32>
        %get3A_508 = arith.index_cast %while3A_495 : i32 to index
        %get3A_509 = arith.constant 16 : index
        %get3A_510 = tpu.vector_load %arg10[%get3A_508, %get3A_509] {strides = array<i32>} : memref<40x128xf32, #tpu.memory_space<vmem>>, vector<16xf32>,
        %add3A_511 = arith.addf %while3A_497, %get3A_510 : vector<16xf32>
        %get3A_512 = arith.index_cast %while3A_495 : i32 to index
        %get3A_513 = arith.constant 32 : index
        %get3A_514 = tpu.vector_load %arg10[%get3A_512, %get3A_513] {strides = array<i32>} : memref<40x128xf32, #tpu.memory_space<vmem>>, vector<16xf32>,
        %add3A_515 = arith.addf %while3A_498, %get3A_514 : vector<16xf32>
        %get3A_516 = arith.index_cast %while3A_495 : i32 to index
        %get3A_517 = arith.constant 48 : index
        %get3A_518 = tpu.vector_load %arg10[%get3A_516, %get3A_517] {strides = array<i32>} : memref<40x128xf32, #tpu.memory_space<vmem>>, vector<16xf32>,
        %add3A_519 = arith.addf %while3A_499, %get3A_518 : vector<16xf32>
        %get3A_520 = arith.index_cast %while3A_495 : i32 to index
        %get3A_521 = arith.constant 64 : index
        %get3A_522 = tpu.vector_load %arg10[%get3A_520, %get3A_521] {strides = array<i32>} : memref<40x128xf32, #tpu.memory_space<vmem>>, vector<16xf32>,
        %add3A_523 = arith.addf %while3A_500, %get3A_522 : vector<16xf32>
        %get3A_524 = arith.index_cast %while3A_495 : i32 to index
        %get3A_525 = arith.constant 80 : index
        %get3A_526 = tpu.vector_load %arg10[%get3A_524, %get3A_525] {strides = array<i32>} : memref<40x128xf32, #tpu.memory_space<vmem>>, vector<16xf32>,
        %add3A_527 = arith.addf %while3A_501, %get3A_526 : vector<16xf32>
        %get3A_528 = arith.index_cast %while3A_495 : i32 to index
        %get3A_529 = arith.constant 96 : index
        %get3A_530 = tpu.vector_load %arg10[%get3A_528, %get3A_529] {strides = array<i32>} : memref<40x128xf32, #tpu.memory_space<vmem>>, vector<16xf32>,
        %add3A_531 = arith.addf %while3A_502, %get3A_530 : vector<16xf32>
        %get3A_532 = arith.index_cast %while3A_495 : i32 to index
        %get3A_533 = arith.constant 112 : index
        %get3A_534 = tpu.vector_load %arg10[%get3A_532, %get3A_533] {strides = array<i32>} : memref<40x128xf32, #tpu.memory_space<vmem>>, vector<16xf32>,
        %add3A_535 = arith.addf %while3A_503, %get3A_534 : vector<16xf32>
        scf.yield %add3A_507, %add3A_511, %add3A_515, %add3A_519, %add3A_523, %add3A_527, %add3A_531, %add3A_535 : vector<16xf32>, vector<16xf32>, vector<16xf32>, vector<16xf32>, vector<16xf32>, vector<16xf32>, vector<16xf32>, vector<16xf32>
      }
      %sub3A_483 = arith.subi %min3A_470, %min3A_460 : i32
      %sub3A_484 = arith.subi %min3A_468, %min3A_460 : i32
      %while3A_485 = arith.subi %sub3A_484, %sub3A_483 : i32
      %while3A_486 = arith.addi %sub3A_483, %while3A_485 : i32
      %while3A_487 = arith.constant 1 : i32
      %while3A_488 = arith.divsi %while3A_485, %while3A_487 : i32
      %while3A_489 = arith.muli %while3A_488, %while3A_487 : i32
      %while3A_490 = arith.addi %sub3A_483, %while3A_489 : i32
      %while3A_491 = arith.constant 1 : i32
      %while3A_492:8 = scf.for %while3A_495 = %sub3A_483 to %while3A_490 step %while3A_491 iter_args(%while3A_496 = %while3A_436#0, %while3A_497 = %while3A_436#1, %while3A_498 = %while3A_436#2, %while3A_499 = %while3A_436#3, %while3A_500 = %while3A_436#4, %while3A_501 = %while3A_436#5, %while3A_502 = %while3A_436#6, %while3A_503 = %while3A_436#7) -> (vector<16xf32>, vector<16xf32>, vector<16xf32>, vector<16xf32>, vector<16xf32>, vector<16xf32>, vector<16xf32>, vector<16xf32>)  : i32 {
        %get3A_504 = arith.index_cast %while3A_495 : i32 to index
        %get3A_505 = arith.constant 0 : index
        %get3A_506 = tpu.vector_load %arg10[%get3A_504, %get3A_505] {strides = array<i32>} : memref<40x128xf32, #tpu.memory_space<vmem>>, vector<16xf32>,
        %add3A_507 = arith.addf %while3A_496, %get3A_506 : vector<16xf32>
        %get3A_508 = arith.index_cast %while3A_495 : i32 to index
        %get3A_509 = arith.constant 16 : index
        %get3A_510 = tpu.vector_load %arg10[%get3A_508, %get3A_509] {strides = array<i32>} : memref<40x128xf32, #tpu.memory_space<vmem>>, vector<16xf32>,
        %add3A_511 = arith.addf %while3A_497, %get3A_510 : vector<16xf32>
        %get3A_512 = arith.index_cast %while3A_495 : i32 to index
        %get3A_513 = arith.constant 32 : index
        %get3A_514 = tpu.vector_load %arg10[%get3A_512, %get3A_513] {strides = array<i32>} : memref<40x128xf32, #tpu.memory_space<vmem>>, vector<16xf32>,
        %add3A_515 = arith.addf %while3A_498, %get3A_514 : vector<16xf32>
        %get3A_516 = arith.index_cast %while3A_495 : i32 to index
        %get3A_517 = arith.constant 48 : index
        %get3A_518 = tpu.vector_load %arg10[%get3A_516, %get3A_517] {strides = array<i32>} : memref<40x128xf32, #tpu.memory_space<vmem>>, vector<16xf32>,
        %add3A_519 = arith.addf %while3A_499, %get3A_518 : vector<16xf32>
        %get3A_520 = arith.index_cast %while3A_495 : i32 to index
        %get3A_521 = arith.constant 64 : index
        %get3A_522 = tpu.vector_load %arg10[%get3A_520, %get3A_521] {strides = array<i32>} : memref<40x128xf32, #tpu.memory_space<vmem>>, vector<16xf32>,
        %add3A_523 = arith.addf %while3A_500, %get3A_522 : vector<16xf32>
        %get3A_524 = arith.index_cast %while3A_495 : i32 to index
        %get3A_525 = arith.constant 80 : index
        %get3A_526 = tpu.vector_load %arg10[%get3A_524, %get3A_525] {strides = array<i32>} : memref<40x128xf32, #tpu.memory_space<vmem>>, vector<16xf32>,
        %add3A_527 = arith.addf %while3A_501, %get3A_526 : vector<16xf32>
        %get3A_528 = arith.index_cast %while3A_495 : i32 to index
        %get3A_529 = arith.constant 96 : index
        %get3A_530 = tpu.vector_load %arg10[%get3A_528, %get3A_529] {strides = array<i32>} : memref<40x128xf32, #tpu.memory_space<vmem>>, vector<16xf32>,
        %add3A_531 = arith.addf %while3A_502, %get3A_530 : vector<16xf32>
        %get3A_532 = arith.index_cast %while3A_495 : i32 to index
        %get3A_533 = arith.constant 112 : index
        %get3A_534 = tpu.vector_load %arg10[%get3A_532, %get3A_533] {strides = array<i32>} : memref<40x128xf32, #tpu.memory_space<vmem>>, vector<16xf32>,
        %add3A_535 = arith.addf %while3A_503, %get3A_534 : vector<16xf32>
        scf.yield %add3A_507, %add3A_511, %add3A_515, %add3A_519, %add3A_523, %add3A_527, %add3A_531, %add3A_535 : vector<16xf32>, vector<16xf32>, vector<16xf32>, vector<16xf32>, vector<16xf32>, vector<16xf32>, vector<16xf32>, vector<16xf32>
      }
      %while3A_493 = arith.constant 1 : i32
      %while3A_494:8 = scf.for %while3A_495 = %while3A_490 to %while3A_486 step %while3A_493 iter_args(%while3A_496 = %while3A_492#0, %while3A_497 = %while3A_492#1, %while3A_498 = %while3A_492#2, %while3A_499 = %while3A_492#3, %while3A_500 = %while3A_492#4, %while3A_501 = %while3A_492#5, %while3A_502 = %while3A_492#6, %while3A_503 = %while3A_492#7) -> (vector<16xf32>, vector<16xf32>, vector<16xf32>, vector<16xf32>, vector<16xf32>, vector<16xf32>, vector<16xf32>, vector<16xf32>)  : i32 {
        %get3A_504 = arith.index_cast %while3A_495 : i32 to index
        %get3A_505 = arith.constant 0 : index
        %get3A_506 = tpu.vector_load %arg10[%get3A_504, %get3A_505] {strides = array<i32>} : memref<40x128xf32, #tpu.memory_space<vmem>>, vector<16xf32>,
        %add3A_507 = arith.addf %while3A_496, %get3A_506 : vector<16xf32>
        %get3A_508 = arith.index_cast %while3A_495 : i32 to index
        %get3A_509 = arith.constant 16 : index
        %get3A_510 = tpu.vector_load %arg10[%get3A_508, %get3A_509] {strides = array<i32>} : memref<40x128xf32, #tpu.memory_space<vmem>>, vector<16xf32>,
        %add3A_511 = arith.addf %while3A_497, %get3A_510 : vector<16xf32>
        %get3A_512 = arith.index_cast %while3A_495 : i32 to index
        %get3A_513 = arith.constant 32 : index
        %get3A_514 = tpu.vector_load %arg10[%get3A_512, %get3A_513] {strides = array<i32>} : memref<40x128xf32, #tpu.memory_space<vmem>>, vector<16xf32>,
        %add3A_515 = arith.addf %while3A_498, %get3A_514 : vector<16xf32>
        %get3A_516 = arith.index_cast %while3A_495 : i32 to index
        %get3A_517 = arith.constant 48 : index
        %get3A_518 = tpu.vector_load %arg10[%get3A_516, %get3A_517] {strides = array<i32>} : memref<40x128xf32, #tpu.memory_space<vmem>>, vector<16xf32>,
        %add3A_519 = arith.addf %while3A_499, %get3A_518 : vector<16xf32>
        %get3A_520 = arith.index_cast %while3A_495 : i32 to index
        %get3A_521 = arith.constant 64 : index
        %get3A_522 = tpu.vector_load %arg10[%get3A_520, %get3A_521] {strides = array<i32>} : memref<40x128xf32, #tpu.memory_space<vmem>>, vector<16xf32>,
        %add3A_523 = arith.addf %while3A_500, %get3A_522 : vector<16xf32>
        %get3A_524 = arith.index_cast %while3A_495 : i32 to index
        %get3A_525 = arith.constant 80 : index
        %get3A_526 = tpu.vector_load %arg10[%get3A_524, %get3A_525] {strides = array<i32>} : memref<40x128xf32, #tpu.memory_space<vmem>>, vector<16xf32>,
        %add3A_527 = arith.addf %while3A_501, %get3A_526 : vector<16xf32>
        %get3A_528 = arith.index_cast %while3A_495 : i32 to index
        %get3A_529 = arith.constant 96 : index
        %get3A_530 = tpu.vector_load %arg10[%get3A_528, %get3A_529] {strides = array<i32>} : memref<40x128xf32, #tpu.memory_space<vmem>>, vector<16xf32>,
        %add3A_531 = arith.addf %while3A_502, %get3A_530 : vector<16xf32>
        %get3A_532 = arith.index_cast %while3A_495 : i32 to index
        %get3A_533 = arith.constant 112 : index
        %get3A_534 = tpu.vector_load %arg10[%get3A_532, %get3A_533] {strides = array<i32>} : memref<40x128xf32, #tpu.memory_space<vmem>>, vector<16xf32>,
        %add3A_535 = arith.addf %while3A_503, %get3A_534 : vector<16xf32>
        scf.yield %add3A_507, %add3A_511, %add3A_515, %add3A_519, %add3A_523, %add3A_527, %add3A_531, %add3A_535 : vector<16xf32>, vector<16xf32>, vector<16xf32>, vector<16xf32>, vector<16xf32>, vector<16xf32>, vector<16xf32>, vector<16xf32>
      }
      scf.yield %while3A_482#0, %while3A_482#1, %while3A_482#2, %while3A_482#3, %while3A_482#4, %while3A_482#5, %while3A_482#6, %while3A_482#7, %while3A_494#0, %while3A_494#1, %while3A_494#2, %while3A_494#3, %while3A_494#4, %while3A_494#5, %while3A_494#6, %while3A_494#7 : vector<16xf32>, vector<16xf32>, vector<16xf32>, vector<16xf32>, vector<16xf32>, vector<16xf32>, vector<16xf32>, vector<16xf32>, vector<16xf32>, vector<16xf32>, vector<16xf32>, vector<16xf32>, vector<16xf32>, vector<16xf32>, vector<16xf32>, vector<16xf32>
    }
    %while3A_164 = arith.constant 1 : i32
    %while3A_165:16 = scf.for %while3A_246 = %while3A_161 to %while3A_157 step %while3A_164 iter_args(%while3A_247 = %while3A_163#0, %while3A_248 = %while3A_163#1, %while3A_249 = %while3A_163#2, %while3A_250 = %while3A_163#3, %while3A_251 = %while3A_163#4, %while3A_252 = %while3A_163#5, %while3A_253 = %while3A_163#6, %while3A_254 = %while3A_163#7, %while3A_255 = %while3A_163#8, %while3A_256 = %while3A_163#9, %while3A_257 = %while3A_163#10, %while3A_258 = %while3A_163#11, %while3A_259 = %while3A_163#12, %while3A_260 = %while3A_163#13, %while3A_261 = %while3A_163#14, %while3A_262 = %while3A_163#15) -> (vector<16xf32>, vector<16xf32>, vector<16xf32>, vector<16xf32>, vector<16xf32>, vector<16xf32>, vector<16xf32>, vector<16xf32>, vector<16xf32>, vector<16xf32>, vector<16xf32>, vector<16xf32>, vector<16xf32>, vector<16xf32>, vector<16xf32>, vector<16xf32>)  : i32 {
      %mul3A_263 = arith.constant 4 : i32
      %mul3A_264 = arith.muli %mul3A_263, %while3A_246 : i32
      %add3A_265 = arith.addi %div3A_111, %mul3A_264 : i32
      %dma_wait3A = arith.constant 0 : i32
      %dma_wait3A_266 = arith.constant 0 : i32
      %dma_wait3A_267 = tpu.memref_slice %arg2[%dma_wait3A, %dma_wait3A_266] : memref<10000x128xf32, #tpu.memory_space<hbm>> -> memref<40x128xf32, #tpu.memory_space<hbm>>
      %dma_wait3A_268 = arith.constant 0 : i32
      %dma_wait3A_269 = arith.constant 0 : i32
      %dma_wait3A_270 = tpu.memref_slice %arg2[%dma_wait3A_268, %dma_wait3A_269] : memref<10000x128xf32, #tpu.memory_space<hbm>> -> memref<40x128xf32, #tpu.memory_space<hbm>>
      tpu.wait_dma2 semaphore(%arg12 : memref<!tpu.dma_semaphore, #tpu.memory_space<semaphore_mem>>) src(%dma_wait3A_270 : memref<40x128xf32, #tpu.memory_space<hbm>>) dst(%arg7 : memref<40x128xf32, #tpu.memory_space<vmem>>)
      %add3A_271 = arith.constant 0 : i32
      %add3A_272 = arith.addi %add3A_265, %add3A_271 : i32
      %add3A_273 = arith.constant 3 : i32
      %add3A_274 = arith.addi %add3A_272, %add3A_273 : i32
      %mul3A_275 = arith.constant 40 : i32
      %mul3A_276 = arith.muli %add3A_274, %mul3A_275 : i32
      %min3A = arith.constant 9960 : i32
      %min3A_277 = arith.minsi %mul3A_276, %min3A : i32
      %dma_start3A = arith.constant 0 : i32
      %dma_start3A_278 = tpu.memref_slice %arg2[%min3A_277, %dma_start3A] : memref<10000x128xf32, #tpu.memory_space<hbm>> -> memref<40x128xf32, #tpu.memory_space<hbm>>
      %dma_start3A_279 = arith.constant 0 : i32
      %dma_start3A_280 = tpu.memref_slice %arg2[%min3A_277, %dma_start3A_279] : memref<10000x128xf32, #tpu.memory_space<hbm>> -> memref<40x128xf32, #tpu.memory_space<hbm>>
      tpu.enqueue_dma source(%dma_start3A_280 : memref<40x128xf32, #tpu.memory_space<hbm>>) target(%arg10 : memref<40x128xf32, #tpu.memory_space<vmem>>) target_semaphore(%arg15 : memref<!tpu.dma_semaphore, #tpu.memory_space<semaphore_mem>>)
      %add3A_281 = arith.constant 0 : i32
      %add3A_282 = arith.addi %add3A_265, %add3A_281 : i32
      %mul3A_283 = arith.constant 40 : i32
      %mul3A_284 = arith.muli %add3A_282, %mul3A_283 : i32
      %min3A_285 = arith.constant 9960 : i32
      %min3A_286 = arith.minsi %mul3A_284, %min3A_285 : i32
      %mul3A_287 = arith.constant 40 : i32
      %mul3A_288 = arith.muli %add3A_282, %mul3A_287 : i32
      %max3A_289 = arith.maxsi %add3A_54, %mul3A_288 : i32
      %add3A_290 = arith.constant 1 : i32
      %add3A_291 = arith.addi %add3A_282, %add3A_290 : i32
      %mul3A_292 = arith.constant 40 : i32
      %mul3A_293 = arith.muli %add3A_291, %mul3A_292 : i32
      %min3A_294 = arith.minsi %add3A_110, %mul3A_293 : i32
      %max3A_295 = arith.maxsi %add3A_82, %max3A_289 : i32
      %min3A_296 = arith.minsi %max3A_295, %min3A_294 : i32
      %sub3A_297 = arith.subi %max3A_289, %min3A_286 : i32
      %sub3A_298 = arith.subi %min3A_296, %min3A_286 : i32
      %while3A_299 = arith.subi %sub3A_298, %sub3A_297 : i32
      %while3A_300 = arith.addi %sub3A_297, %while3A_299 : i32
      %while3A_301 = arith.constant 1 : i32
      %while3A_302 = arith.divsi %while3A_299, %while3A_301 : i32
      %while3A_303 = arith.muli %while3A_302, %while3A_301 : i32
      %while3A_304 = arith.addi %sub3A_297, %while3A_303 : i32
      %while3A_305 = arith.constant 1 : i32
      %while3A_306:8 = scf.for %while3A_495 = %sub3A_297 to %while3A_304 step %while3A_305 iter_args(%while3A_496 = %while3A_247, %while3A_497 = %while3A_248, %while3A_498 = %while3A_249, %while3A_499 = %while3A_250, %while3A_500 = %while3A_251, %while3A_501 = %while3A_252, %while3A_502 = %while3A_253, %while3A_503 = %while3A_254) -> (vector<16xf32>, vector<16xf32>, vector<16xf32>, vector<16xf32>, vector<16xf32>, vector<16xf32>, vector<16xf32>, vector<16xf32>)  : i32 {
        %get3A_504 = arith.index_cast %while3A_495 : i32 to index
        %get3A_505 = arith.constant 0 : index
        %get3A_506 = tpu.vector_load %arg7[%get3A_504, %get3A_505] {strides = array<i32>} : memref<40x128xf32, #tpu.memory_space<vmem>>, vector<16xf32>,
        %add3A_507 = arith.addf %while3A_496, %get3A_506 : vector<16xf32>
        %get3A_508 = arith.index_cast %while3A_495 : i32 to index
        %get3A_509 = arith.constant 16 : index
        %get3A_510 = tpu.vector_load %arg7[%get3A_508, %get3A_509] {strides = array<i32>} : memref<40x128xf32, #tpu.memory_space<vmem>>, vector<16xf32>,
        %add3A_511 = arith.addf %while3A_497, %get3A_510 : vector<16xf32>
        %get3A_512 = arith.index_cast %while3A_495 : i32 to index
        %get3A_513 = arith.constant 32 : index
        %get3A_514 = tpu.vector_load %arg7[%get3A_512, %get3A_513] {strides = array<i32>} : memref<40x128xf32, #tpu.memory_space<vmem>>, vector<16xf32>,
        %add3A_515 = arith.addf %while3A_498, %get3A_514 : vector<16xf32>
        %get3A_516 = arith.index_cast %while3A_495 : i32 to index
        %get3A_517 = arith.constant 48 : index
        %get3A_518 = tpu.vector_load %arg7[%get3A_516, %get3A_517] {strides = array<i32>} : memref<40x128xf32, #tpu.memory_space<vmem>>, vector<16xf32>,
        %add3A_519 = arith.addf %while3A_499, %get3A_518 : vector<16xf32>
        %get3A_520 = arith.index_cast %while3A_495 : i32 to index
        %get3A_521 = arith.constant 64 : index
        %get3A_522 = tpu.vector_load %arg7[%get3A_520, %get3A_521] {strides = array<i32>} : memref<40x128xf32, #tpu.memory_space<vmem>>, vector<16xf32>,
        %add3A_523 = arith.addf %while3A_500, %get3A_522 : vector<16xf32>
        %get3A_524 = arith.index_cast %while3A_495 : i32 to index
        %get3A_525 = arith.constant 80 : index
        %get3A_526 = tpu.vector_load %arg7[%get3A_524, %get3A_525] {strides = array<i32>} : memref<40x128xf32, #tpu.memory_space<vmem>>, vector<16xf32>,
        %add3A_527 = arith.addf %while3A_501, %get3A_526 : vector<16xf32>
        %get3A_528 = arith.index_cast %while3A_495 : i32 to index
        %get3A_529 = arith.constant 96 : index
        %get3A_530 = tpu.vector_load %arg7[%get3A_528, %get3A_529] {strides = array<i32>} : memref<40x128xf32, #tpu.memory_space<vmem>>, vector<16xf32>,
        %add3A_531 = arith.addf %while3A_502, %get3A_530 : vector<16xf32>
        %get3A_532 = arith.index_cast %while3A_495 : i32 to index
        %get3A_533 = arith.constant 112 : index
        %get3A_534 = tpu.vector_load %arg7[%get3A_532, %get3A_533] {strides = array<i32>} : memref<40x128xf32, #tpu.memory_space<vmem>>, vector<16xf32>,
        %add3A_535 = arith.addf %while3A_503, %get3A_534 : vector<16xf32>
        scf.yield %add3A_507, %add3A_511, %add3A_515, %add3A_519, %add3A_523, %add3A_527, %add3A_531, %add3A_535 : vector<16xf32>, vector<16xf32>, vector<16xf32>, vector<16xf32>, vector<16xf32>, vector<16xf32>, vector<16xf32>, vector<16xf32>
      }
      %while3A_307 = arith.constant 1 : i32
      %while3A_308:8 = scf.for %while3A_495 = %while3A_304 to %while3A_300 step %while3A_307 iter_args(%while3A_496 = %while3A_306#0, %while3A_497 = %while3A_306#1, %while3A_498 = %while3A_306#2, %while3A_499 = %while3A_306#3, %while3A_500 = %while3A_306#4, %while3A_501 = %while3A_306#5, %while3A_502 = %while3A_306#6, %while3A_503 = %while3A_306#7) -> (vector<16xf32>, vector<16xf32>, vector<16xf32>, vector<16xf32>, vector<16xf32>, vector<16xf32>, vector<16xf32>, vector<16xf32>)  : i32 {
        %get3A_504 = arith.index_cast %while3A_495 : i32 to index
        %get3A_505 = arith.constant 0 : index
        %get3A_506 = tpu.vector_load %arg7[%get3A_504, %get3A_505] {strides = array<i32>} : memref<40x128xf32, #tpu.memory_space<vmem>>, vector<16xf32>,
        %add3A_507 = arith.addf %while3A_496, %get3A_506 : vector<16xf32>
        %get3A_508 = arith.index_cast %while3A_495 : i32 to index
        %get3A_509 = arith.constant 16 : index
        %get3A_510 = tpu.vector_load %arg7[%get3A_508, %get3A_509] {strides = array<i32>} : memref<40x128xf32, #tpu.memory_space<vmem>>, vector<16xf32>,
        %add3A_511 = arith.addf %while3A_497, %get3A_510 : vector<16xf32>
        %get3A_512 = arith.index_cast %while3A_495 : i32 to index
        %get3A_513 = arith.constant 32 : index
        %get3A_514 = tpu.vector_load %arg7[%get3A_512, %get3A_513] {strides = array<i32>} : memref<40x128xf32, #tpu.memory_space<vmem>>, vector<16xf32>,
        %add3A_515 = arith.addf %while3A_498, %get3A_514 : vector<16xf32>
        %get3A_516 = arith.index_cast %while3A_495 : i32 to index
        %get3A_517 = arith.constant 48 : index
        %get3A_518 = tpu.vector_load %arg7[%get3A_516, %get3A_517] {strides = array<i32>} : memref<40x128xf32, #tpu.memory_space<vmem>>, vector<16xf32>,
        %add3A_519 = arith.addf %while3A_499, %get3A_518 : vector<16xf32>
        %get3A_520 = arith.index_cast %while3A_495 : i32 to index
        %get3A_521 = arith.constant 64 : index
        %get3A_522 = tpu.vector_load %arg7[%get3A_520, %get3A_521] {strides = array<i32>} : memref<40x128xf32, #tpu.memory_space<vmem>>, vector<16xf32>,
        %add3A_523 = arith.addf %while3A_500, %get3A_522 : vector<16xf32>
        %get3A_524 = arith.index_cast %while3A_495 : i32 to index
        %get3A_525 = arith.constant 80 : index
        %get3A_526 = tpu.vector_load %arg7[%get3A_524, %get3A_525] {strides = array<i32>} : memref<40x128xf32, #tpu.memory_space<vmem>>, vector<16xf32>,
        %add3A_527 = arith.addf %while3A_501, %get3A_526 : vector<16xf32>
        %get3A_528 = arith.index_cast %while3A_495 : i32 to index
        %get3A_529 = arith.constant 96 : index
        %get3A_530 = tpu.vector_load %arg7[%get3A_528, %get3A_529] {strides = array<i32>} : memref<40x128xf32, #tpu.memory_space<vmem>>, vector<16xf32>,
        %add3A_531 = arith.addf %while3A_502, %get3A_530 : vector<16xf32>
        %get3A_532 = arith.index_cast %while3A_495 : i32 to index
        %get3A_533 = arith.constant 112 : index
        %get3A_534 = tpu.vector_load %arg7[%get3A_532, %get3A_533] {strides = array<i32>} : memref<40x128xf32, #tpu.memory_space<vmem>>, vector<16xf32>,
        %add3A_535 = arith.addf %while3A_503, %get3A_534 : vector<16xf32>
        scf.yield %add3A_507, %add3A_511, %add3A_515, %add3A_519, %add3A_523, %add3A_527, %add3A_531, %add3A_535 : vector<16xf32>, vector<16xf32>, vector<16xf32>, vector<16xf32>, vector<16xf32>, vector<16xf32>, vector<16xf32>, vector<16xf32>
      }
      %sub3A_309 = arith.subi %min3A_296, %min3A_286 : i32
      %sub3A_310 = arith.subi %min3A_294, %min3A_286 : i32
      %while3A_311 = arith.subi %sub3A_310, %sub3A_309 : i32
      %while3A_312 = arith.addi %sub3A_309, %while3A_311 : i32
      %while3A_313 = arith.constant 1 : i32
      %while3A_314 = arith.divsi %while3A_311, %while3A_313 : i32
      %while3A_315 = arith.muli %while3A_314, %while3A_313 : i32
      %while3A_316 = arith.addi %sub3A_309, %while3A_315 : i32
      %while3A_317 = arith.constant 1 : i32
      %while3A_318:8 = scf.for %while3A_495 = %sub3A_309 to %while3A_316 step %while3A_317 iter_args(%while3A_496 = %while3A_255, %while3A_497 = %while3A_256, %while3A_498 = %while3A_257, %while3A_499 = %while3A_258, %while3A_500 = %while3A_259, %while3A_501 = %while3A_260, %while3A_502 = %while3A_261, %while3A_503 = %while3A_262) -> (vector<16xf32>, vector<16xf32>, vector<16xf32>, vector<16xf32>, vector<16xf32>, vector<16xf32>, vector<16xf32>, vector<16xf32>)  : i32 {
        %get3A_504 = arith.index_cast %while3A_495 : i32 to index
        %get3A_505 = arith.constant 0 : index
        %get3A_506 = tpu.vector_load %arg7[%get3A_504, %get3A_505] {strides = array<i32>} : memref<40x128xf32, #tpu.memory_space<vmem>>, vector<16xf32>,
        %add3A_507 = arith.addf %while3A_496, %get3A_506 : vector<16xf32>
        %get3A_508 = arith.index_cast %while3A_495 : i32 to index
        %get3A_509 = arith.constant 16 : index
        %get3A_510 = tpu.vector_load %arg7[%get3A_508, %get3A_509] {strides = array<i32>} : memref<40x128xf32, #tpu.memory_space<vmem>>, vector<16xf32>,
        %add3A_511 = arith.addf %while3A_497, %get3A_510 : vector<16xf32>
        %get3A_512 = arith.index_cast %while3A_495 : i32 to index
        %get3A_513 = arith.constant 32 : index
        %get3A_514 = tpu.vector_load %arg7[%get3A_512, %get3A_513] {strides = array<i32>} : memref<40x128xf32, #tpu.memory_space<vmem>>, vector<16xf32>,
        %add3A_515 = arith.addf %while3A_498, %get3A_514 : vector<16xf32>
        %get3A_516 = arith.index_cast %while3A_495 : i32 to index
        %get3A_517 = arith.constant 48 : index
        %get3A_518 = tpu.vector_load %arg7[%get3A_516, %get3A_517] {strides = array<i32>} : memref<40x128xf32, #tpu.memory_space<vmem>>, vector<16xf32>,
        %add3A_519 = arith.addf %while3A_499, %get3A_518 : vector<16xf32>
        %get3A_520 = arith.index_cast %while3A_495 : i32 to index
        %get3A_521 = arith.constant 64 : index
        %get3A_522 = tpu.vector_load %arg7[%get3A_520, %get3A_521] {strides = array<i32>} : memref<40x128xf32, #tpu.memory_space<vmem>>, vector<16xf32>,
        %add3A_523 = arith.addf %while3A_500, %get3A_522 : vector<16xf32>
        %get3A_524 = arith.index_cast %while3A_495 : i32 to index
        %get3A_525 = arith.constant 80 : index
        %get3A_526 = tpu.vector_load %arg7[%get3A_524, %get3A_525] {strides = array<i32>} : memref<40x128xf32, #tpu.memory_space<vmem>>, vector<16xf32>,
        %add3A_527 = arith.addf %while3A_501, %get3A_526 : vector<16xf32>
        %get3A_528 = arith.index_cast %while3A_495 : i32 to index
        %get3A_529 = arith.constant 96 : index
        %get3A_530 = tpu.vector_load %arg7[%get3A_528, %get3A_529] {strides = array<i32>} : memref<40x128xf32, #tpu.memory_space<vmem>>, vector<16xf32>,
        %add3A_531 = arith.addf %while3A_502, %get3A_530 : vector<16xf32>
        %get3A_532 = arith.index_cast %while3A_495 : i32 to index
        %get3A_533 = arith.constant 112 : index
        %get3A_534 = tpu.vector_load %arg7[%get3A_532, %get3A_533] {strides = array<i32>} : memref<40x128xf32, #tpu.memory_space<vmem>>, vector<16xf32>,
        %add3A_535 = arith.addf %while3A_503, %get3A_534 : vector<16xf32>
        scf.yield %add3A_507, %add3A_511, %add3A_515, %add3A_519, %add3A_523, %add3A_527, %add3A_531, %add3A_535 : vector<16xf32>, vector<16xf32>, vector<16xf32>, vector<16xf32>, vector<16xf32>, vector<16xf32>, vector<16xf32>, vector<16xf32>
      }
      %while3A_319 = arith.constant 1 : i32
      %while3A_320:8 = scf.for %while3A_495 = %while3A_316 to %while3A_312 step %while3A_319 iter_args(%while3A_496 = %while3A_318#0, %while3A_497 = %while3A_318#1, %while3A_498 = %while3A_318#2, %while3A_499 = %while3A_318#3, %while3A_500 = %while3A_318#4, %while3A_501 = %while3A_318#5, %while3A_502 = %while3A_318#6, %while3A_503 = %while3A_318#7) -> (vector<16xf32>, vector<16xf32>, vector<16xf32>, vector<16xf32>, vector<16xf32>, vector<16xf32>, vector<16xf32>, vector<16xf32>)  : i32 {
        %get3A_504 = arith.index_cast %while3A_495 : i32 to index
        %get3A_505 = arith.constant 0 : index
        %get3A_506 = tpu.vector_load %arg7[%get3A_504, %get3A_505] {strides = array<i32>} : memref<40x128xf32, #tpu.memory_space<vmem>>, vector<16xf32>,
        %add3A_507 = arith.addf %while3A_496, %get3A_506 : vector<16xf32>
        %get3A_508 = arith.index_cast %while3A_495 : i32 to index
        %get3A_509 = arith.constant 16 : index
        %get3A_510 = tpu.vector_load %arg7[%get3A_508, %get3A_509] {strides = array<i32>} : memref<40x128xf32, #tpu.memory_space<vmem>>, vector<16xf32>,
        %add3A_511 = arith.addf %while3A_497, %get3A_510 : vector<16xf32>
        %get3A_512 = arith.index_cast %while3A_495 : i32 to index
        %get3A_513 = arith.constant 32 : index
        %get3A_514 = tpu.vector_load %arg7[%get3A_512, %get3A_513] {strides = array<i32>} : memref<40x128xf32, #tpu.memory_space<vmem>>, vector<16xf32>,
        %add3A_515 = arith.addf %while3A_498, %get3A_514 : vector<16xf32>
        %get3A_516 = arith.index_cast %while3A_495 : i32 to index
        %get3A_517 = arith.constant 48 : index
        %get3A_518 = tpu.vector_load %arg7[%get3A_516, %get3A_517] {strides = array<i32>} : memref<40x128xf32, #tpu.memory_space<vmem>>, vector<16xf32>,
        %add3A_519 = arith.addf %while3A_499, %get3A_518 : vector<16xf32>
        %get3A_520 = arith.index_cast %while3A_495 : i32 to index
        %get3A_521 = arith.constant 64 : index
        %get3A_522 = tpu.vector_load %arg7[%get3A_520, %get3A_521] {strides = array<i32>} : memref<40x128xf32, #tpu.memory_space<vmem>>, vector<16xf32>,
        %add3A_523 = arith.addf %while3A_500, %get3A_522 : vector<16xf32>
        %get3A_524 = arith.index_cast %while3A_495 : i32 to index
        %get3A_525 = arith.constant 80 : index
        %get3A_526 = tpu.vector_load %arg7[%get3A_524, %get3A_525] {strides = array<i32>} : memref<40x128xf32, #tpu.memory_space<vmem>>, vector<16xf32>,
        %add3A_527 = arith.addf %while3A_501, %get3A_526 : vector<16xf32>
        %get3A_528 = arith.index_cast %while3A_495 : i32 to index
        %get3A_529 = arith.constant 96 : index
        %get3A_530 = tpu.vector_load %arg7[%get3A_528, %get3A_529] {strides = array<i32>} : memref<40x128xf32, #tpu.memory_space<vmem>>, vector<16xf32>,
        %add3A_531 = arith.addf %while3A_502, %get3A_530 : vector<16xf32>
        %get3A_532 = arith.index_cast %while3A_495 : i32 to index
        %get3A_533 = arith.constant 112 : index
        %get3A_534 = tpu.vector_load %arg7[%get3A_532, %get3A_533] {strides = array<i32>} : memref<40x128xf32, #tpu.memory_space<vmem>>, vector<16xf32>,
        %add3A_535 = arith.addf %while3A_503, %get3A_534 : vector<16xf32>
        scf.yield %add3A_507, %add3A_511, %add3A_515, %add3A_519, %add3A_523, %add3A_527, %add3A_531, %add3A_535 : vector<16xf32>, vector<16xf32>, vector<16xf32>, vector<16xf32>, vector<16xf32>, vector<16xf32>, vector<16xf32>, vector<16xf32>
      }
      %dma_wait3A_321 = arith.constant 0 : i32
      %dma_wait3A_322 = arith.constant 0 : i32
      %dma_wait3A_323 = tpu.memref_slice %arg2[%dma_wait3A_321, %dma_wait3A_322] : memref<10000x128xf32, #tpu.memory_space<hbm>> -> memref<40x128xf32, #tpu.memory_space<hbm>>
      %dma_wait3A_324 = arith.constant 0 : i32
      %dma_wait3A_325 = arith.constant 0 : i32
      %dma_wait3A_326 = tpu.memref_slice %arg2[%dma_wait3A_324, %dma_wait3A_325] : memref<10000x128xf32, #tpu.memory_space<hbm>> -> memref<40x128xf32, #tpu.memory_space<hbm>>
      tpu.wait_dma2 semaphore(%arg13 : memref<!tpu.dma_semaphore, #tpu.memory_space<semaphore_mem>>) src(%dma_wait3A_326 : memref<40x128xf32, #tpu.memory_space<hbm>>) dst(%arg8 : memref<40x128xf32, #tpu.memory_space<vmem>>)
      %add3A_327 = arith.constant 1 : i32
      %add3A_328 = arith.addi %add3A_265, %add3A_327 : i32
      %add3A_329 = arith.constant 3 : i32
      %add3A_330 = arith.addi %add3A_328, %add3A_329 : i32
      %mul3A_331 = arith.constant 40 : i32
      %mul3A_332 = arith.muli %add3A_330, %mul3A_331 : i32
      %min3A_333 = arith.constant 9960 : i32
      %min3A_334 = arith.minsi %mul3A_332, %min3A_333 : i32
      %dma_start3A_335 = arith.constant 0 : i32
      %dma_start3A_336 = tpu.memref_slice %arg2[%min3A_334, %dma_start3A_335] : memref<10000x128xf32, #tpu.memory_space<hbm>> -> memref<40x128xf32, #tpu.memory_space<hbm>>
      %dma_start3A_337 = arith.constant 0 : i32
      %dma_start3A_338 = tpu.memref_slice %arg2[%min3A_334, %dma_start3A_337] : memref<10000x128xf32, #tpu.memory_space<hbm>> -> memref<40x128xf32, #tpu.memory_space<hbm>>
      tpu.enqueue_dma source(%dma_start3A_338 : memref<40x128xf32, #tpu.memory_space<hbm>>) target(%arg7 : memref<40x128xf32, #tpu.memory_space<vmem>>) target_semaphore(%arg12 : memref<!tpu.dma_semaphore, #tpu.memory_space<semaphore_mem>>)
      %add3A_339 = arith.constant 1 : i32
      %add3A_340 = arith.addi %add3A_265, %add3A_339 : i32
      %mul3A_341 = arith.constant 40 : i32
      %mul3A_342 = arith.muli %add3A_340, %mul3A_341 : i32
      %min3A_343 = arith.constant 9960 : i32
      %min3A_344 = arith.minsi %mul3A_342, %min3A_343 : i32
      %mul3A_345 = arith.constant 40 : i32
      %mul3A_346 = arith.muli %add3A_340, %mul3A_345 : i32
      %max3A_347 = arith.maxsi %add3A_54, %mul3A_346 : i32
      %add3A_348 = arith.constant 1 : i32
      %add3A_349 = arith.addi %add3A_340, %add3A_348 : i32
      %mul3A_350 = arith.constant 40 : i32
      %mul3A_351 = arith.muli %add3A_349, %mul3A_350 : i32
      %min3A_352 = arith.minsi %add3A_110, %mul3A_351 : i32
      %max3A_353 = arith.maxsi %add3A_82, %max3A_347 : i32
      %min3A_354 = arith.minsi %max3A_353, %min3A_352 : i32
      %sub3A_355 = arith.subi %max3A_347, %min3A_344 : i32
      %sub3A_356 = arith.subi %min3A_354, %min3A_344 : i32
      %while3A_357 = arith.subi %sub3A_356, %sub3A_355 : i32
      %while3A_358 = arith.addi %sub3A_355, %while3A_357 : i32
      %while3A_359 = arith.constant 1 : i32
      %while3A_360 = arith.divsi %while3A_357, %while3A_359 : i32
      %while3A_361 = arith.muli %while3A_360, %while3A_359 : i32
      %while3A_362 = arith.addi %sub3A_355, %while3A_361 : i32
      %while3A_363 = arith.constant 1 : i32
      %while3A_364:8 = scf.for %while3A_495 = %sub3A_355 to %while3A_362 step %while3A_363 iter_args(%while3A_496 = %while3A_308#0, %while3A_497 = %while3A_308#1, %while3A_498 = %while3A_308#2, %while3A_499 = %while3A_308#3, %while3A_500 = %while3A_308#4, %while3A_501 = %while3A_308#5, %while3A_502 = %while3A_308#6, %while3A_503 = %while3A_308#7) -> (vector<16xf32>, vector<16xf32>, vector<16xf32>, vector<16xf32>, vector<16xf32>, vector<16xf32>, vector<16xf32>, vector<16xf32>)  : i32 {
        %get3A_504 = arith.index_cast %while3A_495 : i32 to index
        %get3A_505 = arith.constant 0 : index
        %get3A_506 = tpu.vector_load %arg8[%get3A_504, %get3A_505] {strides = array<i32>} : memref<40x128xf32, #tpu.memory_space<vmem>>, vector<16xf32>,
        %add3A_507 = arith.addf %while3A_496, %get3A_506 : vector<16xf32>
        %get3A_508 = arith.index_cast %while3A_495 : i32 to index
        %get3A_509 = arith.constant 16 : index
        %get3A_510 = tpu.vector_load %arg8[%get3A_508, %get3A_509] {strides = array<i32>} : memref<40x128xf32, #tpu.memory_space<vmem>>, vector<16xf32>,
        %add3A_511 = arith.addf %while3A_497, %get3A_510 : vector<16xf32>
        %get3A_512 = arith.index_cast %while3A_495 : i32 to index
        %get3A_513 = arith.constant 32 : index
        %get3A_514 = tpu.vector_load %arg8[%get3A_512, %get3A_513] {strides = array<i32>} : memref<40x128xf32, #tpu.memory_space<vmem>>, vector<16xf32>,
        %add3A_515 = arith.addf %while3A_498, %get3A_514 : vector<16xf32>
        %get3A_516 = arith.index_cast %while3A_495 : i32 to index
        %get3A_517 = arith.constant 48 : index
        %get3A_518 = tpu.vector_load %arg8[%get3A_516, %get3A_517] {strides = array<i32>} : memref<40x128xf32, #tpu.memory_space<vmem>>, vector<16xf32>,
        %add3A_519 = arith.addf %while3A_499, %get3A_518 : vector<16xf32>
        %get3A_520 = arith.index_cast %while3A_495 : i32 to index
        %get3A_521 = arith.constant 64 : index
        %get3A_522 = tpu.vector_load %arg8[%get3A_520, %get3A_521] {strides = array<i32>} : memref<40x128xf32, #tpu.memory_space<vmem>>, vector<16xf32>,
        %add3A_523 = arith.addf %while3A_500, %get3A_522 : vector<16xf32>
        %get3A_524 = arith.index_cast %while3A_495 : i32 to index
        %get3A_525 = arith.constant 80 : index
        %get3A_526 = tpu.vector_load %arg8[%get3A_524, %get3A_525] {strides = array<i32>} : memref<40x128xf32, #tpu.memory_space<vmem>>, vector<16xf32>,
        %add3A_527 = arith.addf %while3A_501, %get3A_526 : vector<16xf32>
        %get3A_528 = arith.index_cast %while3A_495 : i32 to index
        %get3A_529 = arith.constant 96 : index
        %get3A_530 = tpu.vector_load %arg8[%get3A_528, %get3A_529] {strides = array<i32>} : memref<40x128xf32, #tpu.memory_space<vmem>>, vector<16xf32>,
        %add3A_531 = arith.addf %while3A_502, %get3A_530 : vector<16xf32>
        %get3A_532 = arith.index_cast %while3A_495 : i32 to index
        %get3A_533 = arith.constant 112 : index
        %get3A_534 = tpu.vector_load %arg8[%get3A_532, %get3A_533] {strides = array<i32>} : memref<40x128xf32, #tpu.memory_space<vmem>>, vector<16xf32>,
        %add3A_535 = arith.addf %while3A_503, %get3A_534 : vector<16xf32>
        scf.yield %add3A_507, %add3A_511, %add3A_515, %add3A_519, %add3A_523, %add3A_527, %add3A_531, %add3A_535 : vector<16xf32>, vector<16xf32>, vector<16xf32>, vector<16xf32>, vector<16xf32>, vector<16xf32>, vector<16xf32>, vector<16xf32>
      }
      %while3A_365 = arith.constant 1 : i32
      %while3A_366:8 = scf.for %while3A_495 = %while3A_362 to %while3A_358 step %while3A_365 iter_args(%while3A_496 = %while3A_364#0, %while3A_497 = %while3A_364#1, %while3A_498 = %while3A_364#2, %while3A_499 = %while3A_364#3, %while3A_500 = %while3A_364#4, %while3A_501 = %while3A_364#5, %while3A_502 = %while3A_364#6, %while3A_503 = %while3A_364#7) -> (vector<16xf32>, vector<16xf32>, vector<16xf32>, vector<16xf32>, vector<16xf32>, vector<16xf32>, vector<16xf32>, vector<16xf32>)  : i32 {
        %get3A_504 = arith.index_cast %while3A_495 : i32 to index
        %get3A_505 = arith.constant 0 : index
        %get3A_506 = tpu.vector_load %arg8[%get3A_504, %get3A_505] {strides = array<i32>} : memref<40x128xf32, #tpu.memory_space<vmem>>, vector<16xf32>,
        %add3A_507 = arith.addf %while3A_496, %get3A_506 : vector<16xf32>
        %get3A_508 = arith.index_cast %while3A_495 : i32 to index
        %get3A_509 = arith.constant 16 : index
        %get3A_510 = tpu.vector_load %arg8[%get3A_508, %get3A_509] {strides = array<i32>} : memref<40x128xf32, #tpu.memory_space<vmem>>, vector<16xf32>,
        %add3A_511 = arith.addf %while3A_497, %get3A_510 : vector<16xf32>
        %get3A_512 = arith.index_cast %while3A_495 : i32 to index
        %get3A_513 = arith.constant 32 : index
        %get3A_514 = tpu.vector_load %arg8[%get3A_512, %get3A_513] {strides = array<i32>} : memref<40x128xf32, #tpu.memory_space<vmem>>, vector<16xf32>,
        %add3A_515 = arith.addf %while3A_498, %get3A_514 : vector<16xf32>
        %get3A_516 = arith.index_cast %while3A_495 : i32 to index
        %get3A_517 = arith.constant 48 : index
        %get3A_518 = tpu.vector_load %arg8[%get3A_516, %get3A_517] {strides = array<i32>} : memref<40x128xf32, #tpu.memory_space<vmem>>, vector<16xf32>,
        %add3A_519 = arith.addf %while3A_499, %get3A_518 : vector<16xf32>
        %get3A_520 = arith.index_cast %while3A_495 : i32 to index
        %get3A_521 = arith.constant 64 : index
        %get3A_522 = tpu.vector_load %arg8[%get3A_520, %get3A_521] {strides = array<i32>} : memref<40x128xf32, #tpu.memory_space<vmem>>, vector<16xf32>,
        %add3A_523 = arith.addf %while3A_500, %get3A_522 : vector<16xf32>
        %get3A_524 = arith.index_cast %while3A_495 : i32 to index
        %get3A_525 = arith.constant 80 : index
        %get3A_526 = tpu.vector_load %arg8[%get3A_524, %get3A_525] {strides = array<i32>} : memref<40x128xf32, #tpu.memory_space<vmem>>, vector<16xf32>,
        %add3A_527 = arith.addf %while3A_501, %get3A_526 : vector<16xf32>
        %get3A_528 = arith.index_cast %while3A_495 : i32 to index
        %get3A_529 = arith.constant 96 : index
        %get3A_530 = tpu.vector_load %arg8[%get3A_528, %get3A_529] {strides = array<i32>} : memref<40x128xf32, #tpu.memory_space<vmem>>, vector<16xf32>,
        %add3A_531 = arith.addf %while3A_502, %get3A_530 : vector<16xf32>
        %get3A_532 = arith.index_cast %while3A_495 : i32 to index
        %get3A_533 = arith.constant 112 : index
        %get3A_534 = tpu.vector_load %arg8[%get3A_532, %get3A_533] {strides = array<i32>} : memref<40x128xf32, #tpu.memory_space<vmem>>, vector<16xf32>,
        %add3A_535 = arith.addf %while3A_503, %get3A_534 : vector<16xf32>
        scf.yield %add3A_507, %add3A_511, %add3A_515, %add3A_519, %add3A_523, %add3A_527, %add3A_531, %add3A_535 : vector<16xf32>, vector<16xf32>, vector<16xf32>, vector<16xf32>, vector<16xf32>, vector<16xf32>, vector<16xf32>, vector<16xf32>
      }
      %sub3A_367 = arith.subi %min3A_354, %min3A_344 : i32
      %sub3A_368 = arith.subi %min3A_352, %min3A_344 : i32
      %while3A_369 = arith.subi %sub3A_368, %sub3A_367 : i32
      %while3A_370 = arith.addi %sub3A_367, %while3A_369 : i32
      %while3A_371 = arith.constant 1 : i32
      %while3A_372 = arith.divsi %while3A_369, %while3A_371 : i32
      %while3A_373 = arith.muli %while3A_372, %while3A_371 : i32
      %while3A_374 = arith.addi %sub3A_367, %while3A_373 : i32
      %while3A_375 = arith.constant 1 : i32
      %while3A_376:8 = scf.for %while3A_495 = %sub3A_367 to %while3A_374 step %while3A_375 iter_args(%while3A_496 = %while3A_320#0, %while3A_497 = %while3A_320#1, %while3A_498 = %while3A_320#2, %while3A_499 = %while3A_320#3, %while3A_500 = %while3A_320#4, %while3A_501 = %while3A_320#5, %while3A_502 = %while3A_320#6, %while3A_503 = %while3A_320#7) -> (vector<16xf32>, vector<16xf32>, vector<16xf32>, vector<16xf32>, vector<16xf32>, vector<16xf32>, vector<16xf32>, vector<16xf32>)  : i32 {
        %get3A_504 = arith.index_cast %while3A_495 : i32 to index
        %get3A_505 = arith.constant 0 : index
        %get3A_506 = tpu.vector_load %arg8[%get3A_504, %get3A_505] {strides = array<i32>} : memref<40x128xf32, #tpu.memory_space<vmem>>, vector<16xf32>,
        %add3A_507 = arith.addf %while3A_496, %get3A_506 : vector<16xf32>
        %get3A_508 = arith.index_cast %while3A_495 : i32 to index
        %get3A_509 = arith.constant 16 : index
        %get3A_510 = tpu.vector_load %arg8[%get3A_508, %get3A_509] {strides = array<i32>} : memref<40x128xf32, #tpu.memory_space<vmem>>, vector<16xf32>,
        %add3A_511 = arith.addf %while3A_497, %get3A_510 : vector<16xf32>
        %get3A_512 = arith.index_cast %while3A_495 : i32 to index
        %get3A_513 = arith.constant 32 : index
        %get3A_514 = tpu.vector_load %arg8[%get3A_512, %get3A_513] {strides = array<i32>} : memref<40x128xf32, #tpu.memory_space<vmem>>, vector<16xf32>,
        %add3A_515 = arith.addf %while3A_498, %get3A_514 : vector<16xf32>
        %get3A_516 = arith.index_cast %while3A_495 : i32 to index
        %get3A_517 = arith.constant 48 : index
        %get3A_518 = tpu.vector_load %arg8[%get3A_516, %get3A_517] {strides = array<i32>} : memref<40x128xf32, #tpu.memory_space<vmem>>, vector<16xf32>,
        %add3A_519 = arith.addf %while3A_499, %get3A_518 : vector<16xf32>
        %get3A_520 = arith.index_cast %while3A_495 : i32 to index
        %get3A_521 = arith.constant 64 : index
        %get3A_522 = tpu.vector_load %arg8[%get3A_520, %get3A_521] {strides = array<i32>} : memref<40x128xf32, #tpu.memory_space<vmem>>, vector<16xf32>,
        %add3A_523 = arith.addf %while3A_500, %get3A_522 : vector<16xf32>
        %get3A_524 = arith.index_cast %while3A_495 : i32 to index
        %get3A_525 = arith.constant 80 : index
        %get3A_526 = tpu.vector_load %arg8[%get3A_524, %get3A_525] {strides = array<i32>} : memref<40x128xf32, #tpu.memory_space<vmem>>, vector<16xf32>,
        %add3A_527 = arith.addf %while3A_501, %get3A_526 : vector<16xf32>
        %get3A_528 = arith.index_cast %while3A_495 : i32 to index
        %get3A_529 = arith.constant 96 : index
        %get3A_530 = tpu.vector_load %arg8[%get3A_528, %get3A_529] {strides = array<i32>} : memref<40x128xf32, #tpu.memory_space<vmem>>, vector<16xf32>,
        %add3A_531 = arith.addf %while3A_502, %get3A_530 : vector<16xf32>
        %get3A_532 = arith.index_cast %while3A_495 : i32 to index
        %get3A_533 = arith.constant 112 : index
        %get3A_534 = tpu.vector_load %arg8[%get3A_532, %get3A_533] {strides = array<i32>} : memref<40x128xf32, #tpu.memory_space<vmem>>, vector<16xf32>,
        %add3A_535 = arith.addf %while3A_503, %get3A_534 : vector<16xf32>
        scf.yield %add3A_507, %add3A_511, %add3A_515, %add3A_519, %add3A_523, %add3A_527, %add3A_531, %add3A_535 : vector<16xf32>, vector<16xf32>, vector<16xf32>, vector<16xf32>, vector<16xf32>, vector<16xf32>, vector<16xf32>, vector<16xf32>
      }
      %while3A_377 = arith.constant 1 : i32
      %while3A_378:8 = scf.for %while3A_495 = %while3A_374 to %while3A_370 step %while3A_377 iter_args(%while3A_496 = %while3A_376#0, %while3A_497 = %while3A_376#1, %while3A_498 = %while3A_376#2, %while3A_499 = %while3A_376#3, %while3A_500 = %while3A_376#4, %while3A_501 = %while3A_376#5, %while3A_502 = %while3A_376#6, %while3A_503 = %while3A_376#7) -> (vector<16xf32>, vector<16xf32>, vector<16xf32>, vector<16xf32>, vector<16xf32>, vector<16xf32>, vector<16xf32>, vector<16xf32>)  : i32 {
        %get3A_504 = arith.index_cast %while3A_495 : i32 to index
        %get3A_505 = arith.constant 0 : index
        %get3A_506 = tpu.vector_load %arg8[%get3A_504, %get3A_505] {strides = array<i32>} : memref<40x128xf32, #tpu.memory_space<vmem>>, vector<16xf32>,
        %add3A_507 = arith.addf %while3A_496, %get3A_506 : vector<16xf32>
        %get3A_508 = arith.index_cast %while3A_495 : i32 to index
        %get3A_509 = arith.constant 16 : index
        %get3A_510 = tpu.vector_load %arg8[%get3A_508, %get3A_509] {strides = array<i32>} : memref<40x128xf32, #tpu.memory_space<vmem>>, vector<16xf32>,
        %add3A_511 = arith.addf %while3A_497, %get3A_510 : vector<16xf32>
        %get3A_512 = arith.index_cast %while3A_495 : i32 to index
        %get3A_513 = arith.constant 32 : index
        %get3A_514 = tpu.vector_load %arg8[%get3A_512, %get3A_513] {strides = array<i32>} : memref<40x128xf32, #tpu.memory_space<vmem>>, vector<16xf32>,
        %add3A_515 = arith.addf %while3A_498, %get3A_514 : vector<16xf32>
        %get3A_516 = arith.index_cast %while3A_495 : i32 to index
        %get3A_517 = arith.constant 48 : index
        %get3A_518 = tpu.vector_load %arg8[%get3A_516, %get3A_517] {strides = array<i32>} : memref<40x128xf32, #tpu.memory_space<vmem>>, vector<16xf32>,
        %add3A_519 = arith.addf %while3A_499, %get3A_518 : vector<16xf32>
        %get3A_520 = arith.index_cast %while3A_495 : i32 to index
        %get3A_521 = arith.constant 64 : index
        %get3A_522 = tpu.vector_load %arg8[%get3A_520, %get3A_521] {strides = array<i32>} : memref<40x128xf32, #tpu.memory_space<vmem>>, vector<16xf32>,
        %add3A_523 = arith.addf %while3A_500, %get3A_522 : vector<16xf32>
        %get3A_524 = arith.index_cast %while3A_495 : i32 to index
        %get3A_525 = arith.constant 80 : index
        %get3A_526 = tpu.vector_load %arg8[%get3A_524, %get3A_525] {strides = array<i32>} : memref<40x128xf32, #tpu.memory_space<vmem>>, vector<16xf32>,
        %add3A_527 = arith.addf %while3A_501, %get3A_526 : vector<16xf32>
        %get3A_528 = arith.index_cast %while3A_495 : i32 to index
        %get3A_529 = arith.constant 96 : index
        %get3A_530 = tpu.vector_load %arg8[%get3A_528, %get3A_529] {strides = array<i32>} : memref<40x128xf32, #tpu.memory_space<vmem>>, vector<16xf32>,
        %add3A_531 = arith.addf %while3A_502, %get3A_530 : vector<16xf32>
        %get3A_532 = arith.index_cast %while3A_495 : i32 to index
        %get3A_533 = arith.constant 112 : index
        %get3A_534 = tpu.vector_load %arg8[%get3A_532, %get3A_533] {strides = array<i32>} : memref<40x128xf32, #tpu.memory_space<vmem>>, vector<16xf32>,
        %add3A_535 = arith.addf %while3A_503, %get3A_534 : vector<16xf32>
        scf.yield %add3A_507, %add3A_511, %add3A_515, %add3A_519, %add3A_523, %add3A_527, %add3A_531, %add3A_535 : vector<16xf32>, vector<16xf32>, vector<16xf32>, vector<16xf32>, vector<16xf32>, vector<16xf32>, vector<16xf32>, vector<16xf32>
      }
      %dma_wait3A_379 = arith.constant 0 : i32
      %dma_wait3A_380 = arith.constant 0 : i32
      %dma_wait3A_381 = tpu.memref_slice %arg2[%dma_wait3A_379, %dma_wait3A_380] : memref<10000x128xf32, #tpu.memory_space<hbm>> -> memref<40x128xf32, #tpu.memory_space<hbm>>
      %dma_wait3A_382 = arith.constant 0 : i32
      %dma_wait3A_383 = arith.constant 0 : i32
      %dma_wait3A_384 = tpu.memref_slice %arg2[%dma_wait3A_382, %dma_wait3A_383] : memref<10000x128xf32, #tpu.memory_space<hbm>> -> memref<40x128xf32, #tpu.memory_space<hbm>>
      tpu.wait_dma2 semaphore(%arg14 : memref<!tpu.dma_semaphore, #tpu.memory_space<semaphore_mem>>) src(%dma_wait3A_384 : memref<40x128xf32, #tpu.memory_space<hbm>>) dst(%arg9 : memref<40x128xf32, #tpu.memory_space<vmem>>)
      %add3A_385 = arith.constant 2 : i32
      %add3A_386 = arith.addi %add3A_265, %add3A_385 : i32
      %add3A_387 = arith.constant 3 : i32
      %add3A_388 = arith.addi %add3A_386, %add3A_387 : i32
      %mul3A_389 = arith.constant 40 : i32
      %mul3A_390 = arith.muli %add3A_388, %mul3A_389 : i32
      %min3A_391 = arith.constant 9960 : i32
      %min3A_392 = arith.minsi %mul3A_390, %min3A_391 : i32
      %dma_start3A_393 = arith.constant 0 : i32
      %dma_start3A_394 = tpu.memref_slice %arg2[%min3A_392, %dma_start3A_393] : memref<10000x128xf32, #tpu.memory_space<hbm>> -> memref<40x128xf32, #tpu.memory_space<hbm>>
      %dma_start3A_395 = arith.constant 0 : i32
      %dma_start3A_396 = tpu.memref_slice %arg2[%min3A_392, %dma_start3A_395] : memref<10000x128xf32, #tpu.memory_space<hbm>> -> memref<40x128xf32, #tpu.memory_space<hbm>>
      tpu.enqueue_dma source(%dma_start3A_396 : memref<40x128xf32, #tpu.memory_space<hbm>>) target(%arg8 : memref<40x128xf32, #tpu.memory_space<vmem>>) target_semaphore(%arg13 : memref<!tpu.dma_semaphore, #tpu.memory_space<semaphore_mem>>)
      %add3A_397 = arith.constant 2 : i32
      %add3A_398 = arith.addi %add3A_265, %add3A_397 : i32
      %mul3A_399 = arith.constant 40 : i32
      %mul3A_400 = arith.muli %add3A_398, %mul3A_399 : i32
      %min3A_401 = arith.constant 9960 : i32
      %min3A_402 = arith.minsi %mul3A_400, %min3A_401 : i32
      %mul3A_403 = arith.constant 40 : i32
      %mul3A_404 = arith.muli %add3A_398, %mul3A_403 : i32
      %max3A_405 = arith.maxsi %add3A_54, %mul3A_404 : i32
      %add3A_406 = arith.constant 1 : i32
      %add3A_407 = arith.addi %add3A_398, %add3A_406 : i32
      %mul3A_408 = arith.constant 40 : i32
      %mul3A_409 = arith.muli %add3A_407, %mul3A_408 : i32
      %min3A_410 = arith.minsi %add3A_110, %mul3A_409 : i32
      %max3A_411 = arith.maxsi %add3A_82, %max3A_405 : i32
      %min3A_412 = arith.minsi %max3A_411, %min3A_410 : i32
      %sub3A_413 = arith.subi %max3A_405, %min3A_402 : i32
      %sub3A_414 = arith.subi %min3A_412, %min3A_402 : i32
      %while3A_415 = arith.subi %sub3A_414, %sub3A_413 : i32
      %while3A_416 = arith.addi %sub3A_413, %while3A_415 : i32
      %while3A_417 = arith.constant 1 : i32
      %while3A_418 = arith.divsi %while3A_415, %while3A_417 : i32
      %while3A_419 = arith.muli %while3A_418, %while3A_417 : i32
      %while3A_420 = arith.addi %sub3A_413, %while3A_419 : i32
      %while3A_421 = arith.constant 1 : i32
      %while3A_422:8 = scf.for %while3A_495 = %sub3A_413 to %while3A_420 step %while3A_421 iter_args(%while3A_496 = %while3A_366#0, %while3A_497 = %while3A_366#1, %while3A_498 = %while3A_366#2, %while3A_499 = %while3A_366#3, %while3A_500 = %while3A_366#4, %while3A_501 = %while3A_366#5, %while3A_502 = %while3A_366#6, %while3A_503 = %while3A_366#7) -> (vector<16xf32>, vector<16xf32>, vector<16xf32>, vector<16xf32>, vector<16xf32>, vector<16xf32>, vector<16xf32>, vector<16xf32>)  : i32 {
        %get3A_504 = arith.index_cast %while3A_495 : i32 to index
        %get3A_505 = arith.constant 0 : index
        %get3A_506 = tpu.vector_load %arg9[%get3A_504, %get3A_505] {strides = array<i32>} : memref<40x128xf32, #tpu.memory_space<vmem>>, vector<16xf32>,
        %add3A_507 = arith.addf %while3A_496, %get3A_506 : vector<16xf32>
        %get3A_508 = arith.index_cast %while3A_495 : i32 to index
        %get3A_509 = arith.constant 16 : index
        %get3A_510 = tpu.vector_load %arg9[%get3A_508, %get3A_509] {strides = array<i32>} : memref<40x128xf32, #tpu.memory_space<vmem>>, vector<16xf32>,
        %add3A_511 = arith.addf %while3A_497, %get3A_510 : vector<16xf32>
        %get3A_512 = arith.index_cast %while3A_495 : i32 to index
        %get3A_513 = arith.constant 32 : index
        %get3A_514 = tpu.vector_load %arg9[%get3A_512, %get3A_513] {strides = array<i32>} : memref<40x128xf32, #tpu.memory_space<vmem>>, vector<16xf32>,
        %add3A_515 = arith.addf %while3A_498, %get3A_514 : vector<16xf32>
        %get3A_516 = arith.index_cast %while3A_495 : i32 to index
        %get3A_517 = arith.constant 48 : index
        %get3A_518 = tpu.vector_load %arg9[%get3A_516, %get3A_517] {strides = array<i32>} : memref<40x128xf32, #tpu.memory_space<vmem>>, vector<16xf32>,
        %add3A_519 = arith.addf %while3A_499, %get3A_518 : vector<16xf32>
        %get3A_520 = arith.index_cast %while3A_495 : i32 to index
        %get3A_521 = arith.constant 64 : index
        %get3A_522 = tpu.vector_load %arg9[%get3A_520, %get3A_521] {strides = array<i32>} : memref<40x128xf32, #tpu.memory_space<vmem>>, vector<16xf32>,
        %add3A_523 = arith.addf %while3A_500, %get3A_522 : vector<16xf32>
        %get3A_524 = arith.index_cast %while3A_495 : i32 to index
        %get3A_525 = arith.constant 80 : index
        %get3A_526 = tpu.vector_load %arg9[%get3A_524, %get3A_525] {strides = array<i32>} : memref<40x128xf32, #tpu.memory_space<vmem>>, vector<16xf32>,
        %add3A_527 = arith.addf %while3A_501, %get3A_526 : vector<16xf32>
        %get3A_528 = arith.index_cast %while3A_495 : i32 to index
        %get3A_529 = arith.constant 96 : index
        %get3A_530 = tpu.vector_load %arg9[%get3A_528, %get3A_529] {strides = array<i32>} : memref<40x128xf32, #tpu.memory_space<vmem>>, vector<16xf32>,
        %add3A_531 = arith.addf %while3A_502, %get3A_530 : vector<16xf32>
        %get3A_532 = arith.index_cast %while3A_495 : i32 to index
        %get3A_533 = arith.constant 112 : index
        %get3A_534 = tpu.vector_load %arg9[%get3A_532, %get3A_533] {strides = array<i32>} : memref<40x128xf32, #tpu.memory_space<vmem>>, vector<16xf32>,
        %add3A_535 = arith.addf %while3A_503, %get3A_534 : vector<16xf32>
        scf.yield %add3A_507, %add3A_511, %add3A_515, %add3A_519, %add3A_523, %add3A_527, %add3A_531, %add3A_535 : vector<16xf32>, vector<16xf32>, vector<16xf32>, vector<16xf32>, vector<16xf32>, vector<16xf32>, vector<16xf32>, vector<16xf32>
      }
      %while3A_423 = arith.constant 1 : i32
      %while3A_424:8 = scf.for %while3A_495 = %while3A_420 to %while3A_416 step %while3A_423 iter_args(%while3A_496 = %while3A_422#0, %while3A_497 = %while3A_422#1, %while3A_498 = %while3A_422#2, %while3A_499 = %while3A_422#3, %while3A_500 = %while3A_422#4, %while3A_501 = %while3A_422#5, %while3A_502 = %while3A_422#6, %while3A_503 = %while3A_422#7) -> (vector<16xf32>, vector<16xf32>, vector<16xf32>, vector<16xf32>, vector<16xf32>, vector<16xf32>, vector<16xf32>, vector<16xf32>)  : i32 {
        %get3A_504 = arith.index_cast %while3A_495 : i32 to index
        %get3A_505 = arith.constant 0 : index
        %get3A_506 = tpu.vector_load %arg9[%get3A_504, %get3A_505] {strides = array<i32>} : memref<40x128xf32, #tpu.memory_space<vmem>>, vector<16xf32>,
        %add3A_507 = arith.addf %while3A_496, %get3A_506 : vector<16xf32>
        %get3A_508 = arith.index_cast %while3A_495 : i32 to index
        %get3A_509 = arith.constant 16 : index
        %get3A_510 = tpu.vector_load %arg9[%get3A_508, %get3A_509] {strides = array<i32>} : memref<40x128xf32, #tpu.memory_space<vmem>>, vector<16xf32>,
        %add3A_511 = arith.addf %while3A_497, %get3A_510 : vector<16xf32>
        %get3A_512 = arith.index_cast %while3A_495 : i32 to index
        %get3A_513 = arith.constant 32 : index
        %get3A_514 = tpu.vector_load %arg9[%get3A_512, %get3A_513] {strides = array<i32>} : memref<40x128xf32, #tpu.memory_space<vmem>>, vector<16xf32>,
        %add3A_515 = arith.addf %while3A_498, %get3A_514 : vector<16xf32>
        %get3A_516 = arith.index_cast %while3A_495 : i32 to index
        %get3A_517 = arith.constant 48 : index
        %get3A_518 = tpu.vector_load %arg9[%get3A_516, %get3A_517] {strides = array<i32>} : memref<40x128xf32, #tpu.memory_space<vmem>>, vector<16xf32>,
        %add3A_519 = arith.addf %while3A_499, %get3A_518 : vector<16xf32>
        %get3A_520 = arith.index_cast %while3A_495 : i32 to index
        %get3A_521 = arith.constant 64 : index
        %get3A_522 = tpu.vector_load %arg9[%get3A_520, %get3A_521] {strides = array<i32>} : memref<40x128xf32, #tpu.memory_space<vmem>>, vector<16xf32>,
        %add3A_523 = arith.addf %while3A_500, %get3A_522 : vector<16xf32>
        %get3A_524 = arith.index_cast %while3A_495 : i32 to index
        %get3A_525 = arith.constant 80 : index
        %get3A_526 = tpu.vector_load %arg9[%get3A_524, %get3A_525] {strides = array<i32>} : memref<40x128xf32, #tpu.memory_space<vmem>>, vector<16xf32>,
        %add3A_527 = arith.addf %while3A_501, %get3A_526 : vector<16xf32>
        %get3A_528 = arith.index_cast %while3A_495 : i32 to index
        %get3A_529 = arith.constant 96 : index
        %get3A_530 = tpu.vector_load %arg9[%get3A_528, %get3A_529] {strides = array<i32>} : memref<40x128xf32, #tpu.memory_space<vmem>>, vector<16xf32>,
        %add3A_531 = arith.addf %while3A_502, %get3A_530 : vector<16xf32>
        %get3A_532 = arith.index_cast %while3A_495 : i32 to index
        %get3A_533 = arith.constant 112 : index
        %get3A_534 = tpu.vector_load %arg9[%get3A_532, %get3A_533] {strides = array<i32>} : memref<40x128xf32, #tpu.memory_space<vmem>>, vector<16xf32>,
        %add3A_535 = arith.addf %while3A_503, %get3A_534 : vector<16xf32>
        scf.yield %add3A_507, %add3A_511, %add3A_515, %add3A_519, %add3A_523, %add3A_527, %add3A_531, %add3A_535 : vector<16xf32>, vector<16xf32>, vector<16xf32>, vector<16xf32>, vector<16xf32>, vector<16xf32>, vector<16xf32>, vector<16xf32>
      }
      %sub3A_425 = arith.subi %min3A_412, %min3A_402 : i32
      %sub3A_426 = arith.subi %min3A_410, %min3A_402 : i32
      %while3A_427 = arith.subi %sub3A_426, %sub3A_425 : i32
      %while3A_428 = arith.addi %sub3A_425, %while3A_427 : i32
      %while3A_429 = arith.constant 1 : i32
      %while3A_430 = arith.divsi %while3A_427, %while3A_429 : i32
      %while3A_431 = arith.muli %while3A_430, %while3A_429 : i32
      %while3A_432 = arith.addi %sub3A_425, %while3A_431 : i32
      %while3A_433 = arith.constant 1 : i32
      %while3A_434:8 = scf.for %while3A_495 = %sub3A_425 to %while3A_432 step %while3A_433 iter_args(%while3A_496 = %while3A_378#0, %while3A_497 = %while3A_378#1, %while3A_498 = %while3A_378#2, %while3A_499 = %while3A_378#3, %while3A_500 = %while3A_378#4, %while3A_501 = %while3A_378#5, %while3A_502 = %while3A_378#6, %while3A_503 = %while3A_378#7) -> (vector<16xf32>, vector<16xf32>, vector<16xf32>, vector<16xf32>, vector<16xf32>, vector<16xf32>, vector<16xf32>, vector<16xf32>)  : i32 {
        %get3A_504 = arith.index_cast %while3A_495 : i32 to index
        %get3A_505 = arith.constant 0 : index
        %get3A_506 = tpu.vector_load %arg9[%get3A_504, %get3A_505] {strides = array<i32>} : memref<40x128xf32, #tpu.memory_space<vmem>>, vector<16xf32>,
        %add3A_507 = arith.addf %while3A_496, %get3A_506 : vector<16xf32>
        %get3A_508 = arith.index_cast %while3A_495 : i32 to index
        %get3A_509 = arith.constant 16 : index
        %get3A_510 = tpu.vector_load %arg9[%get3A_508, %get3A_509] {strides = array<i32>} : memref<40x128xf32, #tpu.memory_space<vmem>>, vector<16xf32>,
        %add3A_511 = arith.addf %while3A_497, %get3A_510 : vector<16xf32>
        %get3A_512 = arith.index_cast %while3A_495 : i32 to index
        %get3A_513 = arith.constant 32 : index
        %get3A_514 = tpu.vector_load %arg9[%get3A_512, %get3A_513] {strides = array<i32>} : memref<40x128xf32, #tpu.memory_space<vmem>>, vector<16xf32>,
        %add3A_515 = arith.addf %while3A_498, %get3A_514 : vector<16xf32>
        %get3A_516 = arith.index_cast %while3A_495 : i32 to index
        %get3A_517 = arith.constant 48 : index
        %get3A_518 = tpu.vector_load %arg9[%get3A_516, %get3A_517] {strides = array<i32>} : memref<40x128xf32, #tpu.memory_space<vmem>>, vector<16xf32>,
        %add3A_519 = arith.addf %while3A_499, %get3A_518 : vector<16xf32>
        %get3A_520 = arith.index_cast %while3A_495 : i32 to index
        %get3A_521 = arith.constant 64 : index
        %get3A_522 = tpu.vector_load %arg9[%get3A_520, %get3A_521] {strides = array<i32>} : memref<40x128xf32, #tpu.memory_space<vmem>>, vector<16xf32>,
        %add3A_523 = arith.addf %while3A_500, %get3A_522 : vector<16xf32>
        %get3A_524 = arith.index_cast %while3A_495 : i32 to index
        %get3A_525 = arith.constant 80 : index
        %get3A_526 = tpu.vector_load %arg9[%get3A_524, %get3A_525] {strides = array<i32>} : memref<40x128xf32, #tpu.memory_space<vmem>>, vector<16xf32>,
        %add3A_527 = arith.addf %while3A_501, %get3A_526 : vector<16xf32>
        %get3A_528 = arith.index_cast %while3A_495 : i32 to index
        %get3A_529 = arith.constant 96 : index
        %get3A_530 = tpu.vector_load %arg9[%get3A_528, %get3A_529] {strides = array<i32>} : memref<40x128xf32, #tpu.memory_space<vmem>>, vector<16xf32>,
        %add3A_531 = arith.addf %while3A_502, %get3A_530 : vector<16xf32>
        %get3A_532 = arith.index_cast %while3A_495 : i32 to index
        %get3A_533 = arith.constant 112 : index
        %get3A_534 = tpu.vector_load %arg9[%get3A_532, %get3A_533] {strides = array<i32>} : memref<40x128xf32, #tpu.memory_space<vmem>>, vector<16xf32>,
        %add3A_535 = arith.addf %while3A_503, %get3A_534 : vector<16xf32>
        scf.yield %add3A_507, %add3A_511, %add3A_515, %add3A_519, %add3A_523, %add3A_527, %add3A_531, %add3A_535 : vector<16xf32>, vector<16xf32>, vector<16xf32>, vector<16xf32>, vector<16xf32>, vector<16xf32>, vector<16xf32>, vector<16xf32>
      }
      %while3A_435 = arith.constant 1 : i32
      %while3A_436:8 = scf.for %while3A_495 = %while3A_432 to %while3A_428 step %while3A_435 iter_args(%while3A_496 = %while3A_434#0, %while3A_497 = %while3A_434#1, %while3A_498 = %while3A_434#2, %while3A_499 = %while3A_434#3, %while3A_500 = %while3A_434#4, %while3A_501 = %while3A_434#5, %while3A_502 = %while3A_434#6, %while3A_503 = %while3A_434#7) -> (vector<16xf32>, vector<16xf32>, vector<16xf32>, vector<16xf32>, vector<16xf32>, vector<16xf32>, vector<16xf32>, vector<16xf32>)  : i32 {
        %get3A_504 = arith.index_cast %while3A_495 : i32 to index
        %get3A_505 = arith.constant 0 : index
        %get3A_506 = tpu.vector_load %arg9[%get3A_504, %get3A_505] {strides = array<i32>} : memref<40x128xf32, #tpu.memory_space<vmem>>, vector<16xf32>,
        %add3A_507 = arith.addf %while3A_496, %get3A_506 : vector<16xf32>
        %get3A_508 = arith.index_cast %while3A_495 : i32 to index
        %get3A_509 = arith.constant 16 : index
        %get3A_510 = tpu.vector_load %arg9[%get3A_508, %get3A_509] {strides = array<i32>} : memref<40x128xf32, #tpu.memory_space<vmem>>, vector<16xf32>,
        %add3A_511 = arith.addf %while3A_497, %get3A_510 : vector<16xf32>
        %get3A_512 = arith.index_cast %while3A_495 : i32 to index
        %get3A_513 = arith.constant 32 : index
        %get3A_514 = tpu.vector_load %arg9[%get3A_512, %get3A_513] {strides = array<i32>} : memref<40x128xf32, #tpu.memory_space<vmem>>, vector<16xf32>,
        %add3A_515 = arith.addf %while3A_498, %get3A_514 : vector<16xf32>
        %get3A_516 = arith.index_cast %while3A_495 : i32 to index
        %get3A_517 = arith.constant 48 : index
        %get3A_518 = tpu.vector_load %arg9[%get3A_516, %get3A_517] {strides = array<i32>} : memref<40x128xf32, #tpu.memory_space<vmem>>, vector<16xf32>,
        %add3A_519 = arith.addf %while3A_499, %get3A_518 : vector<16xf32>
        %get3A_520 = arith.index_cast %while3A_495 : i32 to index
        %get3A_521 = arith.constant 64 : index
        %get3A_522 = tpu.vector_load %arg9[%get3A_520, %get3A_521] {strides = array<i32>} : memref<40x128xf32, #tpu.memory_space<vmem>>, vector<16xf32>,
        %add3A_523 = arith.addf %while3A_500, %get3A_522 : vector<16xf32>
        %get3A_524 = arith.index_cast %while3A_495 : i32 to index
        %get3A_525 = arith.constant 80 : index
        %get3A_526 = tpu.vector_load %arg9[%get3A_524, %get3A_525] {strides = array<i32>} : memref<40x128xf32, #tpu.memory_space<vmem>>, vector<16xf32>,
        %add3A_527 = arith.addf %while3A_501, %get3A_526 : vector<16xf32>
        %get3A_528 = arith.index_cast %while3A_495 : i32 to index
        %get3A_529 = arith.constant 96 : index
        %get3A_530 = tpu.vector_load %arg9[%get3A_528, %get3A_529] {strides = array<i32>} : memref<40x128xf32, #tpu.memory_space<vmem>>, vector<16xf32>,
        %add3A_531 = arith.addf %while3A_502, %get3A_530 : vector<16xf32>
        %get3A_532 = arith.index_cast %while3A_495 : i32 to index
        %get3A_533 = arith.constant 112 : index
        %get3A_534 = tpu.vector_load %arg9[%get3A_532, %get3A_533] {strides = array<i32>} : memref<40x128xf32, #tpu.memory_space<vmem>>, vector<16xf32>,
        %add3A_535 = arith.addf %while3A_503, %get3A_534 : vector<16xf32>
        scf.yield %add3A_507, %add3A_511, %add3A_515, %add3A_519, %add3A_523, %add3A_527, %add3A_531, %add3A_535 : vector<16xf32>, vector<16xf32>, vector<16xf32>, vector<16xf32>, vector<16xf32>, vector<16xf32>, vector<16xf32>, vector<16xf32>
      }
      %dma_wait3A_437 = arith.constant 0 : i32
      %dma_wait3A_438 = arith.constant 0 : i32
      %dma_wait3A_439 = tpu.memref_slice %arg2[%dma_wait3A_437, %dma_wait3A_438] : memref<10000x128xf32, #tpu.memory_space<hbm>> -> memref<40x128xf32, #tpu.memory_space<hbm>>
      %dma_wait3A_440 = arith.constant 0 : i32
      %dma_wait3A_441 = arith.constant 0 : i32
      %dma_wait3A_442 = tpu.memref_slice %arg2[%dma_wait3A_440, %dma_wait3A_441] : memref<10000x128xf32, #tpu.memory_space<hbm>> -> memref<40x128xf32, #tpu.memory_space<hbm>>
      tpu.wait_dma2 semaphore(%arg15 : memref<!tpu.dma_semaphore, #tpu.memory_space<semaphore_mem>>) src(%dma_wait3A_442 : memref<40x128xf32, #tpu.memory_space<hbm>>) dst(%arg10 : memref<40x128xf32, #tpu.memory_space<vmem>>)
      %add3A_443 = arith.constant 3 : i32
      %add3A_444 = arith.addi %add3A_265, %add3A_443 : i32
      %add3A_445 = arith.constant 3 : i32
      %add3A_446 = arith.addi %add3A_444, %add3A_445 : i32
      %mul3A_447 = arith.constant 40 : i32
      %mul3A_448 = arith.muli %add3A_446, %mul3A_447 : i32
      %min3A_449 = arith.constant 9960 : i32
      %min3A_450 = arith.minsi %mul3A_448, %min3A_449 : i32
      %dma_start3A_451 = arith.constant 0 : i32
      %dma_start3A_452 = tpu.memref_slice %arg2[%min3A_450, %dma_start3A_451] : memref<10000x128xf32, #tpu.memory_space<hbm>> -> memref<40x128xf32, #tpu.memory_space<hbm>>
      %dma_start3A_453 = arith.constant 0 : i32
      %dma_start3A_454 = tpu.memref_slice %arg2[%min3A_450, %dma_start3A_453] : memref<10000x128xf32, #tpu.memory_space<hbm>> -> memref<40x128xf32, #tpu.memory_space<hbm>>
      tpu.enqueue_dma source(%dma_start3A_454 : memref<40x128xf32, #tpu.memory_space<hbm>>) target(%arg9 : memref<40x128xf32, #tpu.memory_space<vmem>>) target_semaphore(%arg14 : memref<!tpu.dma_semaphore, #tpu.memory_space<semaphore_mem>>)
      %add3A_455 = arith.constant 3 : i32
      %add3A_456 = arith.addi %add3A_265, %add3A_455 : i32
      %mul3A_457 = arith.constant 40 : i32
      %mul3A_458 = arith.muli %add3A_456, %mul3A_457 : i32
      %min3A_459 = arith.constant 9960 : i32
      %min3A_460 = arith.minsi %mul3A_458, %min3A_459 : i32
      %mul3A_461 = arith.constant 40 : i32
      %mul3A_462 = arith.muli %add3A_456, %mul3A_461 : i32
      %max3A_463 = arith.maxsi %add3A_54, %mul3A_462 : i32
      %add3A_464 = arith.constant 1 : i32
      %add3A_465 = arith.addi %add3A_456, %add3A_464 : i32
      %mul3A_466 = arith.constant 40 : i32
      %mul3A_467 = arith.muli %add3A_465, %mul3A_466 : i32
      %min3A_468 = arith.minsi %add3A_110, %mul3A_467 : i32
      %max3A_469 = arith.maxsi %add3A_82, %max3A_463 : i32
      %min3A_470 = arith.minsi %max3A_469, %min3A_468 : i32
      %sub3A_471 = arith.subi %max3A_463, %min3A_460 : i32
      %sub3A_472 = arith.subi %min3A_470, %min3A_460 : i32
      %while3A_473 = arith.subi %sub3A_472, %sub3A_471 : i32
      %while3A_474 = arith.addi %sub3A_471, %while3A_473 : i32
      %while3A_475 = arith.constant 1 : i32
      %while3A_476 = arith.divsi %while3A_473, %while3A_475 : i32
      %while3A_477 = arith.muli %while3A_476, %while3A_475 : i32
      %while3A_478 = arith.addi %sub3A_471, %while3A_477 : i32
      %while3A_479 = arith.constant 1 : i32
      %while3A_480:8 = scf.for %while3A_495 = %sub3A_471 to %while3A_478 step %while3A_479 iter_args(%while3A_496 = %while3A_424#0, %while3A_497 = %while3A_424#1, %while3A_498 = %while3A_424#2, %while3A_499 = %while3A_424#3, %while3A_500 = %while3A_424#4, %while3A_501 = %while3A_424#5, %while3A_502 = %while3A_424#6, %while3A_503 = %while3A_424#7) -> (vector<16xf32>, vector<16xf32>, vector<16xf32>, vector<16xf32>, vector<16xf32>, vector<16xf32>, vector<16xf32>, vector<16xf32>)  : i32 {
        %get3A_504 = arith.index_cast %while3A_495 : i32 to index
        %get3A_505 = arith.constant 0 : index
        %get3A_506 = tpu.vector_load %arg10[%get3A_504, %get3A_505] {strides = array<i32>} : memref<40x128xf32, #tpu.memory_space<vmem>>, vector<16xf32>,
        %add3A_507 = arith.addf %while3A_496, %get3A_506 : vector<16xf32>
        %get3A_508 = arith.index_cast %while3A_495 : i32 to index
        %get3A_509 = arith.constant 16 : index
        %get3A_510 = tpu.vector_load %arg10[%get3A_508, %get3A_509] {strides = array<i32>} : memref<40x128xf32, #tpu.memory_space<vmem>>, vector<16xf32>,
        %add3A_511 = arith.addf %while3A_497, %get3A_510 : vector<16xf32>
        %get3A_512 = arith.index_cast %while3A_495 : i32 to index
        %get3A_513 = arith.constant 32 : index
        %get3A_514 = tpu.vector_load %arg10[%get3A_512, %get3A_513] {strides = array<i32>} : memref<40x128xf32, #tpu.memory_space<vmem>>, vector<16xf32>,
        %add3A_515 = arith.addf %while3A_498, %get3A_514 : vector<16xf32>
        %get3A_516 = arith.index_cast %while3A_495 : i32 to index
        %get3A_517 = arith.constant 48 : index
        %get3A_518 = tpu.vector_load %arg10[%get3A_516, %get3A_517] {strides = array<i32>} : memref<40x128xf32, #tpu.memory_space<vmem>>, vector<16xf32>,
        %add3A_519 = arith.addf %while3A_499, %get3A_518 : vector<16xf32>
        %get3A_520 = arith.index_cast %while3A_495 : i32 to index
        %get3A_521 = arith.constant 64 : index
        %get3A_522 = tpu.vector_load %arg10[%get3A_520, %get3A_521] {strides = array<i32>} : memref<40x128xf32, #tpu.memory_space<vmem>>, vector<16xf32>,
        %add3A_523 = arith.addf %while3A_500, %get3A_522 : vector<16xf32>
        %get3A_524 = arith.index_cast %while3A_495 : i32 to index
        %get3A_525 = arith.constant 80 : index
        %get3A_526 = tpu.vector_load %arg10[%get3A_524, %get3A_525] {strides = array<i32>} : memref<40x128xf32, #tpu.memory_space<vmem>>, vector<16xf32>,
        %add3A_527 = arith.addf %while3A_501, %get3A_526 : vector<16xf32>
        %get3A_528 = arith.index_cast %while3A_495 : i32 to index
        %get3A_529 = arith.constant 96 : index
        %get3A_530 = tpu.vector_load %arg10[%get3A_528, %get3A_529] {strides = array<i32>} : memref<40x128xf32, #tpu.memory_space<vmem>>, vector<16xf32>,
        %add3A_531 = arith.addf %while3A_502, %get3A_530 : vector<16xf32>
        %get3A_532 = arith.index_cast %while3A_495 : i32 to index
        %get3A_533 = arith.constant 112 : index
        %get3A_534 = tpu.vector_load %arg10[%get3A_532, %get3A_533] {strides = array<i32>} : memref<40x128xf32, #tpu.memory_space<vmem>>, vector<16xf32>,
        %add3A_535 = arith.addf %while3A_503, %get3A_534 : vector<16xf32>
        scf.yield %add3A_507, %add3A_511, %add3A_515, %add3A_519, %add3A_523, %add3A_527, %add3A_531, %add3A_535 : vector<16xf32>, vector<16xf32>, vector<16xf32>, vector<16xf32>, vector<16xf32>, vector<16xf32>, vector<16xf32>, vector<16xf32>
      }
      %while3A_481 = arith.constant 1 : i32
      %while3A_482:8 = scf.for %while3A_495 = %while3A_478 to %while3A_474 step %while3A_481 iter_args(%while3A_496 = %while3A_480#0, %while3A_497 = %while3A_480#1, %while3A_498 = %while3A_480#2, %while3A_499 = %while3A_480#3, %while3A_500 = %while3A_480#4, %while3A_501 = %while3A_480#5, %while3A_502 = %while3A_480#6, %while3A_503 = %while3A_480#7) -> (vector<16xf32>, vector<16xf32>, vector<16xf32>, vector<16xf32>, vector<16xf32>, vector<16xf32>, vector<16xf32>, vector<16xf32>)  : i32 {
        %get3A_504 = arith.index_cast %while3A_495 : i32 to index
        %get3A_505 = arith.constant 0 : index
        %get3A_506 = tpu.vector_load %arg10[%get3A_504, %get3A_505] {strides = array<i32>} : memref<40x128xf32, #tpu.memory_space<vmem>>, vector<16xf32>,
        %add3A_507 = arith.addf %while3A_496, %get3A_506 : vector<16xf32>
        %get3A_508 = arith.index_cast %while3A_495 : i32 to index
        %get3A_509 = arith.constant 16 : index
        %get3A_510 = tpu.vector_load %arg10[%get3A_508, %get3A_509] {strides = array<i32>} : memref<40x128xf32, #tpu.memory_space<vmem>>, vector<16xf32>,
        %add3A_511 = arith.addf %while3A_497, %get3A_510 : vector<16xf32>
        %get3A_512 = arith.index_cast %while3A_495 : i32 to index
        %get3A_513 = arith.constant 32 : index
        %get3A_514 = tpu.vector_load %arg10[%get3A_512, %get3A_513] {strides = array<i32>} : memref<40x128xf32, #tpu.memory_space<vmem>>, vector<16xf32>,
        %add3A_515 = arith.addf %while3A_498, %get3A_514 : vector<16xf32>
        %get3A_516 = arith.index_cast %while3A_495 : i32 to index
        %get3A_517 = arith.constant 48 : index
        %get3A_518 = tpu.vector_load %arg10[%get3A_516, %get3A_517] {strides = array<i32>} : memref<40x128xf32, #tpu.memory_space<vmem>>, vector<16xf32>,
        %add3A_519 = arith.addf %while3A_499, %get3A_518 : vector<16xf32>
        %get3A_520 = arith.index_cast %while3A_495 : i32 to index
        %get3A_521 = arith.constant 64 : index
        %get3A_522 = tpu.vector_load %arg10[%get3A_520, %get3A_521] {strides = array<i32>} : memref<40x128xf32, #tpu.memory_space<vmem>>, vector<16xf32>,
        %add3A_523 = arith.addf %while3A_500, %get3A_522 : vector<16xf32>
        %get3A_524 = arith.index_cast %while3A_495 : i32 to index
        %get3A_525 = arith.constant 80 : index
        %get3A_526 = tpu.vector_load %arg10[%get3A_524, %get3A_525] {strides = array<i32>} : memref<40x128xf32, #tpu.memory_space<vmem>>, vector<16xf32>,
        %add3A_527 = arith.addf %while3A_501, %get3A_526 : vector<16xf32>
        %get3A_528 = arith.index_cast %while3A_495 : i32 to index
        %get3A_529 = arith.constant 96 : index
        %get3A_530 = tpu.vector_load %arg10[%get3A_528, %get3A_529] {strides = array<i32>} : memref<40x128xf32, #tpu.memory_space<vmem>>, vector<16xf32>,
        %add3A_531 = arith.addf %while3A_502, %get3A_530 : vector<16xf32>
        %get3A_532 = arith.index_cast %while3A_495 : i32 to index
        %get3A_533 = arith.constant 112 : index
        %get3A_534 = tpu.vector_load %arg10[%get3A_532, %get3A_533] {strides = array<i32>} : memref<40x128xf32, #tpu.memory_space<vmem>>, vector<16xf32>,
        %add3A_535 = arith.addf %while3A_503, %get3A_534 : vector<16xf32>
        scf.yield %add3A_507, %add3A_511, %add3A_515, %add3A_519, %add3A_523, %add3A_527, %add3A_531, %add3A_535 : vector<16xf32>, vector<16xf32>, vector<16xf32>, vector<16xf32>, vector<16xf32>, vector<16xf32>, vector<16xf32>, vector<16xf32>
      }
      %sub3A_483 = arith.subi %min3A_470, %min3A_460 : i32
      %sub3A_484 = arith.subi %min3A_468, %min3A_460 : i32
      %while3A_485 = arith.subi %sub3A_484, %sub3A_483 : i32
      %while3A_486 = arith.addi %sub3A_483, %while3A_485 : i32
      %while3A_487 = arith.constant 1 : i32
      %while3A_488 = arith.divsi %while3A_485, %while3A_487 : i32
      %while3A_489 = arith.muli %while3A_488, %while3A_487 : i32
      %while3A_490 = arith.addi %sub3A_483, %while3A_489 : i32
      %while3A_491 = arith.constant 1 : i32
      %while3A_492:8 = scf.for %while3A_495 = %sub3A_483 to %while3A_490 step %while3A_491 iter_args(%while3A_496 = %while3A_436#0, %while3A_497 = %while3A_436#1, %while3A_498 = %while3A_436#2, %while3A_499 = %while3A_436#3, %while3A_500 = %while3A_436#4, %while3A_501 = %while3A_436#5, %while3A_502 = %while3A_436#6, %while3A_503 = %while3A_436#7) -> (vector<16xf32>, vector<16xf32>, vector<16xf32>, vector<16xf32>, vector<16xf32>, vector<16xf32>, vector<16xf32>, vector<16xf32>)  : i32 {
        %get3A_504 = arith.index_cast %while3A_495 : i32 to index
        %get3A_505 = arith.constant 0 : index
        %get3A_506 = tpu.vector_load %arg10[%get3A_504, %get3A_505] {strides = array<i32>} : memref<40x128xf32, #tpu.memory_space<vmem>>, vector<16xf32>,
        %add3A_507 = arith.addf %while3A_496, %get3A_506 : vector<16xf32>
        %get3A_508 = arith.index_cast %while3A_495 : i32 to index
        %get3A_509 = arith.constant 16 : index
        %get3A_510 = tpu.vector_load %arg10[%get3A_508, %get3A_509] {strides = array<i32>} : memref<40x128xf32, #tpu.memory_space<vmem>>, vector<16xf32>,
        %add3A_511 = arith.addf %while3A_497, %get3A_510 : vector<16xf32>
        %get3A_512 = arith.index_cast %while3A_495 : i32 to index
        %get3A_513 = arith.constant 32 : index
        %get3A_514 = tpu.vector_load %arg10[%get3A_512, %get3A_513] {strides = array<i32>} : memref<40x128xf32, #tpu.memory_space<vmem>>, vector<16xf32>,
        %add3A_515 = arith.addf %while3A_498, %get3A_514 : vector<16xf32>
        %get3A_516 = arith.index_cast %while3A_495 : i32 to index
        %get3A_517 = arith.constant 48 : index
        %get3A_518 = tpu.vector_load %arg10[%get3A_516, %get3A_517] {strides = array<i32>} : memref<40x128xf32, #tpu.memory_space<vmem>>, vector<16xf32>,
        %add3A_519 = arith.addf %while3A_499, %get3A_518 : vector<16xf32>
        %get3A_520 = arith.index_cast %while3A_495 : i32 to index
        %get3A_521 = arith.constant 64 : index
        %get3A_522 = tpu.vector_load %arg10[%get3A_520, %get3A_521] {strides = array<i32>} : memref<40x128xf32, #tpu.memory_space<vmem>>, vector<16xf32>,
        %add3A_523 = arith.addf %while3A_500, %get3A_522 : vector<16xf32>
        %get3A_524 = arith.index_cast %while3A_495 : i32 to index
        %get3A_525 = arith.constant 80 : index
        %get3A_526 = tpu.vector_load %arg10[%get3A_524, %get3A_525] {strides = array<i32>} : memref<40x128xf32, #tpu.memory_space<vmem>>, vector<16xf32>,
        %add3A_527 = arith.addf %while3A_501, %get3A_526 : vector<16xf32>
        %get3A_528 = arith.index_cast %while3A_495 : i32 to index
        %get3A_529 = arith.constant 96 : index
        %get3A_530 = tpu.vector_load %arg10[%get3A_528, %get3A_529] {strides = array<i32>} : memref<40x128xf32, #tpu.memory_space<vmem>>, vector<16xf32>,
        %add3A_531 = arith.addf %while3A_502, %get3A_530 : vector<16xf32>
        %get3A_532 = arith.index_cast %while3A_495 : i32 to index
        %get3A_533 = arith.constant 112 : index
        %get3A_534 = tpu.vector_load %arg10[%get3A_532, %get3A_533] {strides = array<i32>} : memref<40x128xf32, #tpu.memory_space<vmem>>, vector<16xf32>,
        %add3A_535 = arith.addf %while3A_503, %get3A_534 : vector<16xf32>
        scf.yield %add3A_507, %add3A_511, %add3A_515, %add3A_519, %add3A_523, %add3A_527, %add3A_531, %add3A_535 : vector<16xf32>, vector<16xf32>, vector<16xf32>, vector<16xf32>, vector<16xf32>, vector<16xf32>, vector<16xf32>, vector<16xf32>
      }
      %while3A_493 = arith.constant 1 : i32
      %while3A_494:8 = scf.for %while3A_495 = %while3A_490 to %while3A_486 step %while3A_493 iter_args(%while3A_496 = %while3A_492#0, %while3A_497 = %while3A_492#1, %while3A_498 = %while3A_492#2, %while3A_499 = %while3A_492#3, %while3A_500 = %while3A_492#4, %while3A_501 = %while3A_492#5, %while3A_502 = %while3A_492#6, %while3A_503 = %while3A_492#7) -> (vector<16xf32>, vector<16xf32>, vector<16xf32>, vector<16xf32>, vector<16xf32>, vector<16xf32>, vector<16xf32>, vector<16xf32>)  : i32 {
        %get3A_504 = arith.index_cast %while3A_495 : i32 to index
        %get3A_505 = arith.constant 0 : index
        %get3A_506 = tpu.vector_load %arg10[%get3A_504, %get3A_505] {strides = array<i32>} : memref<40x128xf32, #tpu.memory_space<vmem>>, vector<16xf32>,
        %add3A_507 = arith.addf %while3A_496, %get3A_506 : vector<16xf32>
        %get3A_508 = arith.index_cast %while3A_495 : i32 to index
        %get3A_509 = arith.constant 16 : index
        %get3A_510 = tpu.vector_load %arg10[%get3A_508, %get3A_509] {strides = array<i32>} : memref<40x128xf32, #tpu.memory_space<vmem>>, vector<16xf32>,
        %add3A_511 = arith.addf %while3A_497, %get3A_510 : vector<16xf32>
        %get3A_512 = arith.index_cast %while3A_495 : i32 to index
        %get3A_513 = arith.constant 32 : index
        %get3A_514 = tpu.vector_load %arg10[%get3A_512, %get3A_513] {strides = array<i32>} : memref<40x128xf32, #tpu.memory_space<vmem>>, vector<16xf32>,
        %add3A_515 = arith.addf %while3A_498, %get3A_514 : vector<16xf32>
        %get3A_516 = arith.index_cast %while3A_495 : i32 to index
        %get3A_517 = arith.constant 48 : index
        %get3A_518 = tpu.vector_load %arg10[%get3A_516, %get3A_517] {strides = array<i32>} : memref<40x128xf32, #tpu.memory_space<vmem>>, vector<16xf32>,
        %add3A_519 = arith.addf %while3A_499, %get3A_518 : vector<16xf32>
        %get3A_520 = arith.index_cast %while3A_495 : i32 to index
        %get3A_521 = arith.constant 64 : index
        %get3A_522 = tpu.vector_load %arg10[%get3A_520, %get3A_521] {strides = array<i32>} : memref<40x128xf32, #tpu.memory_space<vmem>>, vector<16xf32>,
        %add3A_523 = arith.addf %while3A_500, %get3A_522 : vector<16xf32>
        %get3A_524 = arith.index_cast %while3A_495 : i32 to index
        %get3A_525 = arith.constant 80 : index
        %get3A_526 = tpu.vector_load %arg10[%get3A_524, %get3A_525] {strides = array<i32>} : memref<40x128xf32, #tpu.memory_space<vmem>>, vector<16xf32>,
        %add3A_527 = arith.addf %while3A_501, %get3A_526 : vector<16xf32>
        %get3A_528 = arith.index_cast %while3A_495 : i32 to index
        %get3A_529 = arith.constant 96 : index
        %get3A_530 = tpu.vector_load %arg10[%get3A_528, %get3A_529] {strides = array<i32>} : memref<40x128xf32, #tpu.memory_space<vmem>>, vector<16xf32>,
        %add3A_531 = arith.addf %while3A_502, %get3A_530 : vector<16xf32>
        %get3A_532 = arith.index_cast %while3A_495 : i32 to index
        %get3A_533 = arith.constant 112 : index
        %get3A_534 = tpu.vector_load %arg10[%get3A_532, %get3A_533] {strides = array<i32>} : memref<40x128xf32, #tpu.memory_space<vmem>>, vector<16xf32>,
        %add3A_535 = arith.addf %while3A_503, %get3A_534 : vector<16xf32>
        scf.yield %add3A_507, %add3A_511, %add3A_515, %add3A_519, %add3A_523, %add3A_527, %add3A_531, %add3A_535 : vector<16xf32>, vector<16xf32>, vector<16xf32>, vector<16xf32>, vector<16xf32>, vector<16xf32>, vector<16xf32>, vector<16xf32>
      }
      scf.yield %while3A_482#0, %while3A_482#1, %while3A_482#2, %while3A_482#3, %while3A_482#4, %while3A_482#5, %while3A_482#6, %while3A_482#7, %while3A_494#0, %while3A_494#1, %while3A_494#2, %while3A_494#3, %while3A_494#4, %while3A_494#5, %while3A_494#6, %while3A_494#7 : vector<16xf32>, vector<16xf32>, vector<16xf32>, vector<16xf32>, vector<16xf32>, vector<16xf32>, vector<16xf32>, vector<16xf32>, vector<16xf32>, vector<16xf32>, vector<16xf32>, vector<16xf32>, vector<16xf32>, vector<16xf32>, vector<16xf32>, vector<16xf32>
    }
    %gt3A_166 = arith.constant 0 : i32
    %gt3A_167 = arith.cmpi sgt, %sub3A, %gt3A_166 : i32
    %convert_element_type3A_168 = arith.extui %gt3A_167 : i1 to i32
    %cond3A_169 = arith.constant 0 : i32
    %cond3A_170 = arith.cmpi ne, %convert_element_type3A_168, %cond3A_169 : i32
    scf.if %cond3A_170 {
      %dma_wait3A = arith.constant 0 : i32
      %dma_wait3A_246 = arith.constant 0 : i32
      %dma_wait3A_247 = tpu.memref_slice %arg2[%dma_wait3A, %dma_wait3A_246] : memref<10000x128xf32, #tpu.memory_space<hbm>> -> memref<40x128xf32, #tpu.memory_space<hbm>>
      %dma_wait3A_248 = arith.constant 0 : i32
      %dma_wait3A_249 = arith.constant 0 : i32
      %dma_wait3A_250 = tpu.memref_slice %arg2[%dma_wait3A_248, %dma_wait3A_249] : memref<10000x128xf32, #tpu.memory_space<hbm>> -> memref<40x128xf32, #tpu.memory_space<hbm>>
      tpu.wait_dma2 semaphore(%arg12 : memref<!tpu.dma_semaphore, #tpu.memory_space<semaphore_mem>>) src(%dma_wait3A_250 : memref<40x128xf32, #tpu.memory_space<hbm>>) dst(%arg7 : memref<40x128xf32, #tpu.memory_space<vmem>>)
      %dma_wait3A_251 = arith.constant 0 : i32
      %dma_wait3A_252 = arith.constant 0 : i32
      %dma_wait3A_253 = tpu.memref_slice %arg2[%dma_wait3A_251, %dma_wait3A_252] : memref<10000x128xf32, #tpu.memory_space<hbm>> -> memref<40x128xf32, #tpu.memory_space<hbm>>
      %dma_wait3A_254 = arith.constant 0 : i32
      %dma_wait3A_255 = arith.constant 0 : i32
      %dma_wait3A_256 = tpu.memref_slice %arg2[%dma_wait3A_254, %dma_wait3A_255] : memref<10000x128xf32, #tpu.memory_space<hbm>> -> memref<40x128xf32, #tpu.memory_space<hbm>>
      tpu.wait_dma2 semaphore(%arg13 : memref<!tpu.dma_semaphore, #tpu.memory_space<semaphore_mem>>) src(%dma_wait3A_256 : memref<40x128xf32, #tpu.memory_space<hbm>>) dst(%arg8 : memref<40x128xf32, #tpu.memory_space<vmem>>)
      %dma_wait3A_257 = arith.constant 0 : i32
      %dma_wait3A_258 = arith.constant 0 : i32
      %dma_wait3A_259 = tpu.memref_slice %arg2[%dma_wait3A_257, %dma_wait3A_258] : memref<10000x128xf32, #tpu.memory_space<hbm>> -> memref<40x128xf32, #tpu.memory_space<hbm>>
      %dma_wait3A_260 = arith.constant 0 : i32
      %dma_wait3A_261 = arith.constant 0 : i32
      %dma_wait3A_262 = tpu.memref_slice %arg2[%dma_wait3A_260, %dma_wait3A_261] : memref<10000x128xf32, #tpu.memory_space<hbm>> -> memref<40x128xf32, #tpu.memory_space<hbm>>
      tpu.wait_dma2 semaphore(%arg14 : memref<!tpu.dma_semaphore, #tpu.memory_space<semaphore_mem>>) src(%dma_wait3A_262 : memref<40x128xf32, #tpu.memory_space<hbm>>) dst(%arg9 : memref<40x128xf32, #tpu.memory_space<vmem>>)
    } else {
    }
    %sub3A_171 = arith.subi %add3A_82, %add3A_54 : i32
    %convert_element_type3A_172 = arith.sitofp %sub3A_171 : i32 to f32
    %max3A = arith.constant 1.000000e+00 : f32
    %max3A_173 = arith.maximumf %convert_element_type3A_172, %max3A : f32
    %sub3A_174 = arith.subi %add3A_110, %add3A_82 : i32
    %convert_element_type3A_175 = arith.sitofp %sub3A_174 : i32 to f32
    %max3A_176 = arith.constant 1.000000e+00 : f32
    %max3A_177 = arith.maximumf %convert_element_type3A_175, %max3A_176 : f32
    %div3A_178 = vector.broadcast %max3A_173 : f32 to vector<16xf32>
    %div3A_179 = arith.divf %while3A_165#0, %div3A_178 : vector<16xf32>
    %swap3A_180 = arith.constant 0 : index
    %swap3A_181 = tpu.vector_load %arg11[%swap3A_180] {strides = array<i32>} : memref<256xf32, #tpu.memory_space<vmem>>, vector<16xf32>,
    tpu.vector_store %arg11[%swap3A_180], %div3A_179 {strides = array<i32>} : memref<256xf32, #tpu.memory_space<vmem>>, vector<16xf32>,
    %div3A_182 = vector.broadcast %max3A_177 : f32 to vector<16xf32>
    %div3A_183 = arith.divf %while3A_165#8, %div3A_182 : vector<16xf32>
    %swap3A_184 = arith.constant 128 : index
    %swap3A_185 = tpu.vector_load %arg11[%swap3A_184] {strides = array<i32>} : memref<256xf32, #tpu.memory_space<vmem>>, vector<16xf32>,
    tpu.vector_store %arg11[%swap3A_184], %div3A_183 {strides = array<i32>} : memref<256xf32, #tpu.memory_space<vmem>>, vector<16xf32>,
    %div3A_186 = vector.broadcast %max3A_173 : f32 to vector<16xf32>
    %div3A_187 = arith.divf %while3A_165#1, %div3A_186 : vector<16xf32>
    %swap3A_188 = arith.constant 16 : index
    %swap3A_189 = tpu.vector_load %arg11[%swap3A_188] {strides = array<i32>} : memref<256xf32, #tpu.memory_space<vmem>>, vector<16xf32>,
    tpu.vector_store %arg11[%swap3A_188], %div3A_187 {strides = array<i32>} : memref<256xf32, #tpu.memory_space<vmem>>, vector<16xf32>,
    %div3A_190 = vector.broadcast %max3A_177 : f32 to vector<16xf32>
    %div3A_191 = arith.divf %while3A_165#9, %div3A_190 : vector<16xf32>
    %swap3A_192 = arith.constant 144 : index
    %swap3A_193 = tpu.vector_load %arg11[%swap3A_192] {strides = array<i32>} : memref<256xf32, #tpu.memory_space<vmem>>, vector<16xf32>,
    tpu.vector_store %arg11[%swap3A_192], %div3A_191 {strides = array<i32>} : memref<256xf32, #tpu.memory_space<vmem>>, vector<16xf32>,
    %div3A_194 = vector.broadcast %max3A_173 : f32 to vector<16xf32>
    %div3A_195 = arith.divf %while3A_165#2, %div3A_194 : vector<16xf32>
    %swap3A_196 = arith.constant 32 : index
    %swap3A_197 = tpu.vector_load %arg11[%swap3A_196] {strides = array<i32>} : memref<256xf32, #tpu.memory_space<vmem>>, vector<16xf32>,
    tpu.vector_store %arg11[%swap3A_196], %div3A_195 {strides = array<i32>} : memref<256xf32, #tpu.memory_space<vmem>>, vector<16xf32>,
    %div3A_198 = vector.broadcast %max3A_177 : f32 to vector<16xf32>
    %div3A_199 = arith.divf %while3A_165#10, %div3A_198 : vector<16xf32>
    %swap3A_200 = arith.constant 160 : index
    %swap3A_201 = tpu.vector_load %arg11[%swap3A_200] {strides = array<i32>} : memref<256xf32, #tpu.memory_space<vmem>>, vector<16xf32>,
    tpu.vector_store %arg11[%swap3A_200], %div3A_199 {strides = array<i32>} : memref<256xf32, #tpu.memory_space<vmem>>, vector<16xf32>,
    %div3A_202 = vector.broadcast %max3A_173 : f32 to vector<16xf32>
    %div3A_203 = arith.divf %while3A_165#3, %div3A_202 : vector<16xf32>
    %swap3A_204 = arith.constant 48 : index
    %swap3A_205 = tpu.vector_load %arg11[%swap3A_204] {strides = array<i32>} : memref<256xf32, #tpu.memory_space<vmem>>, vector<16xf32>,
    tpu.vector_store %arg11[%swap3A_204], %div3A_203 {strides = array<i32>} : memref<256xf32, #tpu.memory_space<vmem>>, vector<16xf32>,
    %div3A_206 = vector.broadcast %max3A_177 : f32 to vector<16xf32>
    %div3A_207 = arith.divf %while3A_165#11, %div3A_206 : vector<16xf32>
    %swap3A_208 = arith.constant 176 : index
    %swap3A_209 = tpu.vector_load %arg11[%swap3A_208] {strides = array<i32>} : memref<256xf32, #tpu.memory_space<vmem>>, vector<16xf32>,
    tpu.vector_store %arg11[%swap3A_208], %div3A_207 {strides = array<i32>} : memref<256xf32, #tpu.memory_space<vmem>>, vector<16xf32>,
    %div3A_210 = vector.broadcast %max3A_173 : f32 to vector<16xf32>
    %div3A_211 = arith.divf %while3A_165#4, %div3A_210 : vector<16xf32>
    %swap3A_212 = arith.constant 64 : index
    %swap3A_213 = tpu.vector_load %arg11[%swap3A_212] {strides = array<i32>} : memref<256xf32, #tpu.memory_space<vmem>>, vector<16xf32>,
    tpu.vector_store %arg11[%swap3A_212], %div3A_211 {strides = array<i32>} : memref<256xf32, #tpu.memory_space<vmem>>, vector<16xf32>,
    %div3A_214 = vector.broadcast %max3A_177 : f32 to vector<16xf32>
    %div3A_215 = arith.divf %while3A_165#12, %div3A_214 : vector<16xf32>
    %swap3A_216 = arith.constant 192 : index
    %swap3A_217 = tpu.vector_load %arg11[%swap3A_216] {strides = array<i32>} : memref<256xf32, #tpu.memory_space<vmem>>, vector<16xf32>,
    tpu.vector_store %arg11[%swap3A_216], %div3A_215 {strides = array<i32>} : memref<256xf32, #tpu.memory_space<vmem>>, vector<16xf32>,
    %div3A_218 = vector.broadcast %max3A_173 : f32 to vector<16xf32>
    %div3A_219 = arith.divf %while3A_165#5, %div3A_218 : vector<16xf32>
    %swap3A_220 = arith.constant 80 : index
    %swap3A_221 = tpu.vector_load %arg11[%swap3A_220] {strides = array<i32>} : memref<256xf32, #tpu.memory_space<vmem>>, vector<16xf32>,
    tpu.vector_store %arg11[%swap3A_220], %div3A_219 {strides = array<i32>} : memref<256xf32, #tpu.memory_space<vmem>>, vector<16xf32>,
    %div3A_222 = vector.broadcast %max3A_177 : f32 to vector<16xf32>
    %div3A_223 = arith.divf %while3A_165#13, %div3A_222 : vector<16xf32>
    %swap3A_224 = arith.constant 208 : index
    %swap3A_225 = tpu.vector_load %arg11[%swap3A_224] {strides = array<i32>} : memref<256xf32, #tpu.memory_space<vmem>>, vector<16xf32>,
    tpu.vector_store %arg11[%swap3A_224], %div3A_223 {strides = array<i32>} : memref<256xf32, #tpu.memory_space<vmem>>, vector<16xf32>,
    %div3A_226 = vector.broadcast %max3A_173 : f32 to vector<16xf32>
    %div3A_227 = arith.divf %while3A_165#6, %div3A_226 : vector<16xf32>
    %swap3A_228 = arith.constant 96 : index
    %swap3A_229 = tpu.vector_load %arg11[%swap3A_228] {strides = array<i32>} : memref<256xf32, #tpu.memory_space<vmem>>, vector<16xf32>,
    tpu.vector_store %arg11[%swap3A_228], %div3A_227 {strides = array<i32>} : memref<256xf32, #tpu.memory_space<vmem>>, vector<16xf32>,
    %div3A_230 = vector.broadcast %max3A_177 : f32 to vector<16xf32>
    %div3A_231 = arith.divf %while3A_165#14, %div3A_230 : vector<16xf32>
    %swap3A_232 = arith.constant 224 : index
    %swap3A_233 = tpu.vector_load %arg11[%swap3A_232] {strides = array<i32>} : memref<256xf32, #tpu.memory_space<vmem>>, vector<16xf32>,
    tpu.vector_store %arg11[%swap3A_232], %div3A_231 {strides = array<i32>} : memref<256xf32, #tpu.memory_space<vmem>>, vector<16xf32>,
    %div3A_234 = vector.broadcast %max3A_173 : f32 to vector<16xf32>
    %div3A_235 = arith.divf %while3A_165#7, %div3A_234 : vector<16xf32>
    %swap3A_236 = arith.constant 112 : index
    %swap3A_237 = tpu.vector_load %arg11[%swap3A_236] {strides = array<i32>} : memref<256xf32, #tpu.memory_space<vmem>>, vector<16xf32>,
    tpu.vector_store %arg11[%swap3A_236], %div3A_235 {strides = array<i32>} : memref<256xf32, #tpu.memory_space<vmem>>, vector<16xf32>,
    %div3A_238 = vector.broadcast %max3A_177 : f32 to vector<16xf32>
    %div3A_239 = arith.divf %while3A_165#15, %div3A_238 : vector<16xf32>
    %swap3A_240 = arith.constant 240 : index
    %swap3A_241 = tpu.vector_load %arg11[%swap3A_240] {strides = array<i32>} : memref<256xf32, #tpu.memory_space<vmem>>, vector<16xf32>,
    tpu.vector_store %arg11[%swap3A_240], %div3A_239 {strides = array<i32>} : memref<256xf32, #tpu.memory_space<vmem>>, vector<16xf32>,
    %mul3A_242 = arith.constant 2 : i32
    %mul3A_243 = arith.muli %add3A, %mul3A_242 : i32
    %mul3A_244 = arith.constant 128 : i32
    %mul3A_245 = arith.muli %mul3A_243, %mul3A_244 : i32
    "tpu.region"() ({
      %run_scoped3A = tpu.sem_alloc : memref<!tpu.dma_semaphore, #tpu.memory_space<semaphore_mem>>
      %dma_start3A = tpu.memref_slice %arg4[%mul3A_245] : memref<8192xf32, #tpu.memory_space<hbm>> -> memref<256xf32, #tpu.memory_space<hbm>>
      %dma_start3A_246 = tpu.memref_slice %arg4[%mul3A_245] : memref<8192xf32, #tpu.memory_space<hbm>> -> memref<256xf32, #tpu.memory_space<hbm>>
      tpu.enqueue_dma source(%arg11 : memref<256xf32, #tpu.memory_space<vmem>>) target(%dma_start3A_246 : memref<256xf32, #tpu.memory_space<hbm>>) target_semaphore(%run_scoped3A : memref<!tpu.dma_semaphore, #tpu.memory_space<semaphore_mem>>)
      %dma_wait3A = tpu.memref_slice %arg4[%mul3A_245] : memref<8192xf32, #tpu.memory_space<hbm>> -> memref<256xf32, #tpu.memory_space<hbm>>
      %dma_wait3A_247 = tpu.memref_slice %arg4[%mul3A_245] : memref<8192xf32, #tpu.memory_space<hbm>> -> memref<256xf32, #tpu.memory_space<hbm>>
      tpu.wait_dma2 semaphore(%run_scoped3A : memref<!tpu.dma_semaphore, #tpu.memory_space<semaphore_mem>>) src(%arg11 : memref<256xf32, #tpu.memory_space<vmem>>) dst(%dma_wait3A_247 : memref<256xf32, #tpu.memory_space<hbm>>)
      tpu.yield
    }) : () -> ()
    return
  }
}

module attributes {stable_mosaic.version = 14 : i64} {
  func.func @_mlp_body(%arg0: memref<64x32xf32, #tpu.memory_space<vmem>>, %arg1: memref<8192xf32, #tpu.memory_space<vmem>>, %arg2: memref<160x256xf32, #tpu.memory_space<vmem>>, %arg3: memref<256xf32, #tpu.memory_space<vmem>>, %arg4: memref<256x32xf32, #tpu.memory_space<vmem>>, %arg5: memref<32xf32, #tpu.memory_space<vmem>>, %arg6: memref<64x32xf32, #tpu.memory_space<vmem>>) attributes {dimension_semantics = [], scalar_prefetch = 0 : i64, scratch_operands = 0 : i64, tpu.core_type = #tpu.core_type<tc>} {
    %get3A = arith.constant 0 : index
    %get3A_0 = vector.load %arg1[%get3A] : memref<8192xf32, #tpu.memory_space<vmem>>, vector<8192xf32>
    %reshape3A = vector.shape_cast %get3A_0 : vector<8192xf32> to vector<64x128xf32>
    %get3A_1 = arith.constant 0 : index
    %get3A_2 = arith.constant 0 : index
    %get3A_3 = vector.load %arg2[%get3A_1, %get3A_2] : memref<160x256xf32, #tpu.memory_space<vmem>>, vector<32x256xf32>
    %get3A_4 = arith.constant 32 : index
    %get3A_5 = arith.constant 0 : index
    %get3A_6 = vector.load %arg2[%get3A_4, %get3A_5] : memref<160x256xf32, #tpu.memory_space<vmem>>, vector<128x256xf32>
    %get3A_7 = arith.constant 0 : index
    %get3A_8 = arith.constant 0 : index
    %get3A_9 = vector.load %arg0[%get3A_7, %get3A_8] : memref<64x32xf32, #tpu.memory_space<vmem>>, vector<64x32xf32>
    %dot_general3A = arith.constant dense<0.000000e+00> : vector<64x256xf32>
    %dot_general3A_10 = tpu.matmul %get3A_9, %get3A_3, %dot_general3A {dimension_numbers = #tpu.dot_dimension_numbers<[1], [0], [0], [1], [0, 0, 1, 1], [], []>, transpose_lhs_hint = false} : vector<64x32xf32>, vector<32x256xf32>, vector<64x256xf32> -> vector<64x256xf32>
    %dot_general3A_11 = arith.constant dense<0.000000e+00> : vector<64x256xf32>
    %dot_general3A_12 = tpu.matmul %reshape3A, %get3A_6, %dot_general3A_11 {dimension_numbers = #tpu.dot_dimension_numbers<[1], [0], [0], [1], [0, 0, 1, 1], [], []>, transpose_lhs_hint = false} : vector<64x128xf32>, vector<128x256xf32>, vector<64x256xf32> -> vector<64x256xf32>
    %add3A = arith.addf %dot_general3A_10, %dot_general3A_12 : vector<64x256xf32>
    %get3A_13 = arith.constant 0 : index
    %get3A_14 = vector.load %arg3[%get3A_13] : memref<256xf32, #tpu.memory_space<vmem>>, vector<256xf32>
    %reshape3A_15 = vector.shape_cast %get3A_14 : vector<256xf32> to vector<1x256xf32>
    %add3A_16 = vector.broadcast %reshape3A_15 : vector<1x256xf32> to vector<64x256xf32>
    %add3A_17 = arith.addf %add3A, %add3A_16 : vector<64x256xf32>
    %max3A = arith.constant 0.000000e+00 : f32
    %max3A_18 = vector.broadcast %max3A : f32 to vector<64x256xf32>
    %max3A_19 = arith.maximumf %add3A_17, %max3A_18 : vector<64x256xf32>
    %get3A_20 = arith.constant 0 : index
    %get3A_21 = arith.constant 0 : index
    %get3A_22 = vector.load %arg4[%get3A_20, %get3A_21] : memref<256x32xf32, #tpu.memory_space<vmem>>, vector<256x32xf32>
    %dot_general3A_23 = arith.constant dense<0.000000e+00> : vector<64x32xf32>
    %dot_general3A_24 = tpu.matmul %max3A_19, %get3A_22, %dot_general3A_23 {dimension_numbers = #tpu.dot_dimension_numbers<[1], [0], [0], [1], [0, 0, 1, 1], [], []>, transpose_lhs_hint = false} : vector<64x256xf32>, vector<256x32xf32>, vector<64x32xf32> -> vector<64x32xf32>
    %get3A_25 = arith.constant 0 : index
    %get3A_26 = vector.load %arg5[%get3A_25] : memref<32xf32, #tpu.memory_space<vmem>>, vector<32xf32>
    %reshape3A_27 = vector.shape_cast %get3A_26 : vector<32xf32> to vector<1x32xf32>
    %add3A_28 = vector.broadcast %reshape3A_27 : vector<1x32xf32> to vector<64x32xf32>
    %add3A_29 = arith.addf %dot_general3A_24, %add3A_28 : vector<64x32xf32>
    %swap3A = arith.constant 0 : index
    %swap3A_30 = arith.constant 0 : index
    %swap3A_31 = vector.load %arg6[%swap3A, %swap3A_30] : memref<64x32xf32, #tpu.memory_space<vmem>>, vector<64x32xf32>
    tpu.vector_store %arg6[%swap3A, %swap3A_30], %add3A_29 {strides = array<i32>} : memref<64x32xf32, #tpu.memory_space<vmem>>, vector<64x32xf32>,
    return
  }
}

</mosaic_0001>

<sc_bundles>
// kernel: kernel.4.cloned.1.call-start
scs
__scs_entry_jumppad:
0x0: {  	(pc) =	sbr.rel $0x88, $3  }
0x1: {  	(tag) =	ssettag $0x0;
	lr =	simm.s32 $0x1  }
0x2: {  	[smem:$0x3F9A] =	sst lr;
	_ =	strace $0xD0000000  }
0x3: {  	_ = 	snop  }
0x4: {  	_ = 	snop  }
0x5: {  	_ = 	snop  }
0x6: {  	_ = 	snop  }
0x7: {  	_ = 	snop  }
__scs_overlays_trampoline_lowered:
0x8: {  	[smem:$0x3FA9] =	sst s0  }
0x9: {  	[smem:$0x3FAA] =	sst s1  }
0xa: {  	[smem:$0x3FAB] =	sst s2  }
0xb: {  	[smem:$0x3FAC] =	sst s3  }
0xc: {  	[smem:$0x3FAD] =	sst s4  }
0xd: {  	[smem:$0x3FAE] =	sst s5  }
0xe: {  	[smem:$0x3FAF] =	sst s6  }
0xf: {  	[smem:$0x3FB0] =	sst s7  }
0x10: {  	[smem:$0x3FB1] =	sst s8  }
0x11: {  	[smem:$0x3FB2] =	sst s9;
	s0 =	simm.s32 @!p0 $0x0  }
0x12: {  	s1 =	sld [smem:$0x3F98];
	s0 =	simm.s32 @p0 $0x1  }
0x13: {  	[smem:$0x3FB3] =	sst s0;
	s0 =	simm.s32 @!p1 $0x0  }
0x14: {  	s2 =	sld [smem:$0x3F97];
	s0 =	simm.s32 @p1 $0x1  }
0x15: {  	[smem:$0x3FB4] =	sst s0;
	s0 =	simm.s32 @!p2 $0x0  }
0x16: {  	s3 =	sld [smem:$0x3FDB];
	s0 =	simm.s32 @p2 $0x1  }
0x17: {  	s4 =	simm.s32 $0x1BF5;
	[smem:$0x3FB6] =	sst s0  }
0x18: {  	s0 =	sld [smem:$0x3F99];
	_ =	swait.ge [sflag:s4], $0x0  }
0x19: {  	s7 =	sld [smem:$0x3F9A]  }
0x1a: {  	s8 =	sadd.s32 $0xFFFFE003, lr  }
0x1b: {  	s9 =	sadd.s32 $0xFFFFFEF7, lr;
	s5 =	simm.s32 $0xFFFFFFFF;
	p2 =	slt.u32 s8, $0xFFFFF086  }
0x1c: {  	p1 =	slt.u32 s9, $0xF7A;
	s5 =	simm.s32 @!p2 $0x0  }
0x1d: {  	s5 =	simm.s32 @p1 $0x1;
	p0 =	seq.s32 s7, s2  }
0x1e: {  	s7 =	smul.u32 @!p0 $0xF7A, s2;
	p2 =	seq.s32 @!p0 s5, $0x0  }
0x1f: {  	s9 =	smul.u32 $0xF7A, s1;
	s8 =	simm.s32 @!p0 $0x1BF5;
	p2 =	por !p2, p0  }
0x20: {  	[sflag:s8] =	ssyncset.s32 @!p0 $0xFFFFF086;
	s6 =	sadd.s32 @!p0 s3, s7;
	s7 =	simm.s32 @!p0 $0x108  }
0x21: {  	s3 =	sadd.s32 s3, s9;
	s6 =	sadd.s32 @!p0 $0x88, s6;
	s7 =	simm.s32 @p2 $0x1082  }
0x22: {  	[simem:s7], [sflag:s8] =	dma.local @!p0 [hbm:s6], $0xF7A  }
0x23: {  	s9 =	sor.u32 $0xD0000000, s2;
	s6 =	simm.s32 $0x108;
	_ =	swait.ge @!p0 [sflag:s8], $0x0  }
0x24: {  	s3 =	sadd.s32 $0x88, s3;
	s6 =	simm.s32 @!p1 $0x1082;
	[sflag:s4] =	ssyncset.s32 $0xFFFFF086  }
0x25: {  	[simem:s6], [sflag:s4] =	dma.local [hbm:s3], $0xF7A  }
0x26: {  	[smem:$0x3F9A] =	sst s1;
	(tag) =	ssettag s2;
	_ =	strace s9  }
0x27: {  	s1 =	sld [smem:$0x3FAA]  }
0x28: {  	s2 =	sld [smem:$0x3FAB]  }
0x29: {  	s4 =	sld [smem:$0x3FAD]  }
0x2a: {  	p0 =	seq.s32 s5, $0x0;
	s5 =	sld [smem:$0x3FAE]  }
0x2b: {  	s6 =	sld [smem:$0x3FAF]  }
0x2c: {  	s7 =	sld [smem:$0x3FB0]  }
0x2d: {  	s3 =	simm.s32 $0x108;
	s8 =	sld [smem:$0x3FB1]  }
0x2e: {  	s3 =	simm.s32 @!p0 $0x1082;
	s9 =	sld [smem:$0x3FB2]  }
0x2f: {  	lr =	sadd.s32 s0, s3;
	s0 =	sld [smem:$0x3FA9]  }
0x30: {  	s3 =	sld [smem:$0x3FAC]  }
0x31: {  	[smem:$0x3FB5] =	sst s10  }
0x32: {  	s10 =	sld [smem:$0x3FB3];
	_ =	sdelay $0x3  }
0x33: {  	p0 =	seq.s32 s10, $0x1;
	s10 =	sld [smem:$0x3FB5];
	_ =	sdelay $0x3  }
0x34: {  	[smem:$0x3FB5] =	sst s10  }
0x35: {  	s10 =	sld [smem:$0x3FB4];
	_ =	sdelay $0x3  }
0x36: {  	p1 =	seq.s32 s10, $0x1;
	s10 =	sld [smem:$0x3FB5];
	_ =	sdelay $0x3  }
0x37: {  	[smem:$0x3FB5] =	sst s10  }
0x38: {  	s10 =	sld [smem:$0x3FB6]  }
0x39: {  	_ = 	snop;
	(pc) =	sbr.ind lr, $3  }
0x3a: {  	_ = 	snop  }
0x3b: {  	_ = 	snop  }
0x3c: {  	p2 =	seq.s32 s10, $0x1;
	s10 =	sld [smem:$0x3FB5]  }
0x3d: {  	_ =	shalt  }
0x3e: {  	_ =	shalt  }
0x3f: {  	_ =	shalt  }
0x40: {  	_ =	shalt  }
0x41: {  	_ =	shalt  }
0x42: {  	_ =	shalt  }
0x43: {  	_ =	shalt  }
0x44: {  	_ =	shalt  }
0x45: {  	_ =	shalt  }
0x46: {  	_ =	shalt  }
0x47: {  	_ =	shalt  }
0x48: {  	_ =	shalt  }
0x49: {  	_ =	shalt  }
0x4a: {  	_ =	shalt  }
0x4b: {  	_ =	shalt  }
0x4c: {  	_ =	shalt  }
0x4d: {  	_ =	shalt  }
0x4e: {  	_ =	shalt  }
0x4f: {  	_ =	shalt  }
0x50: {  	_ =	shalt  }
0x51: {  	_ =	shalt  }
0x52: {  	_ =	shalt  }
0x53: {  	_ =	shalt  }
0x54: {  	_ =	shalt  }
0x55: {  	_ =	shalt  }
0x56: {  	_ =	shalt  }
0x57: {  	_ =	shalt  }
0x58: {  	_ =	shalt  }
0x59: {  	_ =	shalt  }
0x5a: {  	_ =	shalt  }
0x5b: {  	_ =	shalt  }
0x5c: {  	_ =	shalt  }
0x5d: {  	_ =	shalt  }
0x5e: {  	_ =	shalt  }
0x5f: {  	_ =	shalt  }
0x60: {  	_ =	shalt  }
0x61: {  	_ =	shalt  }
0x62: {  	_ =	shalt  }
0x63: {  	_ =	shalt  }
0x64: {  	_ =	shalt  }
0x65: {  	_ =	shalt  }
0x66: {  	_ =	shalt  }
0x67: {  	_ =	shalt  }
0x68: {  	_ =	shalt  }
0x69: {  	_ =	shalt  }
0x6a: {  	_ =	shalt  }
0x6b: {  	_ =	shalt  }
0x6c: {  	_ =	shalt  }
0x6d: {  	_ =	shalt  }
0x6e: {  	_ =	shalt  }
0x6f: {  	_ =	shalt  }
0x70: {  	_ =	shalt  }
0x71: {  	_ =	shalt  }
0x72: {  	_ =	shalt  }
0x73: {  	_ =	shalt  }
0x74: {  	_ =	shalt  }
0x75: {  	_ =	shalt  }
0x76: {  	_ =	shalt  }
0x77: {  	_ =	shalt  }
0x78: {  	_ =	shalt  }
0x79: {  	_ =	shalt  }
0x7a: {  	_ =	shalt  }
0x7b: {  	_ =	shalt  }
0x7c: {  	_ =	shalt  }
0x7d: {  	_ =	shalt  }
0x7e: {  	_ =	shalt  }
0x7f: {  	_ =	shalt  }
0x80: {  	_ =	shalt  }
0x81: {  	_ =	shalt  }
0x82: {  	_ =	shalt  }
0x83: {  	_ =	shalt  }
0x84: {  	_ =	shalt  }
0x85: {  	_ =	shalt  }
0x86: {  	_ =	shalt  }
0x87: {  	_ =	shalt  }
.Lfunc_end0:
.L_simem_size_0:
called_computation_lowered:
.L_overlay_start_0:
0x88: {  	s2 =	sld [smem:$0x3FD9]  }
0x89: {  	s3 =	sld [smem:$0x3FFE];
	_ =	sdelay $0x1  }
0x8a: {  	s1 =	srdreg.scid  }
0x8b: {  	s0 =	sand.u32 $0x1, s1  }
0x8c: {  	s17 =	sshll.u32 s0, $0xA;
	s2 =	sadd.s32 s3, s2  }
0x8d: {  	s2 =	sadd.s32 s2, s17  }
0x8e: {  	[smem:$0x3FC1] =	sst s2  }
0x8f: {  	_ = 	snop  }
0x90: {  	s2 =	sld [smem:$0x3FC9]  }
0x91: {  	s18 =	sld [smem:$0x3FC7];
	(tm) =	ssettm $0x1  }
0x92: {  	s4 =	sld [smem:$0x3FFB];
	_ =	sdelay $0x3  }
0x93: {  	_ =	strace s4  }
0x94: {  	s4 =	sld [smem:$0x3FFC];
	_ =	sdelay $0x3  }
0x95: {  	_ =	strace s4  }
0x96: {  	s4 =	sld [smem:$0x3FFD];
	_ =	sdelay $0x3  }
0x97: {  	_ =	strace s4  }
0x98: {  	_ =	strace $0x8FFFFFFF  }
0x99: {  	s19 =	sld [smem:$0x3FDB];
	_ =	sdelay $0x1  }
0x9a: {  	s5 =	simm.s32 $_scs_section_size  }
0x9b: {  	s6 =	simm.s32 $_size__tile_overlayer_lowered;
	s7 =	simm.s32 $_tile_overlayer_lowered  }
0x9c: {  	s22 =	simm.s32 $0x1BFF;
	s21 =	sshll.u32 s7, $0x1;
	s4 =	sadd.s32 s5, s19  }
0x9d: {  	s8 =	simm.s32 $0x0;
	s20 =	sshll.u32 s6, $0x1;
	s6 =	sadd.s32 s21, s4  }
0x9e: {  	[timem:s8], [sflag:s22] =	dma.local [hbm:s6], s20  }
0x9f: {  	_ =	swait.ge [sflag:s22], s20  }
0xa0: {  	s5 =	ssub.s32 $0x0, s20;
	[sflag:s22] =	ssyncset.done $0x0  }
0xa1: {  	[sflag:s22] =	ssyncadd.s32 s5;
	_ =	sdelay $0x1  }
0xa2: {  	s23 =	simm.s32 $0x1B8B  }
0xa3: {  	_ =	swait.ge [sflag:s23], $0x1  }
0xa4: {  	[sflag:s23] =	ssyncset.done $0x0  }
0xa5: {  	s25 =	simm.s32 $0x1B8E;
	s24 =	sld [smem:$0x3FFE];
	[sflag:s23] =	ssyncadd.s32 $0xFFFFFFFF  }
0xa6: {  	s26 =	simm.s32 $execute0_lowered;
	[smem:$0x3FD2] =	sst s25  }
0xa7: {  	s6 =	sshll.u32 s26, $0x1;
	_ =	strace $0x80000046;
	[dreg:$0x1] =	wrdreg $0xFFFFFFFF  }
0xa8: {  	s28 =	simm.s32 $_size_execute0_lowered;
	s4 =	sadd.s32 s4, s6;
	[dreg:$0x0] =	wrdreg $0x0  }
0xa9: {  	s6 =	sshll.u32 s28, $0x1;
	[dreg:$0x2] =	wrdreg s4  }
0xaa: {  	[dreg:$0x3] =	wrdreg s6  }
0xab: {  	[dreg:$0x4] =	wrdreg $0xC0  }
0xac: {  	_ =	task [dreg:s8], $0x5FFFF  }
0xad: {  	[dreg:$0x1] =	wrdreg $0xFFFFFFFF  }
0xae: {  	[dreg:$0x0] =	wrdreg $0x60  }
0xaf: {  	[dreg:$0x2] =	wrdreg s2  }
0xb0: {  	[dreg:$0x3] =	wrdreg s18  }
0xb1: {  	[dreg:$0x4] =	wrdreg s24  }
0xb2: {  	[dreg:$0x5] =	wrdreg $0x28000  }
0xb3: {  	[dreg:$0x6] =	wrdreg $0x9  }
0xb4: {  	_ =	task.clear_ibuf [dreg:s8], $0x7FFFF;
	_ =	strace $0x90000046  }
0xb5: {  	s29 =	simm.s32 $0x9;
	_ =	strace $0x80000048  }
0xb6: {  	_ =	swait.ge [sflag:s29], $0x1  }
0xb7: {  	[sflag:s29] =	ssyncadd.s32 $0xFFFFFFFF  }
0xb8: {  	_ =	strace $0x90000048  }
0xb9: {  	_ =	sfence  }
0xba: {  	s30 =	sld [smem:$0x0];
	_ =	sdelay $0x2  }
0xbb: {  	s31 =	sshll.u32 s1, $0xD;
	s1 =	sshrl.u32 s1, $0x2  }
0xbc: {  	s3 =	sand.u32 $0x4000, s31;
	s1 =	sadd.s32 s1, s30  }
0xbd: {  	s0 =	sor.u32 s3, s0;
	s1 =	sshll.u32 s1, $0x11  }
0xbe: {  	s0 =	sor.u32 s1, s0  }
0xbf: {  	s0 =	sadd.s32 $0x8F2B, s0  }
0xc0: {  	[sflag:s0] =	ssyncadd.remote.s32 $0x1  }
0xc1: {  	_ =	sfence.sel $0xFFFF  }
0xc2: {  	[dreg:$0x0] =	wrdreg $0xFFFFFFFF;
	(pc) =	sbr.abs _section_cstart, $3  }
0xc3: {  	[dreg:$0x1] =	wrdreg $0xFFFFFFFF  }
0xc4: {  	_ =	task.clear_ibuf [dreg:s8], $0x2FFFF;
	_ =	strace $0x9FFFFFFF  }
0xc5: {  	(tm) =	ssettm $0x7FFFFFFF  }
tec
execute0_lowered:
.L_overlay_start_1:
0x0: {  	(tag) =	ssettag $0x1  }
0x1: {  	s1 =	rddreg [dreg:$0x0]  }
0x2: {  	s0 =	rddreg [dreg:$0x2]  }
0x3: {  	s8 =	rddreg [dreg:$0x3]  }
0x4: {  	s2 =	srdreg.scid;
	s3 =	stileid.u32;
	s4 =	simm.s32 $0x0  }
0x5: {  	s12 =	simm.s32 $0x5;
	s14 =	simm.s32 $0x1;
	s16 =	simm.s32 $0x2  }
0x6: {  	s17 =	simm.s32 $0x3;
	s2 =	sand.u32 $0x1, s2;
	s5 =	sshll.u32 s3, $0x1  }
0x7: {  	[smem:$0x7FF] =	sst s4;
	p0 =	sne.s32 s3, $0x0;
	s6 =	sor.u32 s2, s5  }
0x8: {  	_ =	strace $0x80000047;
	s2 =	ssub.s32 $0x2, s2;
	s5 =	sshll.u32 s6, $0x5  }
.Ltmp0:
0x9: {  	s7 =	sshrl.u32 s2, $0x1;
	s0 =	sadd.s32 s5, s0;
	(pc) =	sbr.rel .LBB2_1-.Ltmp0, $4  }
0xa: {  	s30 =	sshllo.u32 s6, $0x1;
	s2 =	ssub.s32 s2, s7;
	s0 =	sadd.s32 $0x1000, s0  }
0xb: {  	s5 =	sshll.u32 s6, $0x1;
	s31 =	smax.u32 s2, $0x1;
	[dreg:$0x5] =	wrdreg s0  }
0xc: {  	v3 =	vimm.s32 $0x7F;
	v4 =	vimm.s32 $0x0;
	s6 =	sadd.s32 $0x2, s5;
	[dreg:$0x6] =	wrdreg s31;
	s0 =	sshrl.u32 @!p0 s8, $0x3  }
0xd: {  	s18 =	simm.s32 $0x4;
	s13 =	simm.s32 $0x0;
	v1 =	vmov s30;
	v0 =	vmov s5;
	v2 =	vmov s6;
	[dreg:$0x7] =	wrdreg s0  }
.LBB2_43:
0xe: {  	_ =	swait.ge [sflag:s14], $0x1400  }
0xf: {  	[sflag:s14] =	ssyncset.done $0x0  }
0x10: {  	[sflag:s14] =	ssyncadd.s32 $0xFFFFEC00  }
0x11: {  	_ =	swait.ge [sflag:s16], $0x1400  }
0x12: {  	[sflag:s16] =	ssyncset.done $0x0  }
0x13: {  	[sflag:s16] =	ssyncadd.s32 $0xFFFFEC00  }
0x14: {  	_ =	swait.ge [sflag:s17], $0x1400  }
0x15: {  	[sflag:s17] =	ssyncset.done $0x0  }
0x16: {  	s12 =	simm.s32 $0x5;
	s13 =	rddreg [dreg:$0x8];
	[sflag:s17] =	ssyncadd.s32 $0xFFFFEC00  }
.LBB2_44:
0x17: {  	s0 =	ssub.s32 s23, s11  }
0x18: {  	s0 =	scvt.s32.f32 s0;
	_ =	sdelay $0x1  }
0x19: {  	s0 =	smax.f32 s0, $1.000000000e+00  }
0x1a: {  	v21 =	vmov s0  }
0x1b: {  	(erf) = vrcp.f32 v21;
	_ =	sdelay $0x1  }
0x1c: {  	s2 =	ssub.s32 s22, s23  }
0x1d: {  	s2 =	scvt.s32.f32 s2;
	_ =	sdelay $0x1  }
0x1e: {  	s2 =	smax.f32 s2, $1.000000000e+00  }
0x1f: {  	v57 =	vmov s2  }
0x20: {  	(erf) = vrcp.f32 v57;
	_ =	sdelay $0x1  }
0x21: {  	v58 =	vpop (erf)  }
0x22: {  	v20 =	vmul.f32 v20, v58  }
0x23: {  	v19 =	vmul.f32 v19, v58  }
0x24: {  	v59 =	vmul.f32 v18, v58;
	[tilespmem:$0x7A78] =	vst v20  }
0x25: {  	v60 =	vmul.f32 v17, v58;
	[tilespmem:$0x7A88] =	vst v19  }
0x26: {  	v61 =	vmul.f32 v15, v58;
	[tilespmem:$0x7A98] =	vst v59  }
0x27: {  	v62 =	vmul.f32 v13, v58;
	[tilespmem:$0x7AA8] =	vst v60  }
0x28: {  	v22 =	vpop (erf);
	v63 =	vmul.f32 v11, v58;
	[tilespmem:$0x7AB8] =	vst v61  }
0x29: {  	v16 =	vmul.f32 v16, v22;
	[tilespmem:$0x7AC8] =	vst v62  }
0x2a: {  	v14 =	vmul.f32 v14, v22;
	[tilespmem:$0x7AD8] =	vst v63  }
0x2b: {  	v12 =	vmul.f32 v12, v22;
	[tilespmem:$0x7AF8] =	vst v16  }
0x2c: {  	v10 =	vmul.f32 v10, v22;
	[tilespmem:$0x7B08] =	vst v14  }
0x2d: {  	v8 =	vmul.f32 v8, v22;
	[tilespmem:$0x7B18] =	vst v12  }
0x2e: {  	v7 =	vmul.f32 v7, v22;
	[tilespmem:$0x7B28] =	vst v10  }
0x2f: {  	v6 =	vmul.f32 v6, v22;
	[tilespmem:$0x7B38] =	vst v8  }
0x30: {  	v5 =	vmul.f32 v5, v22;
	[tilespmem:$0x7B48] =	vst v7  }
0x31: {  	v7 =	vmul.f32 v9, v58;
	[tilespmem:$0x7B58] =	vst v6  }
0x32: {  	[tilespmem:$0x7B68] =	vst v5  }
0x33: {  	s29 =	rddreg [dreg:$0x5];
	s30 =	simm.s32 $0x7A78;
	[tilespmem:$0x7AE8] =	vst v7  }
0x34: {  	[hbm4b:s29+s4] =	stream.linear.scatter [tilespmem:s30], [sflag:$0x5], $0x100, $0x38;
	[tilespmem:$0x7B78] =	vst v63  }
0x35: {  	_ =	swait.ge [sflag:s12], $0x100  }
0x36: {  	s13 =	sadd.s32 $0x1, s13;
	s31 =	rddreg [dreg:$0x6]  }
0x37: {  	p1 =	sne.s32 s13, s31  }
.Ltmp1:
0x38: {  	_ = 	snop;
	(pc) =	sbr.rel @!p1 .LBB2_45-.Ltmp1, $3  }
0x39: {  	_ =	sdelay $0x1  }
0x3a: {  	[sflag:s12] =	ssyncset.done $0x0  }
0x3b: {  	[sflag:s12] =	ssyncadd.s32 $0xFFFFFF00  }
.LBB2_1:
0x3c: {  	s2 =	rddreg [dreg:$0x1]  }
0x3d: {  	s0 =	simm.s32 @!p0 $0x1C05;
	s3 =	rddreg [dreg:$0x7]  }
0x3e: {  	[spmem:s3], [sflag:s0] =	dma.local @!p0 [hbm:s2], $0x4F0  }
0x3f: {  	s0 =	simm.s32 @!p0 $0x5  }
0x40: {  	_ =	swait.ge @!p0 [sflag:s0], $0x4F0  }
0x41: {  	[sflag:s0] =	ssyncset.done @!p0 $0x0  }
0x42: {  	[sflag:s0] =	ssyncadd.s32 @!p0 $0xFFFFFB10  }
0x43: {  	[tilespmem:$0x2710] =	vst v3  }
0x44: {  	[tilespmem:$0x2720] =	vst v3  }
0x45: {  	[tilespmem:$0x2730] =	vst v3  }
0x46: {  	[tilespmem:$0x2740] =	vst v3  }
0x47: {  	[tilespmem:$0x2750] =	vst v3  }
0x48: {  	[tilespmem:$0x2760] =	vst v3  }
0x49: {  	[tilespmem:$0x2770] =	vst v3  }
0x4a: {  	[tilespmem:$0x2780] =	vst v3  }
0x4b: {  	[tilespmem:$0x2790] =	vst v3  }
0x4c: {  	[tilespmem:$0x27A0] =	vst v3  }
0x4d: {  	[tilespmem:$0x27B0] =	vst v3  }
0x4e: {  	[tilespmem:$0x27C0] =	vst v3  }
0x4f: {  	[tilespmem:$0x27D0] =	vst v3  }
0x50: {  	[tilespmem:$0x27E0] =	vst v3  }
0x51: {  	[tilespmem:$0x27F0] =	vst v3  }
0x52: {  	[bflag:$0x0] =	sbarrier.arrive $0xFFFF  }
0x53: {  	s31 =	rddreg [dreg:$0x3]  }
0x54: {  	[tilespmem:s4], [sflag:$0x5] =	stream.linear.gather [spmem:s31], $0x2710, $0x38;
	[tilespmem:$0x7B78] =	vst v63  }
0x55: {  	_ =	swait.ge [sflag:s12], $0x2710  }
0x56: {  	s7 =	simm.s32 $0x280;
	s3 =	simm.s32 $0x280;
	[sflag:s12] =	ssyncset.done $0x0  }
0x57: {  	s2 =	simm.s32 $0x9;
	s0 =	simm.s32 $0x0;
	[sflag:s12] =	ssyncadd.s32 $0xFFFFD8F0  }
.LBB2_2:
0x58: {  	s8 =	smov.u32 s3  }
0x59: {  	p1 =	sne.s32 s2, $0x1;
	s3 =	sshrl.u32 s7, $0x1F  }
0x5a: {  	s3 =	sadd.s32 s3, s7  }
0x5b: {  	s3 =	sshra.s32 s3, $0x1  }
0x5c: {  	s7 =	sshll.u32 s3, $0x6  }
0x5d: {  	s7 =	sshra.s32 s7, $0x2  }
0x5e: {  	v5 =	vld [tilespmem:s7+$0x0];
	_ =	sdelay $0x4  }
0x5f: {  	(v2sf) =	vpush v5, $0xF;
	_ =	sdelay $0xd  }
.Ltmp2:
0x60: {  	(pc) =	sbr.rel @p1 .LBB2_2-.Ltmp2, $4  }
0x61: {  	s7 =	spop (v2sf)  }
0x62: {  	p2 =	slt.s32 s7, s5;
	s7 =	sadd.s32 $0x1, s3  }
0x63: {  	s0 =	smov.u32 @p2 s7;
	s3 =	smov.u32 @p2 s8  }
0x64: {  	s2 =	sadd.s32 $0xFFFFFFFF, s2;
	s7 =	sadd.s32 s0, s3  }
0x65: {  	s2 =	sshrl.u32 s7, $0x1F  }
0x66: {  	s2 =	sadd.s32 s2, s7  }
0x67: {  	s2 =	sshra.s32 s2, $0x1  }
0x68: {  	s3 =	sshll.u32 s2, $0x6  }
0x69: {  	s3 =	sshra.s32 s3, $0x2  }
0x6a: {  	v5 =	vld [tilespmem:s3+$0x0];
	_ =	sdelay $0x4  }
0x6b: {  	(v2sf) =	vpush v5, $0xF;
	_ =	sdelay $0xe  }
0x6c: {  	s31 =	spop (v2sf)  }
0x6d: {  	s2 =	sadd.s32 $0x1, s2;
	p1 =	slt.s32 s31, s5  }
0x6e: {  	s0 =	smov.u32 @p1 s2  }
0x6f: {  	s8 =	simm.s32 $0x280;
	s0 =	sshll.u32 s0, $0x4  }
0x70: {  	s7 =	simm.s32 $0x0;
	s3 =	simm.s32 $0x9;
	s2 =	simm.s32 $0x280;
	v5 =	vld [tilespmem:s0+$0x0]  }
.LBB2_4:
0x71: {  	s9 =	smov.u32 s7  }
0x72: {  	p1 =	sne.s32 s3, $0x1;
	s7 =	sshrl.u32 s8, $0x1F  }
0x73: {  	s7 =	sadd.s32 s7, s8  }
0x74: {  	s8 =	sshra.s32 s7, $0x1  }
0x75: {  	s7 =	sshll.u32 s8, $0x6  }
0x76: {  	s7 =	sshra.s32 s7, $0x2  }
0x77: {  	v6 =	vld [tilespmem:s7+$0x0];
	_ =	sdelay $0x4  }
0x78: {  	(v2sf) =	vpush v6, $0xF;
	_ =	sdelay $0xd  }
.Ltmp3:
0x79: {  	(pc) =	sbr.rel @p1 .LBB2_4-.Ltmp3, $4  }
0x7a: {  	s7 =	spop (v2sf)  }
0x7b: {  	p2 =	sgt.s32 s7, s5;
	s7 =	sadd.s32 $0x1, s8  }
0x7c: {  	s7 =	smov.u32 @p2 s9;
	s2 =	smov.u32 @p2 s8  }
0x7d: {  	s3 =	sadd.s32 $0xFFFFFFFF, s3;
	s8 =	sadd.s32 s7, s2  }
0x7e: {  	s2 =	sshrl.u32 s8, $0x1F  }
0x7f: {  	s2 =	sadd.s32 s2, s8  }
0x80: {  	s2 =	sshra.s32 s2, $0x1  }
0x81: {  	s3 =	sshll.u32 s2, $0x6  }
0x82: {  	s3 =	sshra.s32 s3, $0x2  }
0x83: {  	v6 =	vld [tilespmem:s3+$0x0];
	_ =	sdelay $0x4  }
0x84: {  	(v2sf) =	vpush v6, $0xF;
	_ =	sdelay $0xe  }
0x85: {  	s31 =	spop (v2sf)  }
0x86: {  	s2 =	sadd.s32 $0x1, s2;
	p1 =	sgt.s32 s31, s5  }
0x87: {  	s2 =	smov.u32 @p1 s7  }
0x88: {  	s9 =	simm.s32 $0x280;
	s2 =	sshll.u32 s2, $0x4  }
0x89: {  	s8 =	simm.s32 $0x280;
	s3 =	simm.s32 $0x0;
	s7 =	simm.s32 $0x9;
	v6 =	vld [tilespmem:s2+$0x0]  }
.LBB2_6:
0x8a: {  	s10 =	smov.u32 s8  }
0x8b: {  	p1 =	sne.s32 s7, $0x1;
	s8 =	sshrl.u32 s9, $0x1F  }
0x8c: {  	s8 =	sadd.s32 s8, s9  }
0x8d: {  	s8 =	sshra.s32 s8, $0x1  }
0x8e: {  	s9 =	sshll.u32 s8, $0x6  }
0x8f: {  	s9 =	sshra.s32 s9, $0x2  }
0x90: {  	v7 =	vld [tilespmem:s9+$0x0];
	_ =	sdelay $0x4  }
0x91: {  	(v2sf) =	vpush v7, $0xF;
	_ =	sdelay $0xd  }
.Ltmp4:
0x92: {  	(pc) =	sbr.rel @p1 .LBB2_6-.Ltmp4, $4  }
0x93: {  	s9 =	spop (v2sf)  }
0x94: {  	p2 =	slt.s32 s9, s6;
	s9 =	sadd.s32 $0x1, s8  }
0x95: {  	s3 =	smov.u32 @p2 s9;
	s8 =	smov.u32 @p2 s10  }
0x96: {  	s7 =	sadd.s32 $0xFFFFFFFF, s7;
	s9 =	sadd.s32 s3, s8  }
0x97: {  	s7 =	sshrl.u32 s9, $0x1F  }
0x98: {  	s7 =	sadd.s32 s7, s9  }
0x99: {  	s7 =	sshra.s32 s7, $0x1  }
0x9a: {  	s8 =	sshll.u32 s7, $0x6  }
0x9b: {  	s8 =	sshra.s32 s8, $0x2  }
0x9c: {  	v7 =	vld [tilespmem:s8+$0x0];
	_ =	sdelay $0x4  }
0x9d: {  	(v2sf) =	vpush v7, $0xF;
	_ =	sdelay $0xe  }
0x9e: {  	s21 =	spop (v2sf)  }
0x9f: {  	s7 =	sadd.s32 $0x1, s7;
	p1 =	slt.s32 s21, s6  }
0xa0: {  	s3 =	smov.u32 @p1 s7  }
0xa1: {  	s3 =	sshll.u32 s3, $0x4  }
0xa2: {  	v7 =	vld [tilespmem:s3+$0x0];
	_ =	sdelay $0x2  }
0xa3: {  	vm0 =	vlt.s32 v5, v0  }
0xa4: {  	vm14 =	vlt.s32 v6, v1;
	v5 =	vsel vm0, $0x1, v4  }
0xa5: {  	(xrf0) =	vadd.scan.msk.s32 $0xffff, v5;
	v5 =	vsel vm14, $0x1, v4;
	vm15 =	vlt.s32 v7, v2  }
0xa6: {  	(xrf0) =	vadd.scan.msk.s32 $0xffff, v5;
	v5 =	vsel vm15, $0x1, v4  }
0xa7: {  	(xrf0) =	vadd.scan.msk.s32 $0xffff, v5;
	_ =	sdelay $0x3  }
0xa8: {  	v5, _, _ =	vpop (xrf0)  }
0xa9: {  	v6, _, _ =	vpop (xrf0);
	(v2sf) =	vpush v5, $0xF  }
0xaa: {  	(v2sf) =	vpush v6, $0xF;
	v5, _, _ =	vpop (xrf0)  }
0xab: {  	(v2sf) =	vpush v5, $0xF;
	_ =	sdelay $0xc  }
0xac: {  	s22 =	spop (v2sf)  }
0xad: {  	s23 =	spop (v2sf)  }
0xae: {  	s11 =	sadd.s32 s0, s22;
	s25 =	spop (v2sf)  }
0xaf: {  	s26 =	smulhi.u32 $0x66666667, s11;
	s28 =	sshra.s32 s11, $0x1F;
	s22 =	sadd.s32 s3, s25  }
0xb0: {  	s3 =	smul.u32 $0x66666667, s28;
	s29 =	sadd.s32 $0x27, s22  }
0xb1: {  	s30 =	smulhi.u32 $0x66666667, s29;
	s7 =	sshra.s32 s29, $0x1F  }
0xb2: {  	s7 =	smul.u32 $0x66666667, s7  }
0xb3: {  	s0 =	sadd.s32 s3, s26  }
0xb4: {  	s3 =	sshrl.u32 s0, $0x1F;
	s7 =	sadd.s32 s7, s30  }
0xb5: {  	s0 =	sshra.s32 s0, $0x4;
	s9 =	sshrl.u32 s7, $0x1F;
	s7 =	sshra.s32 s7, $0x4  }
0xb6: {  	s24 =	sadd.s32 s3, s0;
	s31 =	sadd.s32 s9, s7  }
0xb7: {  	s0 =	ssub.s32 s31, s24  }
0xb8: {  	p1 =	slt.s32 s0, $0x1  }
.Ltmp5:
0xb9: {  	_ = 	snop;
	(pc) =	sbr.rel @p1 .LBB2_8-.Ltmp5, $2  }
0xba: {  	_ =	sdelay $0x2  }
0xbb: {  	s23 =	sadd.s32 s2, s23  }
0xbc: {  	s25 =	smul.u32 $0x28, s24;
	_ =	sdelay $0x1  }
0xbd: {  	p1 =	slt.s32 s25, $0x26E8;
	s2 =	smov.u32 s25  }
0xbe: {  	s2 =	simm.s32 @!p1 $0x26E8  }
0xbf: {  	s26 =	simm.s32 $0x0;
	s2 =	sshll.u32 s2, $0x4  }
0xc0: {  	s3 =	simm.s32 $0x2A78;
	s28 =	sadd.s32 $0x28, s25;
	s2 =	sadd.s32 s1, s2  }
0xc1: {  	[tilespmem:s3], [sflag:$0x1] =	stream.linear.gather [hbm4b:s2+s26], $0x1400, $0x38;
	[tilespmem:$0x7B78] =	vst v63  }
0xc2: {  	p1 =	slt.s32 s28, $0x26E8;
	s2 =	smov.u32 s28  }
0xc3: {  	s2 =	simm.s32 @!p1 $0x26E8  }
0xc4: {  	s2 =	sshll.u32 s2, $0x4  }
0xc5: {  	s20 =	simm.s32 $0x3E78;
	s29 =	sadd.s32 $0x50, s25;
	s2 =	sadd.s32 s1, s2  }
0xc6: {  	v5 =	vimm.f32 $0.0e+00;
	[tilespmem:s20], [sflag:$0x2] =	stream.linear.gather [hbm4b:s2+s26], $0x1400, $0x38;
	[tilespmem:$0x7B78] =	vst v63  }
.Ltmp6:
0xc7: {  	v6 =	vimm.f32 $0.0e+00;
	v7 =	vimm.f32 $0.0e+00;
	v8 =	vimm.f32 $0.0e+00;
	p1 =	slt.s32 s29, $0x26E8;
	s2 =	smov.u32 s29;
	(pc) =	sbr.rel .LBB2_10-.Ltmp6, $4  }
0xc8: {  	[dreg:$0x8] =	wrdreg s13;
	v10 =	vimm.f32 $0.0e+00;
	v12 =	vimm.f32 $0.0e+00;
	v14 =	vimm.f32 $0.0e+00;
	s0 =	sadd.s32 $0x3, s0;
	s2 =	simm.s32 @!p1 $0x26E8  }
0xc9: {  	s21 =	simm.s32 $0x5278;
	v16 =	vimm.f32 $0.0e+00;
	v9 =	vimm.f32 $0.0e+00;
	v11 =	vimm.f32 $0.0e+00;
	s30 =	sshrl.u32 s0, $0x2;
	s2 =	sshll.u32 s2, $0x4  }
0xca: {  	v13 =	vimm.f32 $0.0e+00;
	v15 =	vimm.f32 $0.0e+00;
	v17 =	vimm.f32 $0.0e+00;
	s31 =	sadd.s32 $0x78, s25;
	s0 =	sadd.s32 $0xA0, s25;
	s2 =	sadd.s32 s1, s2  }
0xcb: {  	v18 =	vimm.f32 $0.0e+00;
	v19 =	vimm.f32 $0.0e+00;
	v20 =	vimm.f32 $0.0e+00;
	[tilespmem:s21], [sflag:$0x3] =	stream.linear.gather [hbm4b:s2+s26], $0x1400, $0x38;
	[tilespmem:$0x7B78] =	vst v63  }
.LBB2_41:
0xcc: {  	_ = 	snop  }
0xcd: {  	v10 =	vadd.f32 v22, v10  }
0xce: {  	v8 =	vadd.f32 v21, v8;
	v7 =	vadd.f32 v23, v7  }
0xcf: {  	v6 =	vadd.f32 v24, v6;
	v16 =	vadd.f32 v25, v16  }
.LBB2_42:
0xd0: {  	s26 =	sadd.s32 $0x1, s26  }
0xd1: {  	p1 =	sne.s32 s26, s30  }
.Ltmp7:
0xd2: {  	_ = 	snop;
	(pc) =	sbr.rel @!p1 .LBB2_43-.Ltmp7, $3  }
0xd3: {  	_ =	sdelay $0x1  }
0xd4: {  	s25 =	sadd.s32 $0xA0, s25;
	s28 =	sadd.s32 $0xA0, s28  }
0xd5: {  	s29 =	sadd.s32 $0xA0, s29;
	s31 =	sadd.s32 $0xA0, s31;
	s0 =	sadd.s32 $0xA0, s0  }
.LBB2_10:
0xd6: {  	s2 =	sshll.u32 s26, $0x2  }
0xd7: {  	s2 =	sadd.s32 s24, s2  }
0xd8: {  	s19 =	smul.u32 $0x28, s2;
	_ =	sdelay $0x1  }
0xd9: {  	s2 =	sadd.s32 $0x78, s19  }
0xda: {  	p1 =	slt.s32 s2, $0x26E8;
	s3 =	smov.u32 s2  }
0xdb: {  	_ =	swait.ge [sflag:s14], $0x1400;
	s3 =	simm.s32 @!p1 $0x26E8  }
0xdc: {  	s8 =	simm.s32 $0x6678;
	[sflag:s14] =	ssyncset.done $0x0;
	s7 =	sshll.u32 s3, $0x4  }
0xdd: {  	[sflag:s14] =	ssyncadd.s32 $0xFFFFEC00;
	s9 =	smov.u32 s19;
	s7 =	sadd.s32 s1, s7  }
0xde: {  	[tilespmem:s8], [sflag:$0x4] =	stream.linear.gather [hbm4b:s7+s4], $0x1400, $0x38;
	[tilespmem:$0x7B78] =	vst v63  }
0xdf: {  	p2 =	sgt.s32 s11, s19;
	p1 =	slt.s32 s19, $0x26E8;
	s7 =	smov.u32 s19  }
0xe0: {  	s9 =	simm.s32 @!p1 $0x26E8;
	s8 =	sadd.s32 $0x28, s19;
	s7 =	smov.u32 @p2 s11  }
0xe1: {  	p1 =	slt.s32 s22, s8;
	s10 =	smov.u32 s8;
	p2 =	sgt.s32 s23, s7  }
0xe2: {  	s12 =	ssub.s32 s7, s9;
	s10 =	smov.u32 @p1 s22;
	s7 =	smov.u32 @p2 s23  }
0xe3: {  	s13 =	smov.u32 s10;
	p1 =	slt.s32 s7, s10  }
0xe4: {  	s13 =	smov.u32 @p1 s7  }
0xe5: {  	s15 =	smov.u32 s25;
	p1 =	slt.s32 s25, $0x26E8;
	s7 =	ssub.s32 s13, s9  }
0xe6: {  	s15 =	simm.s32 @!p1 $0x26E8;
	p1 =	sge.s32 s12, s7  }
.Ltmp8:
0xe7: {  	_ = 	snop;
	(pc) =	sbr.rel @p1 .LBB2_14-.Ltmp8, $3  }
0xe8: {  	_ =	sdelay $0x1  }
0xe9: {  	s20 =	smov.u32 s11;
	p2 =	sgt.s32 s25, s11  }
0xea: {  	s20 =	smov.u32 @p2 s25;
	s15 =	sshll.u32 s15, $0x9  }
0xeb: {  	s13 =	sshll.u32 s20, $0x9  }
0xec: {  	s13 =	ssub.s32 s13, s15  }
0xed: {  	s13 =	sshra.s32 s13, $0x2  }
0xee: {  	s13 =	sadd.s32 $0x2AB8, s13  }
0xef: {  	v24 =	vld [tilespmem:s13+$0x30]  }
0xf0: {  	s21 =	sadd.s32 $0x1, s12;
	v25 =	vld [tilespmem:s13+$0xFFFFFFD0]  }
0xf1: {  	p1 =	slt.s32 s21, s7;
	v26 =	vld [tilespmem:s13+$0xFFFFFFE0]  }
.Ltmp9:
0xf2: {  	v22 =	vld [tilespmem:s13+$0xFFFFFFF0];
	(pc) =	sbr.rel @!p1 .LBB2_13-.Ltmp9, $4  }
0xf3: {  	v21 =	vld [tilespmem:s13+$0x0]  }
0xf4: {  	v23 =	vld [tilespmem:s13+$0x10]  }
0xf5: {  	v9 =	vadd.f32 v24, v9;
	v24 =	vld [tilespmem:s13+$0x20]  }
0xf6: {  	s12 =	sadd.s32 $0x80, s13;
	v19 =	vadd.f32 v25, v19;
	v25 =	vld [tilespmem:s13+$0xFFFFFFC0];
	v18 =	vadd.f32 v26, v18  }
.LBB2_12:
0xf7: {  	v26 =	vld [tilespmem:s12+$0x30];
	s21 =	sadd.s32 $0x1, s21;
	v17 =	vadd.f32 v22, v17  }
0xf8: {  	v27 =	vld [tilespmem:s12+$0xFFFFFFD0];
	p1 =	slt.s32 s21, s7;
	v15 =	vadd.f32 v21, v15  }
0xf9: {  	v28 =	vld [tilespmem:s12+$0xFFFFFFE0];
	v13 =	vadd.f32 v23, v13  }
.Ltmp10:
0xfa: {  	v22 =	vld [tilespmem:s12+$0xFFFFFFF0];
	v11 =	vadd.f32 v24, v11;
	(pc) =	sbr.rel @p1 .LBB2_12-.Ltmp10, $4  }
0xfb: {  	v21 =	vld [tilespmem:s12+$0x0];
	v20 =	vadd.f32 v25, v20  }
0xfc: {  	v23 =	vld [tilespmem:s12+$0x10];
	v9 =	vadd.f32 v26, v9  }
0xfd: {  	v19 =	vadd.f32 v27, v19;
	v24 =	vld [tilespmem:s12+$0x20]  }
0xfe: {  	v25 =	vld [tilespmem:s12+$0xFFFFFFC0];
	v18 =	vadd.f32 v28, v18;
	s12 =	sadd.s32 $0x80, s12  }
.LBB2_13:
0xff: {  	_ =	sdelay $0x1  }
0x100: {  	v17 =	vadd.f32 v22, v17  }
0x101: {  	v15 =	vadd.f32 v21, v15;
	v13 =	vadd.f32 v23, v13  }
0x102: {  	v11 =	vadd.f32 v24, v11;
	v20 =	vadd.f32 v25, v20  }
.LBB2_14:
0x103: {  	s9 =	ssub.s32 s10, s9  }
0x104: {  	p1 =	sge.s32 s7, s9  }
.Ltmp11:
0x105: {  	_ = 	snop;
	(pc) =	sbr.rel @p1 .LBB2_18-.Ltmp11, $1  }
0x106: {  	_ =	sdelay $0x3  }
0x107: {  	p1 =	sgt.s32 s20, s23;
	s10 =	smov.u32 s23  }
0x108: {  	s10 =	smov.u32 @p1 s20  }
0x109: {  	s12 =	smov.u32 s28;
	p1 =	slt.s32 s10, s28  }
0x10a: {  	s12 =	smov.u32 @p1 s10  }
0x10b: {  	s10 =	smov.u32 s22;
	p1 =	slt.s32 s12, s22  }
0x10c: {  	s10 =	smov.u32 @p1 s12  }
0x10d: {  	s10 =	sshll.u32 s10, $0x9  }
0x10e: {  	s10 =	ssub.s32 s10, s15  }
0x10f: {  	s10 =	sshra.s32 s10, $0x2  }
0x110: {  	s10 =	sadd.s32 $0x2AB8, s10  }
0x111: {  	v24 =	vld [tilespmem:s10+$0x30]  }
0x112: {  	s7 =	sadd.s32 $0x1, s7;
	v25 =	vld [tilespmem:s10+$0xFFFFFFD0]  }
0x113: {  	p1 =	slt.s32 s7, s9;
	v26 =	vld [tilespmem:s10+$0xFFFFFFE0]  }
.Ltmp12:
0x114: {  	v22 =	vld [tilespmem:s10+$0xFFFFFFF0];
	(pc) =	sbr.rel @!p1 .LBB2_17-.Ltmp12, $4  }
0x115: {  	v21 =	vld [tilespmem:s10+$0x0]  }
0x116: {  	v23 =	vld [tilespmem:s10+$0x10]  }
0x117: {  	v5 =	vadd.f32 v24, v5;
	v24 =	vld [tilespmem:s10+$0x20]  }
0x118: {  	v14 =	vadd.f32 v25, v14;
	v25 =	vld [tilespmem:s10+$0xFFFFFFC0];
	v12 =	vadd.f32 v26, v12;
	s10 =	sadd.s32 $0x80, s10  }
.LBB2_16:
0x119: {  	v26 =	vld [tilespmem:s10+$0x30];
	s7 =	sadd.s32 $0x1, s7;
	v10 =	vadd.f32 v22, v10  }
0x11a: {  	v27 =	vld [tilespmem:s10+$0xFFFFFFD0];
	p1 =	slt.s32 s7, s9;
	v8 =	vadd.f32 v21, v8  }
0x11b: {  	v28 =	vld [tilespmem:s10+$0xFFFFFFE0];
	v7 =	vadd.f32 v23, v7  }
.Ltmp13:
0x11c: {  	v22 =	vld [tilespmem:s10+$0xFFFFFFF0];
	v6 =	vadd.f32 v24, v6;
	(pc) =	sbr.rel @p1 .LBB2_16-.Ltmp13, $4  }
0x11d: {  	v21 =	vld [tilespmem:s10+$0x0];
	v16 =	vadd.f32 v25, v16  }
0x11e: {  	v23 =	vld [tilespmem:s10+$0x10];
	v5 =	vadd.f32 v26, v5  }
0x11f: {  	v14 =	vadd.f32 v27, v14;
	v24 =	vld [tilespmem:s10+$0x20]  }
0x120: {  	v25 =	vld [tilespmem:s10+$0xFFFFFFC0];
	v12 =	vadd.f32 v28, v12;
	s10 =	sadd.s32 $0x80, s10  }
.LBB2_17:
0x121: {  	_ =	sdelay $0x1  }
0x122: {  	v10 =	vadd.f32 v22, v10  }
0x123: {  	v8 =	vadd.f32 v21, v8;
	v7 =	vadd.f32 v23, v7  }
0x124: {  	v6 =	vadd.f32 v24, v6;
	v16 =	vadd.f32 v25, v16  }
.LBB2_18:
0x125: {  	s7 =	sadd.s32 $0xA0, s19  }
0x126: {  	p1 =	slt.s32 s7, $0x26E8;
	s9 =	smov.u32 s7  }
0x127: {  	_ =	swait.ge [sflag:s16], $0x1400;
	s9 =	simm.s32 @!p1 $0x26E8  }
0x128: {  	[sflag:s16] =	ssyncset.done $0x0;
	s9 =	sshll.u32 s9, $0x4  }
0x129: {  	s10 =	simm.s32 $0x2A78;
	[sflag:s16] =	ssyncadd.s32 $0xFFFFEC00;
	s9 =	sadd.s32 s1, s9  }
0x12a: {  	[tilespmem:s10], [sflag:$0x1] =	stream.linear.gather [hbm4b:s9+s4], $0x1400, $0x38;
	[tilespmem:$0x7B78] =	vst v63  }
0x12b: {  	p2 =	sgt.s32 s11, s8;
	p1 =	slt.s32 s8, $0x26E8;
	s10 =	smov.u32 s8  }
0x12c: {  	s8 =	smov.u32 @p2 s11;
	s9 =	sadd.s32 $0x50, s19;
	s10 =	simm.s32 @!p1 $0x26E8  }
0x12d: {  	p1 =	slt.s32 s22, s9;
	s20 =	smov.u32 s9;
	p2 =	sgt.s32 s23, s8  }
0x12e: {  	s12 =	ssub.s32 s8, s10;
	s20 =	smov.u32 @p1 s22;
	s8 =	smov.u32 @p2 s23  }
0x12f: {  	p1 =	slt.s32 s8, s20;
	s13 =	smov.u32 s20  }
0x130: {  	s13 =	smov.u32 @p1 s8  }
0x131: {  	s15 =	smov.u32 s28;
	p1 =	slt.s32 s28, $0x26E8;
	s8 =	ssub.s32 s13, s10  }
0x132: {  	s15 =	simm.s32 @!p1 $0x26E8;
	p1 =	sge.s32 s12, s8  }
.Ltmp14:
0x133: {  	_ = 	snop;
	(pc) =	sbr.rel @p1 .LBB2_22-.Ltmp14, $3  }
0x134: {  	_ =	sdelay $0x1  }
0x135: {  	s21 =	smov.u32 s11;
	p2 =	sgt.s32 s28, s11  }
0x136: {  	s21 =	smov.u32 @p2 s28;
	s15 =	sshll.u32 s15, $0x9  }
0x137: {  	s13 =	sshll.u32 s21, $0x9  }
0x138: {  	s13 =	ssub.s32 s13, s15  }
0x139: {  	s13 =	sshra.s32 s13, $0x2  }
0x13a: {  	s13 =	sadd.s32 $0x3EB8, s13  }
0x13b: {  	v24 =	vld [tilespmem:s13+$0x30]  }
0x13c: {  	s12 =	sadd.s32 $0x1, s12;
	v25 =	vld [tilespmem:s13+$0xFFFFFFD0]  }
0x13d: {  	p1 =	slt.s32 s12, s8;
	v26 =	vld [tilespmem:s13+$0xFFFFFFE0]  }
.Ltmp15:
0x13e: {  	v22 =	vld [tilespmem:s13+$0xFFFFFFF0];
	(pc) =	sbr.rel @!p1 .LBB2_21-.Ltmp15, $4  }
0x13f: {  	v21 =	vld [tilespmem:s13+$0x0]  }
0x140: {  	v23 =	vld [tilespmem:s13+$0x10]  }
0x141: {  	v9 =	vadd.f32 v24, v9;
	v24 =	vld [tilespmem:s13+$0x20]  }
0x142: {  	v19 =	vadd.f32 v25, v19;
	v25 =	vld [tilespmem:s13+$0xFFFFFFC0];
	v18 =	vadd.f32 v26, v18;
	s13 =	sadd.s32 $0x80, s13  }
.LBB2_20:
0x143: {  	v26 =	vld [tilespmem:s13+$0x30];
	s12 =	sadd.s32 $0x1, s12;
	v17 =	vadd.f32 v22, v17  }
0x144: {  	v27 =	vld [tilespmem:s13+$0xFFFFFFD0];
	p1 =	slt.s32 s12, s8;
	v15 =	vadd.f32 v21, v15  }
0x145: {  	v28 =	vld [tilespmem:s13+$0xFFFFFFE0];
	v13 =	vadd.f32 v23, v13  }
.Ltmp16:
0x146: {  	v22 =	vld [tilespmem:s13+$0xFFFFFFF0];
	v11 =	vadd.f32 v24, v11;
	(pc) =	sbr.rel @p1 .LBB2_20-.Ltmp16, $4  }
0x147: {  	v21 =	vld [tilespmem:s13+$0x0];
	v20 =	vadd.f32 v25, v20  }
0x148: {  	v23 =	vld [tilespmem:s13+$0x10];
	v9 =	vadd.f32 v26, v9  }
0x149: {  	v19 =	vadd.f32 v27, v19;
	v24 =	vld [tilespmem:s13+$0x20]  }
0x14a: {  	v25 =	vld [tilespmem:s13+$0xFFFFFFC0];
	v18 =	vadd.f32 v28, v18;
	s13 =	sadd.s32 $0x80, s13  }
.LBB2_21:
0x14b: {  	_ =	sdelay $0x1  }
0x14c: {  	v17 =	vadd.f32 v22, v17  }
0x14d: {  	v15 =	vadd.f32 v21, v15;
	v13 =	vadd.f32 v23, v13  }
0x14e: {  	v11 =	vadd.f32 v24, v11;
	v20 =	vadd.f32 v25, v20  }
.LBB2_22:
0x14f: {  	s10 =	ssub.s32 s20, s10  }
0x150: {  	p1 =	sge.s32 s8, s10  }
.Ltmp17:
0x151: {  	_ = 	snop;
	(pc) =	sbr.rel @p1 .LBB2_26-.Ltmp17, $1  }
0x152: {  	_ =	sdelay $0x3  }
0x153: {  	p1 =	sgt.s32 s21, s23;
	s12 =	smov.u32 s23  }
0x154: {  	s12 =	smov.u32 @p1 s21  }
0x155: {  	s13 =	smov.u32 s29;
	p1 =	slt.s32 s12, s29  }
0x156: {  	s13 =	smov.u32 @p1 s12  }
0x157: {  	s12 =	smov.u32 s22;
	p1 =	slt.s32 s13, s22  }
0x158: {  	s12 =	smov.u32 @p1 s13  }
0x159: {  	s12 =	sshll.u32 s12, $0x9  }
0x15a: {  	s12 =	ssub.s32 s12, s15  }
0x15b: {  	s12 =	sshra.s32 s12, $0x2  }
0x15c: {  	s12 =	sadd.s32 $0x3EB8, s12  }
0x15d: {  	v24 =	vld [tilespmem:s12+$0x30]  }
0x15e: {  	s8 =	sadd.s32 $0x1, s8;
	v25 =	vld [tilespmem:s12+$0xFFFFFFD0]  }
0x15f: {  	p1 =	slt.s32 s8, s10;
	v26 =	vld [tilespmem:s12+$0xFFFFFFE0]  }
.Ltmp18:
0x160: {  	v22 =	vld [tilespmem:s12+$0xFFFFFFF0];
	(pc) =	sbr.rel @!p1 .LBB2_25-.Ltmp18, $4  }
0x161: {  	v21 =	vld [tilespmem:s12+$0x0]  }
0x162: {  	v23 =	vld [tilespmem:s12+$0x10]  }
0x163: {  	v5 =	vadd.f32 v24, v5;
	v24 =	vld [tilespmem:s12+$0x20]  }
0x164: {  	v14 =	vadd.f32 v25, v14;
	v25 =	vld [tilespmem:s12+$0xFFFFFFC0];
	v12 =	vadd.f32 v26, v12;
	s12 =	sadd.s32 $0x80, s12  }
.LBB2_24:
0x165: {  	v26 =	vld [tilespmem:s12+$0x30];
	s8 =	sadd.s32 $0x1, s8;
	v10 =	vadd.f32 v22, v10  }
0x166: {  	v27 =	vld [tilespmem:s12+$0xFFFFFFD0];
	p1 =	slt.s32 s8, s10;
	v8 =	vadd.f32 v21, v8  }
0x167: {  	v28 =	vld [tilespmem:s12+$0xFFFFFFE0];
	v7 =	vadd.f32 v23, v7  }
.Ltmp19:
0x168: {  	v22 =	vld [tilespmem:s12+$0xFFFFFFF0];
	v6 =	vadd.f32 v24, v6;
	(pc) =	sbr.rel @p1 .LBB2_24-.Ltmp19, $4  }
0x169: {  	v21 =	vld [tilespmem:s12+$0x0];
	v16 =	vadd.f32 v25, v16  }
0x16a: {  	v23 =	vld [tilespmem:s12+$0x10];
	v5 =	vadd.f32 v26, v5  }
0x16b: {  	v14 =	vadd.f32 v27, v14;
	v24 =	vld [tilespmem:s12+$0x20]  }
0x16c: {  	v25 =	vld [tilespmem:s12+$0xFFFFFFC0];
	v12 =	vadd.f32 v28, v12;
	s12 =	sadd.s32 $0x80, s12  }
.LBB2_25:
0x16d: {  	_ =	sdelay $0x1  }
0x16e: {  	v10 =	vadd.f32 v22, v10  }
0x16f: {  	v8 =	vadd.f32 v21, v8;
	v7 =	vadd.f32 v23, v7  }
0x170: {  	v6 =	vadd.f32 v24, v6;
	v16 =	vadd.f32 v25, v16  }
.LBB2_26:
0x171: {  	s8 =	sadd.s32 $0xC8, s19  }
0x172: {  	p1 =	slt.s32 s8, $0x26E8  }
0x173: {  	_ =	swait.ge [sflag:s17], $0x1400;
	s10 =	simm.s32 $0x3E78;
	s8 =	simm.s32 @!p1 $0x26E8  }
0x174: {  	p2 =	sgt.s32 s11, s9;
	[sflag:s17] =	ssyncset.done $0x0;
	s8 =	sshll.u32 s8, $0x4  }
0x175: {  	s20 =	smov.u32 s2;
	[sflag:s17] =	ssyncadd.s32 $0xFFFFEC00;
	s8 =	sadd.s32 s1, s8  }
0x176: {  	[tilespmem:s10], [sflag:$0x2] =	stream.linear.gather [hbm4b:s8+s4], $0x1400, $0x38;
	[tilespmem:$0x7B78] =	vst v63  }
0x177: {  	p1 =	slt.s32 s9, $0x26E8;
	s10 =	smov.u32 s9;
	s9 =	smov.u32 @p2 s11  }
0x178: {  	s10 =	simm.s32 @!p1 $0x26E8;
	p1 =	slt.s32 s22, s2;
	p2 =	sgt.s32 s23, s9  }
0x179: {  	s12 =	ssub.s32 s9, s10;
	s20 =	smov.u32 @p1 s22;
	s9 =	smov.u32 @p2 s23  }
0x17a: {  	p1 =	slt.s32 s9, s20;
	s8 =	smov.u32 s20  }
0x17b: {  	s8 =	smov.u32 @p1 s9  }
0x17c: {  	p1 =	slt.s32 s29, $0x26E8;
	s9 =	smov.u32 s29;
	s8 =	ssub.s32 s8, s10  }
0x17d: {  	s9 =	simm.s32 @!p1 $0x26E8;
	p1 =	sge.s32 s12, s8  }
.Ltmp20:
0x17e: {  	_ = 	snop;
	(pc) =	sbr.rel @p1 .LBB2_30-.Ltmp20, $3  }
0x17f: {  	_ =	sdelay $0x1  }
0x180: {  	s15 =	smov.u32 s11;
	p2 =	sgt.s32 s29, s11  }
0x181: {  	s15 =	smov.u32 @p2 s29;
	s9 =	sshll.u32 s9, $0x9  }
0x182: {  	s13 =	sshll.u32 s15, $0x9  }
0x183: {  	s13 =	ssub.s32 s13, s9  }
0x184: {  	s13 =	sshra.s32 s13, $0x2  }
0x185: {  	s13 =	sadd.s32 $0x52B8, s13  }
0x186: {  	v24 =	vld [tilespmem:s13+$0x30]  }
0x187: {  	s12 =	sadd.s32 $0x1, s12;
	v25 =	vld [tilespmem:s13+$0xFFFFFFD0]  }
0x188: {  	p1 =	slt.s32 s12, s8;
	v26 =	vld [tilespmem:s13+$0xFFFFFFE0]  }
.Ltmp21:
0x189: {  	v22 =	vld [tilespmem:s13+$0xFFFFFFF0];
	(pc) =	sbr.rel @!p1 .LBB2_29-.Ltmp21, $4  }
0x18a: {  	v21 =	vld [tilespmem:s13+$0x0]  }
0x18b: {  	v23 =	vld [tilespmem:s13+$0x10]  }
0x18c: {  	v9 =	vadd.f32 v24, v9;
	v24 =	vld [tilespmem:s13+$0x20]  }
0x18d: {  	v19 =	vadd.f32 v25, v19;
	v25 =	vld [tilespmem:s13+$0xFFFFFFC0];
	v18 =	vadd.f32 v26, v18;
	s13 =	sadd.s32 $0x80, s13  }
.LBB2_28:
0x18e: {  	v26 =	vld [tilespmem:s13+$0x30];
	s12 =	sadd.s32 $0x1, s12;
	v17 =	vadd.f32 v22, v17  }
0x18f: {  	v27 =	vld [tilespmem:s13+$0xFFFFFFD0];
	p1 =	slt.s32 s12, s8;
	v15 =	vadd.f32 v21, v15  }
0x190: {  	v28 =	vld [tilespmem:s13+$0xFFFFFFE0];
	v13 =	vadd.f32 v23, v13  }
.Ltmp22:
0x191: {  	v22 =	vld [tilespmem:s13+$0xFFFFFFF0];
	v11 =	vadd.f32 v24, v11;
	(pc) =	sbr.rel @p1 .LBB2_28-.Ltmp22, $4  }
0x192: {  	v21 =	vld [tilespmem:s13+$0x0];
	v20 =	vadd.f32 v25, v20  }
0x193: {  	v23 =	vld [tilespmem:s13+$0x10];
	v9 =	vadd.f32 v26, v9  }
0x194: {  	v19 =	vadd.f32 v27, v19;
	v24 =	vld [tilespmem:s13+$0x20]  }
0x195: {  	v25 =	vld [tilespmem:s13+$0xFFFFFFC0];
	v18 =	vadd.f32 v28, v18;
	s13 =	sadd.s32 $0x80, s13  }
.LBB2_29:
0x196: {  	_ =	sdelay $0x1  }
0x197: {  	v17 =	vadd.f32 v22, v17  }
0x198: {  	v15 =	vadd.f32 v21, v15;
	v13 =	vadd.f32 v23, v13  }
0x199: {  	v11 =	vadd.f32 v24, v11;
	v20 =	vadd.f32 v25, v20  }
.LBB2_30:
0x19a: {  	s10 =	ssub.s32 s20, s10  }
0x19b: {  	p1 =	sge.s32 s8, s10  }
.Ltmp23:
0x19c: {  	_ = 	snop;
	(pc) =	sbr.rel @p1 .LBB2_34-.Ltmp23, $1  }
0x19d: {  	_ =	sdelay $0x3  }
0x19e: {  	p1 =	sgt.s32 s15, s23;
	s12 =	smov.u32 s23  }
0x19f: {  	s12 =	smov.u32 @p1 s15  }
0x1a0: {  	s13 =	smov.u32 s31;
	p1 =	slt.s32 s12, s31  }
0x1a1: {  	s13 =	smov.u32 @p1 s12  }
0x1a2: {  	s12 =	smov.u32 s22;
	p1 =	slt.s32 s13, s22  }
0x1a3: {  	s12 =	smov.u32 @p1 s13  }
0x1a4: {  	s12 =	sshll.u32 s12, $0x9  }
0x1a5: {  	s9 =	ssub.s32 s12, s9  }
0x1a6: {  	s9 =	sshra.s32 s9, $0x2  }
0x1a7: {  	s9 =	sadd.s32 $0x52B8, s9  }
0x1a8: {  	v24 =	vld [tilespmem:s9+$0x30]  }
0x1a9: {  	s8 =	sadd.s32 $0x1, s8;
	v25 =	vld [tilespmem:s9+$0xFFFFFFD0]  }
0x1aa: {  	p1 =	slt.s32 s8, s10;
	v26 =	vld [tilespmem:s9+$0xFFFFFFE0]  }
.Ltmp24:
0x1ab: {  	v22 =	vld [tilespmem:s9+$0xFFFFFFF0];
	(pc) =	sbr.rel @!p1 .LBB2_33-.Ltmp24, $4  }
0x1ac: {  	v21 =	vld [tilespmem:s9+$0x0]  }
0x1ad: {  	v23 =	vld [tilespmem:s9+$0x10]  }
0x1ae: {  	v5 =	vadd.f32 v24, v5;
	v24 =	vld [tilespmem:s9+$0x20]  }
0x1af: {  	v14 =	vadd.f32 v25, v14;
	v25 =	vld [tilespmem:s9+$0xFFFFFFC0];
	v12 =	vadd.f32 v26, v12;
	s9 =	sadd.s32 $0x80, s9  }
.LBB2_32:
0x1b0: {  	v26 =	vld [tilespmem:s9+$0x30];
	s8 =	sadd.s32 $0x1, s8;
	v10 =	vadd.f32 v22, v10  }
0x1b1: {  	v27 =	vld [tilespmem:s9+$0xFFFFFFD0];
	p1 =	slt.s32 s8, s10;
	v8 =	vadd.f32 v21, v8  }
0x1b2: {  	v28 =	vld [tilespmem:s9+$0xFFFFFFE0];
	v7 =	vadd.f32 v23, v7  }
.Ltmp25:
0x1b3: {  	v22 =	vld [tilespmem:s9+$0xFFFFFFF0];
	v6 =	vadd.f32 v24, v6;
	(pc) =	sbr.rel @p1 .LBB2_32-.Ltmp25, $4  }
0x1b4: {  	v21 =	vld [tilespmem:s9+$0x0];
	v16 =	vadd.f32 v25, v16  }
0x1b5: {  	v23 =	vld [tilespmem:s9+$0x10];
	v5 =	vadd.f32 v26, v5  }
0x1b6: {  	v14 =	vadd.f32 v27, v14;
	v24 =	vld [tilespmem:s9+$0x20]  }
0x1b7: {  	v25 =	vld [tilespmem:s9+$0xFFFFFFC0];
	v12 =	vadd.f32 v28, v12;
	s9 =	sadd.s32 $0x80, s9  }
.LBB2_33:
0x1b8: {  	_ =	sdelay $0x1  }
0x1b9: {  	v10 =	vadd.f32 v22, v10  }
0x1ba: {  	v8 =	vadd.f32 v21, v8;
	v7 =	vadd.f32 v23, v7  }
0x1bb: {  	v6 =	vadd.f32 v24, v6;
	v16 =	vadd.f32 v25, v16  }
.LBB2_34:
0x1bc: {  	s8 =	sadd.s32 $0xF0, s19  }
0x1bd: {  	_ =	swait.ge [sflag:s18], $0x1400;
	s9 =	simm.s32 $0x5278;
	p1 =	slt.s32 s8, $0x26E8  }
0x1be: {  	[sflag:s18] =	ssyncset.done $0x0;
	s8 =	simm.s32 @!p1 $0x26E8;
	p1 =	sgt.s32 s11, s2  }
0x1bf: {  	[sflag:s18] =	ssyncadd.s32 $0xFFFFEC00;
	s8 =	sshll.u32 s8, $0x4;
	s2 =	smov.u32 @p1 s11  }
0x1c0: {  	p1 =	slt.s32 s22, s7;
	s8 =	sadd.s32 s1, s8;
	p2 =	sgt.s32 s23, s2  }
0x1c1: {  	[tilespmem:s9], [sflag:$0x3] =	stream.linear.gather [hbm4b:s8+s4], $0x1400, $0x38;
	[tilespmem:$0x7B78] =	vst v63  }
0x1c2: {  	s10 =	ssub.s32 s2, s3;
	s7 =	smov.u32 @p1 s22;
	s2 =	smov.u32 @p2 s23  }
0x1c3: {  	s8 =	smov.u32 s7;
	p1 =	slt.s32 s2, s7  }
0x1c4: {  	s8 =	smov.u32 @p1 s2  }
0x1c5: {  	s12 =	smov.u32 s31;
	p1 =	slt.s32 s31, $0x26E8;
	s2 =	ssub.s32 s8, s3  }
0x1c6: {  	s12 =	simm.s32 @!p1 $0x26E8;
	p1 =	sge.s32 s10, s2  }
.Ltmp26:
0x1c7: {  	_ = 	snop;
	(pc) =	sbr.rel @p1 .LBB2_38-.Ltmp26, $3  }
0x1c8: {  	_ =	sdelay $0x1  }
0x1c9: {  	p2 =	sgt.s32 s31, s11;
	s9 =	smov.u32 s11  }
0x1ca: {  	s9 =	smov.u32 @p2 s31;
	s8 =	sshll.u32 s12, $0x9  }
0x1cb: {  	s12 =	sshll.u32 s9, $0x9  }
0x1cc: {  	s12 =	ssub.s32 s12, s8  }
0x1cd: {  	s12 =	sshra.s32 s12, $0x2  }
0x1ce: {  	s12 =	sadd.s32 $0x66B8, s12  }
0x1cf: {  	v24 =	vld [tilespmem:s12+$0x30]  }
0x1d0: {  	s10 =	sadd.s32 $0x1, s10;
	v25 =	vld [tilespmem:s12+$0xFFFFFFD0]  }
0x1d1: {  	p1 =	slt.s32 s10, s2;
	v26 =	vld [tilespmem:s12+$0xFFFFFFE0]  }
.Ltmp27:
0x1d2: {  	v22 =	vld [tilespmem:s12+$0xFFFFFFF0];
	(pc) =	sbr.rel @!p1 .LBB2_37-.Ltmp27, $4  }
0x1d3: {  	v21 =	vld [tilespmem:s12+$0x0]  }
0x1d4: {  	v23 =	vld [tilespmem:s12+$0x10]  }
0x1d5: {  	v9 =	vadd.f32 v24, v9;
	v24 =	vld [tilespmem:s12+$0x20]  }
0x1d6: {  	v19 =	vadd.f32 v25, v19;
	v25 =	vld [tilespmem:s12+$0xFFFFFFC0];
	v18 =	vadd.f32 v26, v18;
	s12 =	sadd.s32 $0x80, s12  }
.LBB2_36:
0x1d7: {  	v26 =	vld [tilespmem:s12+$0x30];
	s10 =	sadd.s32 $0x1, s10;
	v17 =	vadd.f32 v22, v17  }
0x1d8: {  	v27 =	vld [tilespmem:s12+$0xFFFFFFD0];
	p1 =	slt.s32 s10, s2;
	v15 =	vadd.f32 v21, v15  }
0x1d9: {  	v28 =	vld [tilespmem:s12+$0xFFFFFFE0];
	v13 =	vadd.f32 v23, v13  }
.Ltmp28:
0x1da: {  	v22 =	vld [tilespmem:s12+$0xFFFFFFF0];
	v11 =	vadd.f32 v24, v11;
	(pc) =	sbr.rel @p1 .LBB2_36-.Ltmp28, $4  }
0x1db: {  	v21 =	vld [tilespmem:s12+$0x0];
	v20 =	vadd.f32 v25, v20  }
0x1dc: {  	v23 =	vld [tilespmem:s12+$0x10];
	v9 =	vadd.f32 v26, v9  }
0x1dd: {  	v19 =	vadd.f32 v27, v19;
	v24 =	vld [tilespmem:s12+$0x20]  }
0x1de: {  	v25 =	vld [tilespmem:s12+$0xFFFFFFC0];
	v18 =	vadd.f32 v28, v18;
	s12 =	sadd.s32 $0x80, s12  }
.LBB2_37:
0x1df: {  	_ =	sdelay $0x1  }
0x1e0: {  	v17 =	vadd.f32 v22, v17  }
0x1e1: {  	v15 =	vadd.f32 v21, v15;
	v13 =	vadd.f32 v23, v13  }
0x1e2: {  	v11 =	vadd.f32 v24, v11;
	v20 =	vadd.f32 v25, v20  }
.LBB2_38:
0x1e3: {  	s3 =	ssub.s32 s7, s3  }
0x1e4: {  	p1 =	sge.s32 s2, s3  }
.Ltmp29:
0x1e5: {  	_ = 	snop;
	(pc) =	sbr.rel @p1 .LBB2_42-.Ltmp29, $1  }
0x1e6: {  	_ =	sdelay $0x3  }
0x1e7: {  	p1 =	sgt.s32 s9, s23;
	s7 =	smov.u32 s23  }
0x1e8: {  	s7 =	smov.u32 @p1 s9  }
0x1e9: {  	s9 =	smov.u32 s0;
	p1 =	slt.s32 s7, s0  }
0x1ea: {  	s9 =	smov.u32 @p1 s7  }
0x1eb: {  	s7 =	smov.u32 s22;
	p1 =	slt.s32 s9, s22  }
0x1ec: {  	s7 =	smov.u32 @p1 s9  }
0x1ed: {  	s7 =	sshll.u32 s7, $0x9  }
0x1ee: {  	s7 =	ssub.s32 s7, s8  }
0x1ef: {  	s7 =	sshra.s32 s7, $0x2  }
0x1f0: {  	s7 =	sadd.s32 $0x66B8, s7  }
0x1f1: {  	v24 =	vld [tilespmem:s7+$0x30]  }
0x1f2: {  	v25 =	vld [tilespmem:s7+$0xFFFFFFD0]  }
0x1f3: {  	s2 =	sadd.s32 $0x1, s2;
	v26 =	vld [tilespmem:s7+$0xFFFFFFE0]  }
0x1f4: {  	p1 =	slt.s32 s2, s3;
	v22 =	vld [tilespmem:s7+$0xFFFFFFF0]  }
.Ltmp30:
0x1f5: {  	v21 =	vld [tilespmem:s7+$0x0];
	(pc) =	sbr.rel @!p1 .LBB2_41-.Ltmp30, $4  }
0x1f6: {  	v23 =	vld [tilespmem:s7+$0x10]  }
0x1f7: {  	v5 =	vadd.f32 v24, v5;
	v24 =	vld [tilespmem:s7+$0x20]  }
0x1f8: {  	v14 =	vadd.f32 v25, v14;
	v25 =	vld [tilespmem:s7+$0xFFFFFFC0]  }
0x1f9: {  	v12 =	vadd.f32 v26, v12;
	s7 =	sadd.s32 $0x80, s7  }
.LBB2_40:
0x1fa: {  	v26 =	vld [tilespmem:s7+$0x30];
	s2 =	sadd.s32 $0x1, s2;
	v10 =	vadd.f32 v22, v10  }
0x1fb: {  	v8 =	vadd.f32 v21, v8;
	v27 =	vld [tilespmem:s7+$0xFFFFFFD0];
	p1 =	slt.s32 s2, s3  }
0x1fc: {  	v7 =	vadd.f32 v23, v7;
	v28 =	vld [tilespmem:s7+$0xFFFFFFE0]  }
.Ltmp31:
0x1fd: {  	v6 =	vadd.f32 v24, v6;
	v22 =	vld [tilespmem:s7+$0xFFFFFFF0];
	(pc) =	sbr.rel @p1 .LBB2_40-.Ltmp31, $4  }
0x1fe: {  	v16 =	vadd.f32 v25, v16;
	v21 =	vld [tilespmem:s7+$0x0]  }
0x1ff: {  	v23 =	vld [tilespmem:s7+$0x10];
	v5 =	vadd.f32 v26, v5  }
0x200: {  	v14 =	vadd.f32 v27, v14;
	v24 =	vld [tilespmem:s7+$0x20]  }
0x201: {  	v25 =	vld [tilespmem:s7+$0xFFFFFFC0];
	v12 =	vadd.f32 v28, v12;
	s7 =	sadd.s32 $0x80, s7  }
.Ltmp32:
0x202: {  	_ = 	snop;
	(pc) =	sbr.rel .LBB2_41-.Ltmp32, $1  }
0x203: {  	_ =	sdelay $0x3  }
.LBB2_8:
0x204: {  	v5 =	vimm.f32 $0.0e+00  }
.Ltmp33:
0x205: {  	v6 =	vimm.f32 $0.0e+00;
	v7 =	vimm.f32 $0.0e+00;
	v8 =	vimm.f32 $0.0e+00;
	(pc) =	sbr.rel .LBB2_44-.Ltmp33, $4  }
0x206: {  	v10 =	vimm.f32 $0.0e+00;
	v12 =	vimm.f32 $0.0e+00;
	v14 =	vimm.f32 $0.0e+00  }
0x207: {  	v16 =	vimm.f32 $0.0e+00;
	v9 =	vimm.f32 $0.0e+00;
	v11 =	vimm.f32 $0.0e+00  }
0x208: {  	v13 =	vimm.f32 $0.0e+00;
	v15 =	vimm.f32 $0.0e+00;
	v17 =	vimm.f32 $0.0e+00  }
0x209: {  	v18 =	vimm.f32 $0.0e+00;
	v19 =	vimm.f32 $0.0e+00;
	v20 =	vimm.f32 $0.0e+00  }
.LBB2_45:
0x20a: {  	_ =	sfence.sel $0x180000  }
0x20b: {  	[bflag:$0x0] =	sbarrier.arrive $0xFFFF  }
0x20c: {  	_ =	strace $0x90000047  }
0x20d: {  	[bflag:$0x2] =	sbarrier.arrive $0xFFFF  }
0x20e: {  	s0 =	rddreg [dreg:$0x4]  }
0x20f: {  	s0 =	sadd.s32 @!p0 $0x100000, s0  }
0x210: {  	[sflag:s0] =	ssyncadd.tile.s32 @!p0 $0x1;
	_ =	shalt  }
.Lfunc_end2:
_tile_overlayer_lowered:
.L_overlay_start_2:
0x211: {  	(tag) =	ssettag $0x2  }
0x212: {  	s0 =	rddreg [dreg:$0x0];
	s2 =	stileid.u32  }
0x213: {  	s1 =	rddreg [dreg:$0x1];
	p0 =	sne.s32 s2, $0x0  }
0x214: {  	s3 =	rddreg [dreg:$0x2];
	[bflag:$0x3] =	sbarrier.arrive $0xFFFF;
	s2 =	simm.s32 @!p0 $0x1C05  }
0x215: {  	[timem:s3], [sflag:s2] =	dma.local @!p0 [hbm:s0], s1  }
0x216: {  	s0 =	simm.s32 @!p0 $0x5  }
0x217: {  	_ =	swait.ge @!p0 [sflag:s0], s1  }
0x218: {  	s1 =	ssub.s32 @!p0 $0x0, s1;
	[sflag:s0] =	ssyncset.done @!p0 $0x0  }
0x219: {  	[sflag:s0] =	ssyncadd.s32 @!p0 s1  }
0x21a: {  	[bflag:$0x3] =	sbarrier.arrive $0xFFFF  }
0x21b: {  	_ =	shalt  }

</sc_bundles>
